<compile_context>
chip_gen: v7x
topology: tpu7x:2x2x1
jax: 0.10.2.dev20260603
libtpu: 0.0.44.dev20260713+nightly
codegen_flags: <defaults>
</compile_context>

<pallas_src>
import jax
import jax.numpy as jnp
from jax import lax
from jax.experimental import pallas as pl
from jax.experimental.pallas import tpu as pltpu, tpu_sc as plsc

_B = 8
_N = 4096
_M = 2048
_CH = _N // 16
_HB = 16
_NB = 1 << _HB
_MUL = -1640531527
_MUL2 = -2048144789

_mesh = plsc.VectorSubcoreMesh(core_axis_name="c", subcore_axis_name="s")

_SCRATCH = [
    pltpu.VMEM((_N,), jnp.float32),
    pltpu.VMEM((_N,), jnp.int32),
    pltpu.VMEM((_N,), jnp.int32),
    pltpu.VMEM((_N,), jnp.int32),
    pltpu.VMEM((256,), jnp.int32),
    pltpu.VMEM((256,), jnp.int32),
    pltpu.VMEM((_NB,), jnp.int32),
    pltpu.VMEM((_N,), jnp.int32),
    pltpu.SemaphoreType.DMA,
]


def _sc_body(scores_hbm, out_hbm,
             x_v, key_v, ha_v, hb_v, c1_v, c2_v, tbl_v, out_v, sem_x):
    wid = lax.axis_index("s") * 2 + lax.axis_index("c")

    @pl.when(wid < _B)
    def _():
        cx = pltpu.async_copy(scores_hbm.at[wid], x_v, sem_x)
        lanes = lax.iota(jnp.int32, 16)
        ones = jnp.ones((16,), jnp.int32)
        zeros16 = jnp.zeros((16,), jnp.int32)

        @plsc.parallel_loop(0, _CH, unroll=2)
        def zbody(i):
            o = i * 16
            ha_v[pl.ds(o, 16)] = zeros16

        for k in range(16):
            c1_v[pl.ds(k * 16, 16)] = zeros16
        cx.wait()

        @plsc.parallel_loop(0, _CH, unroll=2)
        def kbody(i):
            o = i * 16
            xx = x_v[pl.ds(o, 16)] + jnp.float32(0.0)
            bb = lax.bitcast_convert_type(xx, jnp.int32)
            kk = bb ^ ((bb >> 31) & 0x7FFFFFFF)
            key_v[pl.ds(o, 16)] = kk
            plsc.addupdate_scatter(ha_v, [(kk >> 20) + 2048], ones)
            plsc.addupdate_scatter(c1_v, [(kk >> 24) + 128], ones)

        def msbody(i, _):
            for k in range(3, -1, -1):
                o = (_CH // 4 - 1 - i) * 64 + k * 16
                kk = key_v[pl.ds(o, 16)]
                hh = ((kk * jnp.int32(_MUL)) >> 16) & (_NB - 1)
                tag = (kk * jnp.int32(_MUL2)) & jnp.int32(-4096)
                plsc.store_scatter(tbl_v, [hh], tag | (lanes + o))
                hb_v[pl.ds(o, 16)] = zeros16
            return 0

        lax.fori_loop(0, _CH // 4, msbody, 0)
        for k in range(16):
            c2_v[pl.ds(k * 16, 16)] = zeros16

        def select_level(ref, nch, thresh):
            def sb(i, carry):
                tot, bmax = carry
                for k in range(4):
                    o = i * 64 + k * 16
                    h = ref[pl.ds(o, 16)]
                    pi = plsc.cumsum(h) + tot
                    pe = pi - h
                    cand = jnp.where(pe <= thresh, lanes + o, -1)
                    ref[pl.ds(o, 16)] = pi
                    tot = tot + jnp.sum(h)
                    bmax = jnp.maximum(bmax, jnp.max(cand))
                return tot, bmax

            _, b = lax.fori_loop(0, nch // 4, sb,
                                 (jnp.int32(0), jnp.int32(-1)))
            idx = jnp.maximum(jnp.full((16,), b, jnp.int32) - lanes, 0)
            two = plsc.load_gather(ref, [idx])
            pi_b = jnp.max(two)
            pi_bm1 = jnp.where(b > 0,
                               jnp.max(jnp.where(lanes == 1, two, 0)), 0)
            return b, pi_b, pi_bm1

        def select_2level(coarse, fine, thresh):
            cb_, _pc, pcb = select_level(coarse, 16, thresh)
            h = fine[pl.ds(cb_ * 16, 16)]
            pi = plsc.cumsum(h) + pcb
            pe = pi - h
            l = jnp.max(jnp.where(pe <= thresh, lanes, -1))
            b = cb_ * 16 + l
            pi_b = jnp.max(jnp.where(lanes == l, pi, 0))
            pi_bm1 = jnp.max(jnp.where(lanes == l, pe, 0))
            return b, pi_b, pi_bm1

        b1, pi1b, _pi1m = select_2level(c1_v, ha_v, jnp.int32(_N - _M))
        r1 = jnp.int32(_M - _N) + pi1b
        t1 = pi1b - _pi1m

        @plsc.parallel_loop(0, _CH, unroll=2)
        def h2body(i):
            o = i * 16
            kk = key_v[pl.ds(o, 16)]
            m1 = ((kk >> 20) + 2048) == b1
            plsc.addupdate_scatter(hb_v, [(kk >> 8) & 0xFFF], ones, mask=m1)
            plsc.addupdate_scatter(c2_v, [(kk >> 12) & 0xFF], ones, mask=m1)
            plsc.store_scatter(ha_v, [(kk >> 8) & 0xFFF], lanes + o, mask=m1)

        b2, pi2b, _pi2m = select_2level(c2_v, hb_v, t1 - r1)
        r2 = r1 - (t1 - pi2b)
        t2 = pi2b - _pi2m

        @pl.when(t2 == 1)
        def _tfast():
            mi = jnp.max(plsc.load_gather(
                ha_v, [jnp.full((16,), b2, jnp.int32)]))
            mk = jnp.max(plsc.load_gather(
                key_v, [jnp.full((16,), mi, jnp.int32)]))
            c1_v[pl.ds(0, 16)] = jnp.full((16,), 0, jnp.int32) + mk

        @pl.when(t2 > 1)
        def _tslow():
            for k in range(16):
                ha_v[pl.ds(k * 16, 16)] = zeros16

            def h3body(i, _):
                for k in range(4):
                    o = i * 64 + k * 16
                    kk = key_v[pl.ds(o, 16)]
                    m2 = ((((kk >> 20) + 2048) == b1)
                          & (((kk >> 8) & 0xFFF) == b2))
                    plsc.addupdate_scatter(ha_v, [kk & 0xFF], ones, mask=m2)
                return 0

            lax.fori_loop(0, _CH // 4, h3body, 0)
            b3, _, _ = select_level(ha_v, 16, t2 - r2)
            tk = ((b1 - 2048) << 20) | (b2 << 8) | b3
            c1_v[pl.ds(0, 16)] = jnp.full((16,), 0, jnp.int32) + tk

        t_key = jnp.max(c1_v[pl.ds(0, 16)])

        hbt = ((t_key * jnp.int32(_MUL)) >> 16) & (_NB - 1)
        cand16 = plsc.load_gather(tbl_v, [jnp.full((16,), hbt, jnp.int32)])
        cand = jnp.max(cand16) & 0xFFF
        cbase = (cand >> 4) * 16
        ck16 = key_v[pl.ds(cbase, 16)]
        ckey = jnp.max(jnp.where(lanes == cand - cbase, ck16,
                                 jnp.int32(-0x80000000)))
        tmin = jnp.min(jnp.where(ck16 == t_key, lanes + cbase, _N))
        hb_v[pl.ds(0, 16)] = jnp.full((16,), tmin, jnp.int32)

        @pl.when(ckey != t_key)
        def _fallback():
            def fb(i, mn):
                for k in range(4):
                    o = i * 64 + k * 16
                    kk = key_v[pl.ds(o, 16)]
                    mn = jnp.minimum(
                        mn, jnp.min(jnp.where(kk == t_key, lanes + o, _N)))
                return mn
            mn = lax.fori_loop(0, _CH // 4, fb, jnp.int32(_N))
            hb_v[pl.ds(0, 16)] = jnp.full((16,), 0, jnp.int32) + mn

        t_vec = hb_v[pl.ds(0, 16)]

        @plsc.parallel_loop(0, _CH, unroll=2)
        def rbody(i):
            o = i * 16
            kk = key_v[pl.ds(o, 16)]
            ii = lanes + o
            hh = ((kk * jnp.int32(_MUL)) >> 16) & (_NB - 1)
            p = plsc.load_gather(tbl_v, [hh])
            tag = (kk * jnp.int32(_MUL2)) & jnp.int32(-4096)
            cnd = p & 0xFFF
            mineq = jnp.where((p & jnp.int32(-4096)) == tag,
                              jnp.minimum(ii, cnd), ii)
            out_v[pl.ds(o, 16)] = jnp.where(kk > t_key, mineq, t_vec)

        pltpu.sync_copy(out_v, out_hbm.at[wid])


_sc = pl.kernel(
    _sc_body,
    out_type=jax.ShapeDtypeStruct((_B, _N), jnp.int32),
    mesh=_mesh,
    scratch_types=_SCRATCH,
    compiler_params=pltpu.CompilerParams(needs_layout_passes=False),
)


def kernel(scores):
    return _sc(scores)

# --- scband reference (transcript-rebuilt; emitter-appended) ---
"""Pipeline reference for scband-ref-slice-soft-sort-52080773431755 (READ-ONLY COPY).

The authoritative reference and input builder live on the scoring server;
editing this copy changes nothing except your own understanding.
"""

import jax, jax.numpy as jnp
import numpy as np

M = 2048
TAU = 1.0
HARD = False
SLICE_LEN = 4096


def setup_inputs(seed: int = 0) -> dict:
    key = jax.random.key(seed)
    scores = jax.random.normal(key, (8, 4096), dtype=jnp.float32)
    return {"scores": scores}


def reference(scores):
    B, n = scores.shape
    m = min(M, n)
    # global top-m reference values / indices (sorted descending, like torch.topk)
    ref_val, ref_idx = jax.lax.top_k(scores, m)  # (B, m), (B, m)
    perm_parts = []
    for start in range(0, n, SLICE_LEN):
        stop = min(start + SLICE_LEN, n)
        slice_scores = scores[:, start:stop]  # (B, s)
        # pairwise: (B, s, m)
        pairwise = -jnp.abs(slice_scores[:, :, None] - ref_val[:, None, :]) / TAU
        P_hat = jax.nn.softmax(pairwise, axis=-1)
        if HARD:
            top1 = jnp.argmax(P_hat, axis=-1, keepdims=True)
            hard_mask = jnp.zeros_like(P_hat)
            hard_mask = jnp.take_along_axis(
                jnp.zeros_like(P_hat), top1, axis=-1
            )  # placeholder, replaced below
            hard_mask = jnp.zeros_like(P_hat).at[
                jnp.arange(P_hat.shape[0])[:, None, None],
                jnp.arange(P_hat.shape[1])[None, :, None],
                top1,
            ].set(1.0)
            P_hat = jax.lax.stop_gradient(hard_mask - P_hat) + P_hat
        # _build_perm is under torch.no_grad -> stop_gradient
        P_ng = jax.lax.stop_gradient(P_hat)
        col_rank = jnp.argmax(P_ng, axis=-1)  # (B, s)
        perm_slice = jnp.take_along_axis(ref_idx, col_rank, axis=1)  # (B, s)
        perm_parts.append(perm_slice)
    perm = jnp.concatenate(perm_parts, axis=1)  # (B, n) int
    return perm

if __name__ == "__main__":
    import jax
    _d = setup_inputs()
    print(jax.jit(kernel)(*tuple(_d.values())))

</pallas_src>

<mosaic_0001>
#map = affine_map<(d0, d1) -> (0, 0)>
module attributes {stable_mosaic.version = 14 : i64} {
  func.func @_sc_body(%arg0: i32, %arg1: i32, %arg2: memref<8x4096xf32, #tpu.memory_space<hbm>>, %arg3: memref<8x4096xi32, #tpu.memory_space<hbm>>, %arg4: memref<4096xf32, #tpu.memory_space<vmem>>, %arg5: memref<4096xi32, #tpu.memory_space<vmem>>, %arg6: memref<4096xi32, #tpu.memory_space<vmem>>, %arg7: memref<4096xi32, #tpu.memory_space<vmem>>, %arg8: memref<256xi32, #tpu.memory_space<vmem>>, %arg9: memref<256xi32, #tpu.memory_space<vmem>>, %arg10: memref<65536xi32, #tpu.memory_space<vmem>>, %arg11: memref<4096xi32, #tpu.memory_space<vmem>>, %arg12: memref<!tpu.dma_semaphore, #tpu.memory_space<semaphore_mem>>) attributes {dimension_semantics = [#tpu.dimension_semantics<core_parallel>, #tpu.dimension_semantics<subcore_parallel>], iteration_bounds = array<i64: 2, 16>, scalar_prefetch = 0 : i64, scratch_operands = 9 : i64, tpu.core_type = #tpu.core_type<sc_vector_subcore>, window_params = [{transform_indices = #map}, {transform_indices = #map}]} {
    %mul3A = arith.constant 2 : i32
    %mul3A_0 = arith.muli %arg1, %mul3A : i32
    %add3A = arith.addi %mul3A_0, %arg0 : i32
    %lt3A = arith.constant 8 : i32
    %lt3A_1 = arith.cmpi slt, %add3A, %lt3A : i32
    %convert_element_type3A = arith.extui %lt3A_1 : i1 to i32
    %cond3A = arith.constant 0 : i32
    %cond3A_2 = arith.cmpi ne, %convert_element_type3A, %cond3A : i32
    scf.if %cond3A_2 {
      %dma_start3A = arith.constant 0 : i32
      %dma_start3A_3 = tpu.memref_slice %arg2[%add3A, %dma_start3A] : memref<8x4096xf32, #tpu.memory_space<hbm>> -> memref<1x4096xf32, #tpu.memory_space<hbm>>
      %dma_start3A_4 = tpu.memref_squeeze %dma_start3A_3 : memref<1x4096xf32, #tpu.memory_space<hbm>> -> memref<4096xf32, #tpu.memory_space<hbm>>
      %dma_start3A_5 = arith.constant 0 : i32
      %dma_start3A_6 = tpu.memref_slice %arg2[%add3A, %dma_start3A_5] : memref<8x4096xf32, #tpu.memory_space<hbm>> -> memref<1x4096xf32, #tpu.memory_space<hbm>>
      %dma_start3A_7 = tpu.memref_squeeze %dma_start3A_6 : memref<1x4096xf32, #tpu.memory_space<hbm>> -> memref<4096xf32, #tpu.memory_space<hbm>>
      tpu.enqueue_dma source(%dma_start3A_7 : memref<4096xf32, #tpu.memory_space<hbm>>) target(%arg4 : memref<4096xf32, #tpu.memory_space<vmem>>) target_semaphore(%arg12 : memref<!tpu.dma_semaphore, #tpu.memory_space<semaphore_mem>>)
      %iota3A = tpu.iota {dimensions = array<i32: 0>} : vector<16xi32>
      %broadcast_in_dim3A = arith.constant 1 : i32
      %broadcast_in_dim3A_8 = vector.broadcast %broadcast_in_dim3A : i32 to vector<16xi32>
      %broadcast_in_dim3A_9 = arith.constant 0 : i32
      %broadcast_in_dim3A_10 = vector.broadcast %broadcast_in_dim3A_9 : i32 to vector<16xi32>
      %parallel_loop3A = arith.constant 0 : i32
      %parallel_loop3A_11 = arith.constant 256 : i32
      %parallel_loop3A_12 = arith.constant 1 : i32
      scf.for %parallel_loop3A_356 = %parallel_loop3A to %parallel_loop3A_11 step %parallel_loop3A_12  : i32 {
        %parallel_loop3A_357 = arith.constant 16 : i32
        %parallel_loop3A_358 = arith.muli %parallel_loop3A_356, %parallel_loop3A_357 : i32
        %parallel_loop3A_359 = arith.index_cast %parallel_loop3A_358 : i32 to index
        %parallel_loop3A_360 = tpu.vector_load %arg6[%parallel_loop3A_359] {strides = array<i32>} : memref<4096xi32, #tpu.memory_space<vmem>>, vector<16xi32>,
        tpu.vector_store %arg6[%parallel_loop3A_359], %broadcast_in_dim3A_10 {strides = array<i32>} : memref<4096xi32, #tpu.memory_space<vmem>>, vector<16xi32>,
      } {sc.loop_unroll_factor = 2 : i64, sc.parallel_access}
      %swap3A = arith.constant 0 : index
      %swap3A_13 = tpu.vector_load %arg8[%swap3A] {strides = array<i32>} : memref<256xi32, #tpu.memory_space<vmem>>, vector<16xi32>,
      tpu.vector_store %arg8[%swap3A], %broadcast_in_dim3A_10 {strides = array<i32>} : memref<256xi32, #tpu.memory_space<vmem>>, vector<16xi32>,
      %swap3A_14 = arith.constant 16 : index
      %swap3A_15 = tpu.vector_load %arg8[%swap3A_14] {strides = array<i32>} : memref<256xi32, #tpu.memory_space<vmem>>, vector<16xi32>,
      tpu.vector_store %arg8[%swap3A_14], %broadcast_in_dim3A_10 {strides = array<i32>} : memref<256xi32, #tpu.memory_space<vmem>>, vector<16xi32>,
      %swap3A_16 = arith.constant 32 : index
      %swap3A_17 = tpu.vector_load %arg8[%swap3A_16] {strides = array<i32>} : memref<256xi32, #tpu.memory_space<vmem>>, vector<16xi32>,
      tpu.vector_store %arg8[%swap3A_16], %broadcast_in_dim3A_10 {strides = array<i32>} : memref<256xi32, #tpu.memory_space<vmem>>, vector<16xi32>,
      %swap3A_18 = arith.constant 48 : index
      %swap3A_19 = tpu.vector_load %arg8[%swap3A_18] {strides = array<i32>} : memref<256xi32, #tpu.memory_space<vmem>>, vector<16xi32>,
      tpu.vector_store %arg8[%swap3A_18], %broadcast_in_dim3A_10 {strides = array<i32>} : memref<256xi32, #tpu.memory_space<vmem>>, vector<16xi32>,
      %swap3A_20 = arith.constant 64 : index
      %swap3A_21 = tpu.vector_load %arg8[%swap3A_20] {strides = array<i32>} : memref<256xi32, #tpu.memory_space<vmem>>, vector<16xi32>,
      tpu.vector_store %arg8[%swap3A_20], %broadcast_in_dim3A_10 {strides = array<i32>} : memref<256xi32, #tpu.memory_space<vmem>>, vector<16xi32>,
      %swap3A_22 = arith.constant 80 : index
      %swap3A_23 = tpu.vector_load %arg8[%swap3A_22] {strides = array<i32>} : memref<256xi32, #tpu.memory_space<vmem>>, vector<16xi32>,
      tpu.vector_store %arg8[%swap3A_22], %broadcast_in_dim3A_10 {strides = array<i32>} : memref<256xi32, #tpu.memory_space<vmem>>, vector<16xi32>,
      %swap3A_24 = arith.constant 96 : index
      %swap3A_25 = tpu.vector_load %arg8[%swap3A_24] {strides = array<i32>} : memref<256xi32, #tpu.memory_space<vmem>>, vector<16xi32>,
      tpu.vector_store %arg8[%swap3A_24], %broadcast_in_dim3A_10 {strides = array<i32>} : memref<256xi32, #tpu.memory_space<vmem>>, vector<16xi32>,
      %swap3A_26 = arith.constant 112 : index
      %swap3A_27 = tpu.vector_load %arg8[%swap3A_26] {strides = array<i32>} : memref<256xi32, #tpu.memory_space<vmem>>, vector<16xi32>,
      tpu.vector_store %arg8[%swap3A_26], %broadcast_in_dim3A_10 {strides = array<i32>} : memref<256xi32, #tpu.memory_space<vmem>>, vector<16xi32>,
      %swap3A_28 = arith.constant 128 : index
      %swap3A_29 = tpu.vector_load %arg8[%swap3A_28] {strides = array<i32>} : memref<256xi32, #tpu.memory_space<vmem>>, vector<16xi32>,
      tpu.vector_store %arg8[%swap3A_28], %broadcast_in_dim3A_10 {strides = array<i32>} : memref<256xi32, #tpu.memory_space<vmem>>, vector<16xi32>,
      %swap3A_30 = arith.constant 144 : index
      %swap3A_31 = tpu.vector_load %arg8[%swap3A_30] {strides = array<i32>} : memref<256xi32, #tpu.memory_space<vmem>>, vector<16xi32>,
      tpu.vector_store %arg8[%swap3A_30], %broadcast_in_dim3A_10 {strides = array<i32>} : memref<256xi32, #tpu.memory_space<vmem>>, vector<16xi32>,
      %swap3A_32 = arith.constant 160 : index
      %swap3A_33 = tpu.vector_load %arg8[%swap3A_32] {strides = array<i32>} : memref<256xi32, #tpu.memory_space<vmem>>, vector<16xi32>,
      tpu.vector_store %arg8[%swap3A_32], %broadcast_in_dim3A_10 {strides = array<i32>} : memref<256xi32, #tpu.memory_space<vmem>>, vector<16xi32>,
      %swap3A_34 = arith.constant 176 : index
      %swap3A_35 = tpu.vector_load %arg8[%swap3A_34] {strides = array<i32>} : memref<256xi32, #tpu.memory_space<vmem>>, vector<16xi32>,
      tpu.vector_store %arg8[%swap3A_34], %broadcast_in_dim3A_10 {strides = array<i32>} : memref<256xi32, #tpu.memory_space<vmem>>, vector<16xi32>,
      %swap3A_36 = arith.constant 192 : index
      %swap3A_37 = tpu.vector_load %arg8[%swap3A_36] {strides = array<i32>} : memref<256xi32, #tpu.memory_space<vmem>>, vector<16xi32>,
      tpu.vector_store %arg8[%swap3A_36], %broadcast_in_dim3A_10 {strides = array<i32>} : memref<256xi32, #tpu.memory_space<vmem>>, vector<16xi32>,
      %swap3A_38 = arith.constant 208 : index
      %swap3A_39 = tpu.vector_load %arg8[%swap3A_38] {strides = array<i32>} : memref<256xi32, #tpu.memory_space<vmem>>, vector<16xi32>,
      tpu.vector_store %arg8[%swap3A_38], %broadcast_in_dim3A_10 {strides = array<i32>} : memref<256xi32, #tpu.memory_space<vmem>>, vector<16xi32>,
      %swap3A_40 = arith.constant 224 : index
      %swap3A_41 = tpu.vector_load %arg8[%swap3A_40] {strides = array<i32>} : memref<256xi32, #tpu.memory_space<vmem>>, vector<16xi32>,
      tpu.vector_store %arg8[%swap3A_40], %broadcast_in_dim3A_10 {strides = array<i32>} : memref<256xi32, #tpu.memory_space<vmem>>, vector<16xi32>,
      %swap3A_42 = arith.constant 240 : index
      %swap3A_43 = tpu.vector_load %arg8[%swap3A_42] {strides = array<i32>} : memref<256xi32, #tpu.memory_space<vmem>>, vector<16xi32>,
      tpu.vector_store %arg8[%swap3A_42], %broadcast_in_dim3A_10 {strides = array<i32>} : memref<256xi32, #tpu.memory_space<vmem>>, vector<16xi32>,
      %dma_wait3A = arith.constant 0 : i32
      %dma_wait3A_44 = tpu.memref_slice %arg2[%add3A, %dma_wait3A] : memref<8x4096xf32, #tpu.memory_space<hbm>> -> memref<1x4096xf32, #tpu.memory_space<hbm>>
      %dma_wait3A_45 = tpu.memref_squeeze %dma_wait3A_44 : memref<1x4096xf32, #tpu.memory_space<hbm>> -> memref<4096xf32, #tpu.memory_space<hbm>>
      %dma_wait3A_46 = arith.constant 0 : i32
      %dma_wait3A_47 = tpu.memref_slice %arg2[%add3A, %dma_wait3A_46] : memref<8x4096xf32, #tpu.memory_space<hbm>> -> memref<1x4096xf32, #tpu.memory_space<hbm>>
      %dma_wait3A_48 = tpu.memref_squeeze %dma_wait3A_47 : memref<1x4096xf32, #tpu.memory_space<hbm>> -> memref<4096xf32, #tpu.memory_space<hbm>>
      tpu.wait_dma2 semaphore(%arg12 : memref<!tpu.dma_semaphore, #tpu.memory_space<semaphore_mem>>) src(%dma_wait3A_48 : memref<4096xf32, #tpu.memory_space<hbm>>) dst(%arg4 : memref<4096xf32, #tpu.memory_space<vmem>>)
      %parallel_loop3A_49 = arith.constant 0 : i32
      %parallel_loop3A_50 = arith.constant 256 : i32
      %parallel_loop3A_51 = arith.constant 1 : i32
      scf.for %parallel_loop3A_356 = %parallel_loop3A_49 to %parallel_loop3A_50 step %parallel_loop3A_51  : i32 {
        %parallel_loop3A_357 = arith.constant 16 : i32
        %parallel_loop3A_358 = arith.muli %parallel_loop3A_356, %parallel_loop3A_357 : i32
        %parallel_loop3A_359 = arith.index_cast %parallel_loop3A_358 : i32 to index
        %parallel_loop3A_360 = tpu.vector_load %arg4[%parallel_loop3A_359] {strides = array<i32>} : memref<4096xf32, #tpu.memory_space<vmem>>, vector<16xf32>,
        %parallel_loop3A_361 = arith.constant 0.000000e+00 : f32
        %parallel_loop3A_362 = vector.broadcast %parallel_loop3A_361 : f32 to vector<16xf32>
        %parallel_loop3A_363 = arith.addf %parallel_loop3A_360, %parallel_loop3A_362 : vector<16xf32>
        %parallel_loop3A_364 = tpu.bitcast %parallel_loop3A_363 : vector<16xf32> -> vector<16xi32>
        %parallel_loop3A_365 = arith.constant 31 : i32
        %parallel_loop3A_366 = vector.broadcast %parallel_loop3A_365 : i32 to vector<16xi32>
        %parallel_loop3A_367 = arith.shrsi %parallel_loop3A_364, %parallel_loop3A_366 : vector<16xi32>
        %parallel_loop3A_368 = arith.constant 2147483647 : i32
        %parallel_loop3A_369 = vector.broadcast %parallel_loop3A_368 : i32 to vector<16xi32>
        %parallel_loop3A_370 = arith.andi %parallel_loop3A_367, %parallel_loop3A_369 : vector<16xi32>
        %parallel_loop3A_371 = arith.xori %parallel_loop3A_364, %parallel_loop3A_370 : vector<16xi32>
        %parallel_loop3A_372 = arith.index_cast %parallel_loop3A_358 : i32 to index
        %parallel_loop3A_373 = tpu.vector_load %arg5[%parallel_loop3A_372] {strides = array<i32>} : memref<4096xi32, #tpu.memory_space<vmem>>, vector<16xi32>,
        tpu.vector_store %arg5[%parallel_loop3A_372], %parallel_loop3A_371 {strides = array<i32>} : memref<4096xi32, #tpu.memory_space<vmem>>, vector<16xi32>,
        %parallel_loop3A_374 = arith.constant 20 : i32
        %parallel_loop3A_375 = vector.broadcast %parallel_loop3A_374 : i32 to vector<16xi32>
        %parallel_loop3A_376 = arith.shrsi %parallel_loop3A_371, %parallel_loop3A_375 : vector<16xi32>
        %parallel_loop3A_377 = arith.constant 2048 : i32
        %parallel_loop3A_378 = vector.broadcast %parallel_loop3A_377 : i32 to vector<16xi32>
        %parallel_loop3A_379 = arith.addi %parallel_loop3A_376, %parallel_loop3A_378 : vector<16xi32>
        tpu.vector_store_idx %arg6[%parallel_loop3A_379], %broadcast_in_dim3A_8 {add = true} : memref<4096xi32, #tpu.memory_space<vmem>>[vector<16xi32>], vector<16xi32>,
        %parallel_loop3A_380 = arith.constant 24 : i32
        %parallel_loop3A_381 = vector.broadcast %parallel_loop3A_380 : i32 to vector<16xi32>
        %parallel_loop3A_382 = arith.shrsi %parallel_loop3A_371, %parallel_loop3A_381 : vector<16xi32>
        %parallel_loop3A_383 = arith.constant 128 : i32
        %parallel_loop3A_384 = vector.broadcast %parallel_loop3A_383 : i32 to vector<16xi32>
        %parallel_loop3A_385 = arith.addi %parallel_loop3A_382, %parallel_loop3A_384 : vector<16xi32>
        tpu.vector_store_idx %arg8[%parallel_loop3A_385], %broadcast_in_dim3A_8 {add = true} : memref<256xi32, #tpu.memory_space<vmem>>[vector<16xi32>], vector<16xi32>,
      } {sc.loop_unroll_factor = 2 : i64, sc.parallel_access}
      %scan3A = arith.constant 0 : i32
      %scan3A_52 = arith.constant 0 : i32
      %scan3A_53 = arith.constant 64 : i32
      %scan3A_54 = arith.addi %scan3A_52, %scan3A_53 : i32
      %scan3A_55 = arith.constant 1 : i32
      %scan3A_56 = scf.for %scan3A_356 = %scan3A_52 to %scan3A_54 step %scan3A_55 iter_args(%scan3A_357 = %scan3A) -> (i32)  : i32 {
        %sub3A_358 = arith.constant 63 : i32
        %sub3A_359 = arith.subi %sub3A_358, %scan3A_356 : i32
        %mul3A_360 = arith.constant 64 : i32
        %mul3A_361 = arith.muli %sub3A_359, %mul3A_360 : i32
        %add3A_362 = arith.constant 48 : i32
        %add3A_363 = arith.addi %mul3A_361, %add3A_362 : i32
        %get3A_364 = arith.index_cast %add3A_363 : i32 to index
        %get3A_365 = tpu.vector_load %arg5[%get3A_364] {strides = array<i32>} : memref<4096xi32, #tpu.memory_space<vmem>>, vector<16xi32>,
        %mul3A_366 = arith.constant -1640531527 : i32
        %mul3A_367 = vector.broadcast %mul3A_366 : i32 to vector<16xi32>
        %mul3A_368 = arith.muli %get3A_365, %mul3A_367 : vector<16xi32>
        %shift_right_arithmetic3A_369 = arith.constant 16 : i32
        %shift_right_arithmetic3A_370 = vector.broadcast %shift_right_arithmetic3A_369 : i32 to vector<16xi32>
        %shift_right_arithmetic3A_371 = arith.shrsi %mul3A_368, %shift_right_arithmetic3A_370 : vector<16xi32>
        %and3A_372 = arith.constant 65535 : i32
        %and3A_373 = vector.broadcast %and3A_372 : i32 to vector<16xi32>
        %and3A_374 = arith.andi %shift_right_arithmetic3A_371, %and3A_373 : vector<16xi32>
        %mul3A_375 = arith.constant -2048144789 : i32
        %mul3A_376 = vector.broadcast %mul3A_375 : i32 to vector<16xi32>
        %mul3A_377 = arith.muli %get3A_365, %mul3A_376 : vector<16xi32>
        %and3A_378 = arith.constant -4096 : i32
        %and3A_379 = vector.broadcast %and3A_378 : i32 to vector<16xi32>
        %and3A_380 = arith.andi %mul3A_377, %and3A_379 : vector<16xi32>
        %add3A_381 = vector.broadcast %add3A_363 : i32 to vector<16xi32>
        %add3A_382 = arith.addi %iota3A, %add3A_381 : vector<16xi32>
        %or3A = arith.ori %and3A_380, %add3A_382 : vector<16xi32>
        tpu.vector_store_idx %arg10[%and3A_374], %or3A : memref<65536xi32, #tpu.memory_space<vmem>>[vector<16xi32>], vector<16xi32>,
        %swap3A_383 = arith.index_cast %add3A_363 : i32 to index
        %swap3A_384 = tpu.vector_load %arg7[%swap3A_383] {strides = array<i32>} : memref<4096xi32, #tpu.memory_space<vmem>>, vector<16xi32>,
        tpu.vector_store %arg7[%swap3A_383], %broadcast_in_dim3A_10 {strides = array<i32>} : memref<4096xi32, #tpu.memory_space<vmem>>, vector<16xi32>,
        %sub3A_385 = arith.constant 63 : i32
        %sub3A_386 = arith.subi %sub3A_385, %scan3A_356 : i32
        %mul3A_387 = arith.constant 64 : i32
        %mul3A_388 = arith.muli %sub3A_386, %mul3A_387 : i32
        %add3A_389 = arith.constant 32 : i32
        %add3A_390 = arith.addi %mul3A_388, %add3A_389 : i32
        %get3A_391 = arith.index_cast %add3A_390 : i32 to index
        %get3A_392 = tpu.vector_load %arg5[%get3A_391] {strides = array<i32>} : memref<4096xi32, #tpu.memory_space<vmem>>, vector<16xi32>,
        %mul3A_393 = arith.constant -1640531527 : i32
        %mul3A_394 = vector.broadcast %mul3A_393 : i32 to vector<16xi32>
        %mul3A_395 = arith.muli %get3A_392, %mul3A_394 : vector<16xi32>
        %shift_right_arithmetic3A_396 = arith.constant 16 : i32
        %shift_right_arithmetic3A_397 = vector.broadcast %shift_right_arithmetic3A_396 : i32 to vector<16xi32>
        %shift_right_arithmetic3A_398 = arith.shrsi %mul3A_395, %shift_right_arithmetic3A_397 : vector<16xi32>
        %and3A_399 = arith.constant 65535 : i32
        %and3A_400 = vector.broadcast %and3A_399 : i32 to vector<16xi32>
        %and3A_401 = arith.andi %shift_right_arithmetic3A_398, %and3A_400 : vector<16xi32>
        %mul3A_402 = arith.constant -2048144789 : i32
        %mul3A_403 = vector.broadcast %mul3A_402 : i32 to vector<16xi32>
        %mul3A_404 = arith.muli %get3A_392, %mul3A_403 : vector<16xi32>
        %and3A_405 = arith.constant -4096 : i32
        %and3A_406 = vector.broadcast %and3A_405 : i32 to vector<16xi32>
        %and3A_407 = arith.andi %mul3A_404, %and3A_406 : vector<16xi32>
        %add3A_408 = vector.broadcast %add3A_390 : i32 to vector<16xi32>
        %add3A_409 = arith.addi %iota3A, %add3A_408 : vector<16xi32>
        %or3A_410 = arith.ori %and3A_407, %add3A_409 : vector<16xi32>
        tpu.vector_store_idx %arg10[%and3A_401], %or3A_410 : memref<65536xi32, #tpu.memory_space<vmem>>[vector<16xi32>], vector<16xi32>,
        %swap3A_411 = arith.index_cast %add3A_390 : i32 to index
        %swap3A_412 = tpu.vector_load %arg7[%swap3A_411] {strides = array<i32>} : memref<4096xi32, #tpu.memory_space<vmem>>, vector<16xi32>,
        tpu.vector_store %arg7[%swap3A_411], %broadcast_in_dim3A_10 {strides = array<i32>} : memref<4096xi32, #tpu.memory_space<vmem>>, vector<16xi32>,
        %sub3A_413 = arith.constant 63 : i32
        %sub3A_414 = arith.subi %sub3A_413, %scan3A_356 : i32
        %mul3A_415 = arith.constant 64 : i32
        %mul3A_416 = arith.muli %sub3A_414, %mul3A_415 : i32
        %add3A_417 = arith.constant 16 : i32
        %add3A_418 = arith.addi %mul3A_416, %add3A_417 : i32
        %get3A_419 = arith.index_cast %add3A_418 : i32 to index
        %get3A_420 = tpu.vector_load %arg5[%get3A_419] {strides = array<i32>} : memref<4096xi32, #tpu.memory_space<vmem>>, vector<16xi32>,
        %mul3A_421 = arith.constant -1640531527 : i32
        %mul3A_422 = vector.broadcast %mul3A_421 : i32 to vector<16xi32>
        %mul3A_423 = arith.muli %get3A_420, %mul3A_422 : vector<16xi32>
        %shift_right_arithmetic3A_424 = arith.constant 16 : i32
        %shift_right_arithmetic3A_425 = vector.broadcast %shift_right_arithmetic3A_424 : i32 to vector<16xi32>
        %shift_right_arithmetic3A_426 = arith.shrsi %mul3A_423, %shift_right_arithmetic3A_425 : vector<16xi32>
        %and3A_427 = arith.constant 65535 : i32
        %and3A_428 = vector.broadcast %and3A_427 : i32 to vector<16xi32>
        %and3A_429 = arith.andi %shift_right_arithmetic3A_426, %and3A_428 : vector<16xi32>
        %mul3A_430 = arith.constant -2048144789 : i32
        %mul3A_431 = vector.broadcast %mul3A_430 : i32 to vector<16xi32>
        %mul3A_432 = arith.muli %get3A_420, %mul3A_431 : vector<16xi32>
        %and3A_433 = arith.constant -4096 : i32
        %and3A_434 = vector.broadcast %and3A_433 : i32 to vector<16xi32>
        %and3A_435 = arith.andi %mul3A_432, %and3A_434 : vector<16xi32>
        %add3A_436 = vector.broadcast %add3A_418 : i32 to vector<16xi32>
        %add3A_437 = arith.addi %iota3A, %add3A_436 : vector<16xi32>
        %or3A_438 = arith.ori %and3A_435, %add3A_437 : vector<16xi32>
        tpu.vector_store_idx %arg10[%and3A_429], %or3A_438 : memref<65536xi32, #tpu.memory_space<vmem>>[vector<16xi32>], vector<16xi32>,
        %swap3A_439 = arith.index_cast %add3A_418 : i32 to index
        %swap3A_440 = tpu.vector_load %arg7[%swap3A_439] {strides = array<i32>} : memref<4096xi32, #tpu.memory_space<vmem>>, vector<16xi32>,
        tpu.vector_store %arg7[%swap3A_439], %broadcast_in_dim3A_10 {strides = array<i32>} : memref<4096xi32, #tpu.memory_space<vmem>>, vector<16xi32>,
        %sub3A_441 = arith.constant 63 : i32
        %sub3A_442 = arith.subi %sub3A_441, %scan3A_356 : i32
        %mul3A_443 = arith.constant 64 : i32
        %mul3A_444 = arith.muli %sub3A_442, %mul3A_443 : i32
        %add3A_445 = arith.constant 0 : i32
        %add3A_446 = arith.addi %mul3A_444, %add3A_445 : i32
        %get3A_447 = arith.index_cast %add3A_446 : i32 to index
        %get3A_448 = tpu.vector_load %arg5[%get3A_447] {strides = array<i32>} : memref<4096xi32, #tpu.memory_space<vmem>>, vector<16xi32>,
        %mul3A_449 = arith.constant -1640531527 : i32
        %mul3A_450 = vector.broadcast %mul3A_449 : i32 to vector<16xi32>
        %mul3A_451 = arith.muli %get3A_448, %mul3A_450 : vector<16xi32>
        %shift_right_arithmetic3A_452 = arith.constant 16 : i32
        %shift_right_arithmetic3A_453 = vector.broadcast %shift_right_arithmetic3A_452 : i32 to vector<16xi32>
        %shift_right_arithmetic3A_454 = arith.shrsi %mul3A_451, %shift_right_arithmetic3A_453 : vector<16xi32>
        %and3A_455 = arith.constant 65535 : i32
        %and3A_456 = vector.broadcast %and3A_455 : i32 to vector<16xi32>
        %and3A_457 = arith.andi %shift_right_arithmetic3A_454, %and3A_456 : vector<16xi32>
        %mul3A_458 = arith.constant -2048144789 : i32
        %mul3A_459 = vector.broadcast %mul3A_458 : i32 to vector<16xi32>
        %mul3A_460 = arith.muli %get3A_448, %mul3A_459 : vector<16xi32>
        %and3A_461 = arith.constant -4096 : i32
        %and3A_462 = vector.broadcast %and3A_461 : i32 to vector<16xi32>
        %and3A_463 = arith.andi %mul3A_460, %and3A_462 : vector<16xi32>
        %add3A_464 = vector.broadcast %add3A_446 : i32 to vector<16xi32>
        %add3A_465 = arith.addi %iota3A, %add3A_464 : vector<16xi32>
        %or3A_466 = arith.ori %and3A_463, %add3A_465 : vector<16xi32>
        tpu.vector_store_idx %arg10[%and3A_457], %or3A_466 : memref<65536xi32, #tpu.memory_space<vmem>>[vector<16xi32>], vector<16xi32>,
        %swap3A_467 = arith.index_cast %add3A_446 : i32 to index
        %swap3A_468 = tpu.vector_load %arg7[%swap3A_467] {strides = array<i32>} : memref<4096xi32, #tpu.memory_space<vmem>>, vector<16xi32>,
        tpu.vector_store %arg7[%swap3A_467], %broadcast_in_dim3A_10 {strides = array<i32>} : memref<4096xi32, #tpu.memory_space<vmem>>, vector<16xi32>,
        %scan3A_469 = arith.constant 0 : i32
        scf.yield %scan3A_469 : i32
      }
      %scan3A_57 = arith.constant 64 : i32
      %swap3A_58 = arith.constant 0 : index
      %swap3A_59 = tpu.vector_load %arg9[%swap3A_58] {strides = array<i32>} : memref<256xi32, #tpu.memory_space<vmem>>, vector<16xi32>,
      tpu.vector_store %arg9[%swap3A_58], %broadcast_in_dim3A_10 {strides = array<i32>} : memref<256xi32, #tpu.memory_space<vmem>>, vector<16xi32>,
      %swap3A_60 = arith.constant 16 : index
      %swap3A_61 = tpu.vector_load %arg9[%swap3A_60] {strides = array<i32>} : memref<256xi32, #tpu.memory_space<vmem>>, vector<16xi32>,
      tpu.vector_store %arg9[%swap3A_60], %broadcast_in_dim3A_10 {strides = array<i32>} : memref<256xi32, #tpu.memory_space<vmem>>, vector<16xi32>,
      %swap3A_62 = arith.constant 32 : index
      %swap3A_63 = tpu.vector_load %arg9[%swap3A_62] {strides = array<i32>} : memref<256xi32, #tpu.memory_space<vmem>>, vector<16xi32>,
      tpu.vector_store %arg9[%swap3A_62], %broadcast_in_dim3A_10 {strides = array<i32>} : memref<256xi32, #tpu.memory_space<vmem>>, vector<16xi32>,
      %swap3A_64 = arith.constant 48 : index
      %swap3A_65 = tpu.vector_load %arg9[%swap3A_64] {strides = array<i32>} : memref<256xi32, #tpu.memory_space<vmem>>, vector<16xi32>,
      tpu.vector_store %arg9[%swap3A_64], %broadcast_in_dim3A_10 {strides = array<i32>} : memref<256xi32, #tpu.memory_space<vmem>>, vector<16xi32>,
      %swap3A_66 = arith.constant 64 : index
      %swap3A_67 = tpu.vector_load %arg9[%swap3A_66] {strides = array<i32>} : memref<256xi32, #tpu.memory_space<vmem>>, vector<16xi32>,
      tpu.vector_store %arg9[%swap3A_66], %broadcast_in_dim3A_10 {strides = array<i32>} : memref<256xi32, #tpu.memory_space<vmem>>, vector<16xi32>,
      %swap3A_68 = arith.constant 80 : index
      %swap3A_69 = tpu.vector_load %arg9[%swap3A_68] {strides = array<i32>} : memref<256xi32, #tpu.memory_space<vmem>>, vector<16xi32>,
      tpu.vector_store %arg9[%swap3A_68], %broadcast_in_dim3A_10 {strides = array<i32>} : memref<256xi32, #tpu.memory_space<vmem>>, vector<16xi32>,
      %swap3A_70 = arith.constant 96 : index
      %swap3A_71 = tpu.vector_load %arg9[%swap3A_70] {strides = array<i32>} : memref<256xi32, #tpu.memory_space<vmem>>, vector<16xi32>,
      tpu.vector_store %arg9[%swap3A_70], %broadcast_in_dim3A_10 {strides = array<i32>} : memref<256xi32, #tpu.memory_space<vmem>>, vector<16xi32>,
      %swap3A_72 = arith.constant 112 : index
      %swap3A_73 = tpu.vector_load %arg9[%swap3A_72] {strides = array<i32>} : memref<256xi32, #tpu.memory_space<vmem>>, vector<16xi32>,
      tpu.vector_store %arg9[%swap3A_72], %broadcast_in_dim3A_10 {strides = array<i32>} : memref<256xi32, #tpu.memory_space<vmem>>, vector<16xi32>,
      %swap3A_74 = arith.constant 128 : index
      %swap3A_75 = tpu.vector_load %arg9[%swap3A_74] {strides = array<i32>} : memref<256xi32, #tpu.memory_space<vmem>>, vector<16xi32>,
      tpu.vector_store %arg9[%swap3A_74], %broadcast_in_dim3A_10 {strides = array<i32>} : memref<256xi32, #tpu.memory_space<vmem>>, vector<16xi32>,
      %swap3A_76 = arith.constant 144 : index
      %swap3A_77 = tpu.vector_load %arg9[%swap3A_76] {strides = array<i32>} : memref<256xi32, #tpu.memory_space<vmem>>, vector<16xi32>,
      tpu.vector_store %arg9[%swap3A_76], %broadcast_in_dim3A_10 {strides = array<i32>} : memref<256xi32, #tpu.memory_space<vmem>>, vector<16xi32>,
      %swap3A_78 = arith.constant 160 : index
      %swap3A_79 = tpu.vector_load %arg9[%swap3A_78] {strides = array<i32>} : memref<256xi32, #tpu.memory_space<vmem>>, vector<16xi32>,
      tpu.vector_store %arg9[%swap3A_78], %broadcast_in_dim3A_10 {strides = array<i32>} : memref<256xi32, #tpu.memory_space<vmem>>, vector<16xi32>,
      %swap3A_80 = arith.constant 176 : index
      %swap3A_81 = tpu.vector_load %arg9[%swap3A_80] {strides = array<i32>} : memref<256xi32, #tpu.memory_space<vmem>>, vector<16xi32>,
      tpu.vector_store %arg9[%swap3A_80], %broadcast_in_dim3A_10 {strides = array<i32>} : memref<256xi32, #tpu.memory_space<vmem>>, vector<16xi32>,
      %swap3A_82 = arith.constant 192 : index
      %swap3A_83 = tpu.vector_load %arg9[%swap3A_82] {strides = array<i32>} : memref<256xi32, #tpu.memory_space<vmem>>, vector<16xi32>,
      tpu.vector_store %arg9[%swap3A_82], %broadcast_in_dim3A_10 {strides = array<i32>} : memref<256xi32, #tpu.memory_space<vmem>>, vector<16xi32>,
      %swap3A_84 = arith.constant 208 : index
      %swap3A_85 = tpu.vector_load %arg9[%swap3A_84] {strides = array<i32>} : memref<256xi32, #tpu.memory_space<vmem>>, vector<16xi32>,
      tpu.vector_store %arg9[%swap3A_84], %broadcast_in_dim3A_10 {strides = array<i32>} : memref<256xi32, #tpu.memory_space<vmem>>, vector<16xi32>,
      %swap3A_86 = arith.constant 224 : index
      %swap3A_87 = tpu.vector_load %arg9[%swap3A_86] {strides = array<i32>} : memref<256xi32, #tpu.memory_space<vmem>>, vector<16xi32>,
      tpu.vector_store %arg9[%swap3A_86], %broadcast_in_dim3A_10 {strides = array<i32>} : memref<256xi32, #tpu.memory_space<vmem>>, vector<16xi32>,
      %swap3A_88 = arith.constant 240 : index
      %swap3A_89 = tpu.vector_load %arg9[%swap3A_88] {strides = array<i32>} : memref<256xi32, #tpu.memory_space<vmem>>, vector<16xi32>,
      tpu.vector_store %arg9[%swap3A_88], %broadcast_in_dim3A_10 {strides = array<i32>} : memref<256xi32, #tpu.memory_space<vmem>>, vector<16xi32>,
      %scan3A_90 = arith.constant 2048 : i32
      %scan3A_91 = arith.constant 0 : i32
      %scan3A_92 = arith.constant -1 : i32
      %scan3A_93 = arith.constant 0 : i32
      %scan3A_94 = arith.constant 4 : i32
      %scan3A_95 = arith.addi %scan3A_93, %scan3A_94 : i32
      %scan3A_96 = arith.constant 1 : i32
      %scan3A_97:2 = scf.for %scan3A_356 = %scan3A_93 to %scan3A_95 step %scan3A_96 iter_args(%scan3A_357 = %scan3A_91, %scan3A_358 = %scan3A_92) -> (i32, i32)  : i32 {
        %mul3A_359 = arith.constant 64 : i32
        %mul3A_360 = arith.muli %scan3A_356, %mul3A_359 : i32
        %add3A_361 = arith.constant 0 : i32
        %add3A_362 = arith.addi %mul3A_360, %add3A_361 : i32
        %get3A_363 = arith.index_cast %add3A_362 : i32 to index
        %get3A_364 = tpu.vector_load %arg8[%get3A_363] {strides = array<i32>} : memref<256xi32, #tpu.memory_space<vmem>>, vector<16xi32>,
        %broadcast_in_dim3A_365 = arith.constant true
        %broadcast_in_dim3A_366 = vector.broadcast %broadcast_in_dim3A_365 : i1 to vector<16xi1>
        %masked_cumsum3A_367 = tpu.scan <sum>, %get3A_364 masked %broadcast_in_dim3A_366 : vector<16xi32>, vector<16xi1> -> vector<16xi32>
        %add3A_368 = vector.broadcast %scan3A_357 : i32 to vector<16xi32>
        %add3A_369 = arith.addi %masked_cumsum3A_367, %add3A_368 : vector<16xi32>
        %sub3A_370 = arith.subi %add3A_369, %get3A_364 : vector<16xi32>
        %le3A_371 = vector.broadcast %scan3A_90 : i32 to vector<16xi32>
        %le3A_372 = arith.cmpi sle, %sub3A_370, %le3A_371 : vector<16xi32>
        %add3A_373 = vector.broadcast %add3A_362 : i32 to vector<16xi32>
        %add3A_374 = arith.addi %iota3A, %add3A_373 : vector<16xi32>
        %jit3A_375 = arith.constant -1 : i32
        %broadcast_in_dim3A_376 = vector.broadcast %jit3A_375 : i32 to vector<16xi32>
        %select_n3A_377 = arith.select %le3A_372, %add3A_374, %broadcast_in_dim3A_376 : vector<16xi1>, vector<16xi32>
        %swap3A_378 = arith.index_cast %add3A_362 : i32 to index
        %swap3A_379 = tpu.vector_load %arg8[%swap3A_378] {strides = array<i32>} : memref<256xi32, #tpu.memory_space<vmem>>, vector<16xi32>,
        tpu.vector_store %arg8[%swap3A_378], %add3A_369 {strides = array<i32>} : memref<256xi32, #tpu.memory_space<vmem>>, vector<16xi32>,
        %reduce_sum3A = arith.constant true
        %reduce_sum3A_380 = vector.broadcast %reduce_sum3A : i1 to vector<16xi1>
        %reduce_sum3A_381 = tpu.scan <sum>, %get3A_364 masked %reduce_sum3A_380 : vector<16xi32>, vector<16xi1> -> vector<16xi32>
        %reduce_sum3A_382 = vector.extract %reduce_sum3A_381[15] : i32 from vector<16xi32>
        %add3A_383 = arith.addi %scan3A_357, %reduce_sum3A_382 : i32
        %reduce_max3A_384 = arith.constant true
        %reduce_max3A_385 = vector.broadcast %reduce_max3A_384 : i1 to vector<16xi1>
        %reduce_max3A_386 = arith.constant -2147483648 : i32
        %reduce_max3A_387 = vector.broadcast %reduce_max3A_386 : i32 to vector<16xi32>
        %reduce_max3A_388 = arith.xori %select_n3A_377, %reduce_max3A_387 : vector<16xi32>
        %reduce_max3A_389 = tpu.scan <max>, %reduce_max3A_388 masked %reduce_max3A_385 : vector<16xi32>, vector<16xi1> -> vector<16xi32>
        %reduce_max3A_390 = arith.xori %reduce_max3A_389, %reduce_max3A_387 : vector<16xi32>
        %reduce_max3A_391 = vector.extract %reduce_max3A_390[15] : i32 from vector<16xi32>
        %max3A_392 = arith.maxsi %scan3A_358, %reduce_max3A_391 : i32
        %mul3A_393 = arith.constant 64 : i32
        %mul3A_394 = arith.muli %scan3A_356, %mul3A_393 : i32
        %add3A_395 = arith.constant 16 : i32
        %add3A_396 = arith.addi %mul3A_394, %add3A_395 : i32
        %get3A_397 = arith.index_cast %add3A_396 : i32 to index
        %get3A_398 = tpu.vector_load %arg8[%get3A_397] {strides = array<i32>} : memref<256xi32, #tpu.memory_space<vmem>>, vector<16xi32>,
        %broadcast_in_dim3A_399 = arith.constant true
        %broadcast_in_dim3A_400 = vector.broadcast %broadcast_in_dim3A_399 : i1 to vector<16xi1>
        %masked_cumsum3A_401 = tpu.scan <sum>, %get3A_398 masked %broadcast_in_dim3A_400 : vector<16xi32>, vector<16xi1> -> vector<16xi32>
        %add3A_402 = vector.broadcast %add3A_383 : i32 to vector<16xi32>
        %add3A_403 = arith.addi %masked_cumsum3A_401, %add3A_402 : vector<16xi32>
        %sub3A_404 = arith.subi %add3A_403, %get3A_398 : vector<16xi32>
        %le3A_405 = vector.broadcast %scan3A_90 : i32 to vector<16xi32>
        %le3A_406 = arith.cmpi sle, %sub3A_404, %le3A_405 : vector<16xi32>
        %add3A_407 = vector.broadcast %add3A_396 : i32 to vector<16xi32>
        %add3A_408 = arith.addi %iota3A, %add3A_407 : vector<16xi32>
        %jit3A_409 = arith.constant -1 : i32
        %broadcast_in_dim3A_410 = vector.broadcast %jit3A_409 : i32 to vector<16xi32>
        %select_n3A_411 = arith.select %le3A_406, %add3A_408, %broadcast_in_dim3A_410 : vector<16xi1>, vector<16xi32>
        %swap3A_412 = arith.index_cast %add3A_396 : i32 to index
        %swap3A_413 = tpu.vector_load %arg8[%swap3A_412] {strides = array<i32>} : memref<256xi32, #tpu.memory_space<vmem>>, vector<16xi32>,
        tpu.vector_store %arg8[%swap3A_412], %add3A_403 {strides = array<i32>} : memref<256xi32, #tpu.memory_space<vmem>>, vector<16xi32>,
        %reduce_sum3A_414 = arith.constant true
        %reduce_sum3A_415 = vector.broadcast %reduce_sum3A_414 : i1 to vector<16xi1>
        %reduce_sum3A_416 = tpu.scan <sum>, %get3A_398 masked %reduce_sum3A_415 : vector<16xi32>, vector<16xi1> -> vector<16xi32>
        %reduce_sum3A_417 = vector.extract %reduce_sum3A_416[15] : i32 from vector<16xi32>
        %add3A_418 = arith.addi %add3A_383, %reduce_sum3A_417 : i32
        %reduce_max3A_419 = arith.constant true
        %reduce_max3A_420 = vector.broadcast %reduce_max3A_419 : i1 to vector<16xi1>
        %reduce_max3A_421 = arith.constant -2147483648 : i32
        %reduce_max3A_422 = vector.broadcast %reduce_max3A_421 : i32 to vector<16xi32>
        %reduce_max3A_423 = arith.xori %select_n3A_411, %reduce_max3A_422 : vector<16xi32>
        %reduce_max3A_424 = tpu.scan <max>, %reduce_max3A_423 masked %reduce_max3A_420 : vector<16xi32>, vector<16xi1> -> vector<16xi32>
        %reduce_max3A_425 = arith.xori %reduce_max3A_424, %reduce_max3A_422 : vector<16xi32>
        %reduce_max3A_426 = vector.extract %reduce_max3A_425[15] : i32 from vector<16xi32>
        %max3A_427 = arith.maxsi %max3A_392, %reduce_max3A_426 : i32
        %mul3A_428 = arith.constant 64 : i32
        %mul3A_429 = arith.muli %scan3A_356, %mul3A_428 : i32
        %add3A_430 = arith.constant 32 : i32
        %add3A_431 = arith.addi %mul3A_429, %add3A_430 : i32
        %get3A_432 = arith.index_cast %add3A_431 : i32 to index
        %get3A_433 = tpu.vector_load %arg8[%get3A_432] {strides = array<i32>} : memref<256xi32, #tpu.memory_space<vmem>>, vector<16xi32>,
        %broadcast_in_dim3A_434 = arith.constant true
        %broadcast_in_dim3A_435 = vector.broadcast %broadcast_in_dim3A_434 : i1 to vector<16xi1>
        %masked_cumsum3A_436 = tpu.scan <sum>, %get3A_433 masked %broadcast_in_dim3A_435 : vector<16xi32>, vector<16xi1> -> vector<16xi32>
        %add3A_437 = vector.broadcast %add3A_418 : i32 to vector<16xi32>
        %add3A_438 = arith.addi %masked_cumsum3A_436, %add3A_437 : vector<16xi32>
        %sub3A_439 = arith.subi %add3A_438, %get3A_433 : vector<16xi32>
        %le3A_440 = vector.broadcast %scan3A_90 : i32 to vector<16xi32>
        %le3A_441 = arith.cmpi sle, %sub3A_439, %le3A_440 : vector<16xi32>
        %add3A_442 = vector.broadcast %add3A_431 : i32 to vector<16xi32>
        %add3A_443 = arith.addi %iota3A, %add3A_442 : vector<16xi32>
        %jit3A_444 = arith.constant -1 : i32
        %broadcast_in_dim3A_445 = vector.broadcast %jit3A_444 : i32 to vector<16xi32>
        %select_n3A_446 = arith.select %le3A_441, %add3A_443, %broadcast_in_dim3A_445 : vector<16xi1>, vector<16xi32>
        %swap3A_447 = arith.index_cast %add3A_431 : i32 to index
        %swap3A_448 = tpu.vector_load %arg8[%swap3A_447] {strides = array<i32>} : memref<256xi32, #tpu.memory_space<vmem>>, vector<16xi32>,
        tpu.vector_store %arg8[%swap3A_447], %add3A_438 {strides = array<i32>} : memref<256xi32, #tpu.memory_space<vmem>>, vector<16xi32>,
        %reduce_sum3A_449 = arith.constant true
        %reduce_sum3A_450 = vector.broadcast %reduce_sum3A_449 : i1 to vector<16xi1>
        %reduce_sum3A_451 = tpu.scan <sum>, %get3A_433 masked %reduce_sum3A_450 : vector<16xi32>, vector<16xi1> -> vector<16xi32>
        %reduce_sum3A_452 = vector.extract %reduce_sum3A_451[15] : i32 from vector<16xi32>
        %add3A_453 = arith.addi %add3A_418, %reduce_sum3A_452 : i32
        %reduce_max3A_454 = arith.constant true
        %reduce_max3A_455 = vector.broadcast %reduce_max3A_454 : i1 to vector<16xi1>
        %reduce_max3A_456 = arith.constant -2147483648 : i32
        %reduce_max3A_457 = vector.broadcast %reduce_max3A_456 : i32 to vector<16xi32>
        %reduce_max3A_458 = arith.xori %select_n3A_446, %reduce_max3A_457 : vector<16xi32>
        %reduce_max3A_459 = tpu.scan <max>, %reduce_max3A_458 masked %reduce_max3A_455 : vector<16xi32>, vector<16xi1> -> vector<16xi32>
        %reduce_max3A_460 = arith.xori %reduce_max3A_459, %reduce_max3A_457 : vector<16xi32>
        %reduce_max3A_461 = vector.extract %reduce_max3A_460[15] : i32 from vector<16xi32>
        %max3A_462 = arith.maxsi %max3A_427, %reduce_max3A_461 : i32
        %mul3A_463 = arith.constant 64 : i32
        %mul3A_464 = arith.muli %scan3A_356, %mul3A_463 : i32
        %add3A_465 = arith.constant 48 : i32
        %add3A_466 = arith.addi %mul3A_464, %add3A_465 : i32
        %get3A_467 = arith.index_cast %add3A_466 : i32 to index
        %get3A_468 = tpu.vector_load %arg8[%get3A_467] {strides = array<i32>} : memref<256xi32, #tpu.memory_space<vmem>>, vector<16xi32>,
        %broadcast_in_dim3A_469 = arith.constant true
        %broadcast_in_dim3A_470 = vector.broadcast %broadcast_in_dim3A_469 : i1 to vector<16xi1>
        %masked_cumsum3A_471 = tpu.scan <sum>, %get3A_468 masked %broadcast_in_dim3A_470 : vector<16xi32>, vector<16xi1> -> vector<16xi32>
        %add3A_472 = vector.broadcast %add3A_453 : i32 to vector<16xi32>
        %add3A_473 = arith.addi %masked_cumsum3A_471, %add3A_472 : vector<16xi32>
        %sub3A_474 = arith.subi %add3A_473, %get3A_468 : vector<16xi32>
        %le3A_475 = vector.broadcast %scan3A_90 : i32 to vector<16xi32>
        %le3A_476 = arith.cmpi sle, %sub3A_474, %le3A_475 : vector<16xi32>
        %add3A_477 = vector.broadcast %add3A_466 : i32 to vector<16xi32>
        %add3A_478 = arith.addi %iota3A, %add3A_477 : vector<16xi32>
        %jit3A_479 = arith.constant -1 : i32
        %broadcast_in_dim3A_480 = vector.broadcast %jit3A_479 : i32 to vector<16xi32>
        %select_n3A_481 = arith.select %le3A_476, %add3A_478, %broadcast_in_dim3A_480 : vector<16xi1>, vector<16xi32>
        %swap3A_482 = arith.index_cast %add3A_466 : i32 to index
        %swap3A_483 = tpu.vector_load %arg8[%swap3A_482] {strides = array<i32>} : memref<256xi32, #tpu.memory_space<vmem>>, vector<16xi32>,
        tpu.vector_store %arg8[%swap3A_482], %add3A_473 {strides = array<i32>} : memref<256xi32, #tpu.memory_space<vmem>>, vector<16xi32>,
        %reduce_sum3A_484 = arith.constant true
        %reduce_sum3A_485 = vector.broadcast %reduce_sum3A_484 : i1 to vector<16xi1>
        %reduce_sum3A_486 = tpu.scan <sum>, %get3A_468 masked %reduce_sum3A_485 : vector<16xi32>, vector<16xi1> -> vector<16xi32>
        %reduce_sum3A_487 = vector.extract %reduce_sum3A_486[15] : i32 from vector<16xi32>
        %add3A_488 = arith.addi %add3A_453, %reduce_sum3A_487 : i32
        %reduce_max3A_489 = arith.constant true
        %reduce_max3A_490 = vector.broadcast %reduce_max3A_489 : i1 to vector<16xi1>
        %reduce_max3A_491 = arith.constant -2147483648 : i32
        %reduce_max3A_492 = vector.broadcast %reduce_max3A_491 : i32 to vector<16xi32>
        %reduce_max3A_493 = arith.xori %select_n3A_481, %reduce_max3A_492 : vector<16xi32>
        %reduce_max3A_494 = tpu.scan <max>, %reduce_max3A_493 masked %reduce_max3A_490 : vector<16xi32>, vector<16xi1> -> vector<16xi32>
        %reduce_max3A_495 = arith.xori %reduce_max3A_494, %reduce_max3A_492 : vector<16xi32>
        %reduce_max3A_496 = vector.extract %reduce_max3A_495[15] : i32 from vector<16xi32>
        %max3A_497 = arith.maxsi %max3A_462, %reduce_max3A_496 : i32
        scf.yield %add3A_488, %max3A_497 : i32, i32
      }
      %scan3A_98 = arith.constant 4 : i32
      %broadcast_in_dim3A_99 = vector.broadcast %scan3A_97#1 : i32 to vector<16xi32>
      %sub3A = arith.subi %broadcast_in_dim3A_99, %iota3A : vector<16xi32>
      %max3A = arith.constant 0 : i32
      %max3A_100 = vector.broadcast %max3A : i32 to vector<16xi32>
      %max3A_101 = arith.maxsi %sub3A, %max3A_100 : vector<16xi32>
      %gather3A = tpu.vector_load_idx %arg8[%max3A_101] : memref<256xi32, #tpu.memory_space<vmem>>[vector<16xi32>], vector<16xi32>,
      %reduce_max3A = arith.constant true
      %reduce_max3A_102 = vector.broadcast %reduce_max3A : i1 to vector<16xi1>
      %reduce_max3A_103 = arith.constant -2147483648 : i32
      %reduce_max3A_104 = vector.broadcast %reduce_max3A_103 : i32 to vector<16xi32>
      %reduce_max3A_105 = arith.xori %gather3A, %reduce_max3A_104 : vector<16xi32>
      %reduce_max3A_106 = tpu.scan <max>, %reduce_max3A_105 masked %reduce_max3A_102 : vector<16xi32>, vector<16xi1> -> vector<16xi32>
      %reduce_max3A_107 = arith.xori %reduce_max3A_106, %reduce_max3A_104 : vector<16xi32>
      %reduce_max3A_108 = vector.extract %reduce_max3A_107[15] : i32 from vector<16xi32>
      %gt3A = arith.constant 0 : i32
      %gt3A_109 = arith.cmpi sgt, %scan3A_97#1, %gt3A : i32
      %eq3A = arith.constant 1 : i32
      %eq3A_110 = vector.broadcast %eq3A : i32 to vector<16xi32>
      %eq3A_111 = arith.cmpi eq, %iota3A, %eq3A_110 : vector<16xi32>
      %jit3A = arith.constant 0 : i32
      %broadcast_in_dim3A_112 = vector.broadcast %jit3A : i32 to vector<16xi32>
      %select_n3A = arith.select %eq3A_111, %gather3A, %broadcast_in_dim3A_112 : vector<16xi1>, vector<16xi32>
      %reduce_max3A_113 = arith.constant true
      %reduce_max3A_114 = vector.broadcast %reduce_max3A_113 : i1 to vector<16xi1>
      %reduce_max3A_115 = arith.constant -2147483648 : i32
      %reduce_max3A_116 = vector.broadcast %reduce_max3A_115 : i32 to vector<16xi32>
      %reduce_max3A_117 = arith.xori %select_n3A, %reduce_max3A_116 : vector<16xi32>
      %reduce_max3A_118 = tpu.scan <max>, %reduce_max3A_117 masked %reduce_max3A_114 : vector<16xi32>, vector<16xi1> -> vector<16xi32>
      %reduce_max3A_119 = arith.xori %reduce_max3A_118, %reduce_max3A_116 : vector<16xi32>
      %reduce_max3A_120 = vector.extract %reduce_max3A_119[15] : i32 from vector<16xi32>
      %jit3A_121 = arith.constant 0 : i32
      %select_n3A_122 = arith.select %gt3A_109, %reduce_max3A_120, %jit3A_121 : i32
      %mul3A_123 = arith.constant 16 : i32
      %mul3A_124 = arith.muli %scan3A_97#1, %mul3A_123 : i32
      %get3A = arith.index_cast %mul3A_124 : i32 to index
      %get3A_125 = tpu.vector_load %arg6[%get3A] {strides = array<i32>} : memref<4096xi32, #tpu.memory_space<vmem>>, vector<16xi32>,
      %broadcast_in_dim3A_126 = arith.constant true
      %broadcast_in_dim3A_127 = vector.broadcast %broadcast_in_dim3A_126 : i1 to vector<16xi1>
      %masked_cumsum3A = tpu.scan <sum>, %get3A_125 masked %broadcast_in_dim3A_127 : vector<16xi32>, vector<16xi1> -> vector<16xi32>
      %add3A_128 = vector.broadcast %select_n3A_122 : i32 to vector<16xi32>
      %add3A_129 = arith.addi %masked_cumsum3A, %add3A_128 : vector<16xi32>
      %sub3A_130 = arith.subi %add3A_129, %get3A_125 : vector<16xi32>
      %le3A = arith.constant 2048 : i32
      %le3A_131 = vector.broadcast %le3A : i32 to vector<16xi32>
      %le3A_132 = arith.cmpi sle, %sub3A_130, %le3A_131 : vector<16xi32>
      %jit3A_133 = arith.constant -1 : i32
      %broadcast_in_dim3A_134 = vector.broadcast %jit3A_133 : i32 to vector<16xi32>
      %select_n3A_135 = arith.select %le3A_132, %iota3A, %broadcast_in_dim3A_134 : vector<16xi1>, vector<16xi32>
      %reduce_max3A_136 = arith.constant true
      %reduce_max3A_137 = vector.broadcast %reduce_max3A_136 : i1 to vector<16xi1>
      %reduce_max3A_138 = arith.constant -2147483648 : i32
      %reduce_max3A_139 = vector.broadcast %reduce_max3A_138 : i32 to vector<16xi32>
      %reduce_max3A_140 = arith.xori %select_n3A_135, %reduce_max3A_139 : vector<16xi32>
      %reduce_max3A_141 = tpu.scan <max>, %reduce_max3A_140 masked %reduce_max3A_137 : vector<16xi32>, vector<16xi1> -> vector<16xi32>
      %reduce_max3A_142 = arith.xori %reduce_max3A_141, %reduce_max3A_139 : vector<16xi32>
      %reduce_max3A_143 = vector.extract %reduce_max3A_142[15] : i32 from vector<16xi32>
      %mul3A_144 = arith.constant 16 : i32
      %mul3A_145 = arith.muli %scan3A_97#1, %mul3A_144 : i32
      %add3A_146 = arith.addi %mul3A_145, %reduce_max3A_143 : i32
      %eq3A_147 = vector.broadcast %reduce_max3A_143 : i32 to vector<16xi32>
      %eq3A_148 = arith.cmpi eq, %iota3A, %eq3A_147 : vector<16xi32>
      %jit3A_149 = arith.constant 0 : i32
      %broadcast_in_dim3A_150 = vector.broadcast %jit3A_149 : i32 to vector<16xi32>
      %select_n3A_151 = arith.select %eq3A_148, %add3A_129, %broadcast_in_dim3A_150 : vector<16xi1>, vector<16xi32>
      %reduce_max3A_152 = arith.constant true
      %reduce_max3A_153 = vector.broadcast %reduce_max3A_152 : i1 to vector<16xi1>
      %reduce_max3A_154 = arith.constant -2147483648 : i32
      %reduce_max3A_155 = vector.broadcast %reduce_max3A_154 : i32 to vector<16xi32>
      %reduce_max3A_156 = arith.xori %select_n3A_151, %reduce_max3A_155 : vector<16xi32>
      %reduce_max3A_157 = tpu.scan <max>, %reduce_max3A_156 masked %reduce_max3A_153 : vector<16xi32>, vector<16xi1> -> vector<16xi32>
      %reduce_max3A_158 = arith.xori %reduce_max3A_157, %reduce_max3A_155 : vector<16xi32>
      %reduce_max3A_159 = vector.extract %reduce_max3A_158[15] : i32 from vector<16xi32>
      %eq3A_160 = vector.broadcast %reduce_max3A_143 : i32 to vector<16xi32>
      %eq3A_161 = arith.cmpi eq, %iota3A, %eq3A_160 : vector<16xi32>
      %jit3A_162 = arith.constant 0 : i32
      %broadcast_in_dim3A_163 = vector.broadcast %jit3A_162 : i32 to vector<16xi32>
      %select_n3A_164 = arith.select %eq3A_161, %sub3A_130, %broadcast_in_dim3A_163 : vector<16xi1>, vector<16xi32>
      %reduce_max3A_165 = arith.constant true
      %reduce_max3A_166 = vector.broadcast %reduce_max3A_165 : i1 to vector<16xi1>
      %reduce_max3A_167 = arith.constant -2147483648 : i32
      %reduce_max3A_168 = vector.broadcast %reduce_max3A_167 : i32 to vector<16xi32>
      %reduce_max3A_169 = arith.xori %select_n3A_164, %reduce_max3A_168 : vector<16xi32>
      %reduce_max3A_170 = tpu.scan <max>, %reduce_max3A_169 masked %reduce_max3A_166 : vector<16xi32>, vector<16xi1> -> vector<16xi32>
      %reduce_max3A_171 = arith.xori %reduce_max3A_170, %reduce_max3A_168 : vector<16xi32>
      %reduce_max3A_172 = vector.extract %reduce_max3A_171[15] : i32 from vector<16xi32>
      %add3A_173 = arith.constant -2048 : i32
      %add3A_174 = arith.addi %add3A_173, %reduce_max3A_159 : i32
      %sub3A_175 = arith.subi %reduce_max3A_159, %reduce_max3A_172 : i32
      %parallel_loop3A_176 = arith.constant 0 : i32
      %parallel_loop3A_177 = arith.constant 256 : i32
      %parallel_loop3A_178 = arith.constant 1 : i32
      scf.for %parallel_loop3A_356 = %parallel_loop3A_176 to %parallel_loop3A_177 step %parallel_loop3A_178  : i32 {
        %parallel_loop3A_357 = arith.constant 16 : i32
        %parallel_loop3A_358 = arith.muli %parallel_loop3A_356, %parallel_loop3A_357 : i32
        %parallel_loop3A_359 = arith.index_cast %parallel_loop3A_358 : i32 to index
        %parallel_loop3A_360 = tpu.vector_load %arg5[%parallel_loop3A_359] {strides = array<i32>} : memref<4096xi32, #tpu.memory_space<vmem>>, vector<16xi32>,
        %parallel_loop3A_361 = arith.constant 20 : i32
        %parallel_loop3A_362 = vector.broadcast %parallel_loop3A_361 : i32 to vector<16xi32>
        %parallel_loop3A_363 = arith.shrsi %parallel_loop3A_360, %parallel_loop3A_362 : vector<16xi32>
        %parallel_loop3A_364 = arith.constant 2048 : i32
        %parallel_loop3A_365 = vector.broadcast %parallel_loop3A_364 : i32 to vector<16xi32>
        %parallel_loop3A_366 = arith.addi %parallel_loop3A_363, %parallel_loop3A_365 : vector<16xi32>
        %parallel_loop3A_367 = vector.broadcast %add3A_146 : i32 to vector<16xi32>
        %parallel_loop3A_368 = arith.cmpi eq, %parallel_loop3A_366, %parallel_loop3A_367 : vector<16xi32>
        %parallel_loop3A_369 = arith.constant 8 : i32
        %parallel_loop3A_370 = vector.broadcast %parallel_loop3A_369 : i32 to vector<16xi32>
        %parallel_loop3A_371 = arith.shrsi %parallel_loop3A_360, %parallel_loop3A_370 : vector<16xi32>
        %parallel_loop3A_372 = arith.constant 4095 : i32
        %parallel_loop3A_373 = vector.broadcast %parallel_loop3A_372 : i32 to vector<16xi32>
        %parallel_loop3A_374 = arith.andi %parallel_loop3A_371, %parallel_loop3A_373 : vector<16xi32>
        tpu.vector_store_idx %arg7[%parallel_loop3A_374], %broadcast_in_dim3A_8 masked %parallel_loop3A_368 {add = true} : memref<4096xi32, #tpu.memory_space<vmem>>[vector<16xi32>], vector<16xi32>, vector<16xi1>
        %parallel_loop3A_375 = arith.constant 12 : i32
        %parallel_loop3A_376 = vector.broadcast %parallel_loop3A_375 : i32 to vector<16xi32>
        %parallel_loop3A_377 = arith.shrsi %parallel_loop3A_360, %parallel_loop3A_376 : vector<16xi32>
        %parallel_loop3A_378 = arith.constant 255 : i32
        %parallel_loop3A_379 = vector.broadcast %parallel_loop3A_378 : i32 to vector<16xi32>
        %parallel_loop3A_380 = arith.andi %parallel_loop3A_377, %parallel_loop3A_379 : vector<16xi32>
        tpu.vector_store_idx %arg9[%parallel_loop3A_380], %broadcast_in_dim3A_8 masked %parallel_loop3A_368 {add = true} : memref<256xi32, #tpu.memory_space<vmem>>[vector<16xi32>], vector<16xi32>, vector<16xi1>
        %parallel_loop3A_381 = arith.constant 8 : i32
        %parallel_loop3A_382 = vector.broadcast %parallel_loop3A_381 : i32 to vector<16xi32>
        %parallel_loop3A_383 = arith.shrsi %parallel_loop3A_360, %parallel_loop3A_382 : vector<16xi32>
        %parallel_loop3A_384 = arith.constant 4095 : i32
        %parallel_loop3A_385 = vector.broadcast %parallel_loop3A_384 : i32 to vector<16xi32>
        %parallel_loop3A_386 = arith.andi %parallel_loop3A_383, %parallel_loop3A_385 : vector<16xi32>
        %parallel_loop3A_387 = vector.broadcast %parallel_loop3A_358 : i32 to vector<16xi32>
        %parallel_loop3A_388 = arith.addi %iota3A, %parallel_loop3A_387 : vector<16xi32>
        tpu.vector_store_idx %arg6[%parallel_loop3A_386], %parallel_loop3A_388 masked %parallel_loop3A_368 : memref<4096xi32, #tpu.memory_space<vmem>>[vector<16xi32>], vector<16xi32>, vector<16xi1>
      } {sc.loop_unroll_factor = 2 : i64, sc.parallel_access}
      %sub3A_179 = arith.subi %sub3A_175, %add3A_174 : i32
      %scan3A_180 = arith.constant 0 : i32
      %scan3A_181 = arith.constant -1 : i32
      %scan3A_182 = arith.constant 0 : i32
      %scan3A_183 = arith.constant 4 : i32
      %scan3A_184 = arith.addi %scan3A_182, %scan3A_183 : i32
      %scan3A_185 = arith.constant 1 : i32
      %scan3A_186:2 = scf.for %scan3A_356 = %scan3A_182 to %scan3A_184 step %scan3A_185 iter_args(%scan3A_357 = %scan3A_180, %scan3A_358 = %scan3A_181) -> (i32, i32)  : i32 {
        %mul3A_359 = arith.constant 64 : i32
        %mul3A_360 = arith.muli %scan3A_356, %mul3A_359 : i32
        %add3A_361 = arith.constant 0 : i32
        %add3A_362 = arith.addi %mul3A_360, %add3A_361 : i32
        %get3A_363 = arith.index_cast %add3A_362 : i32 to index
        %get3A_364 = tpu.vector_load %arg9[%get3A_363] {strides = array<i32>} : memref<256xi32, #tpu.memory_space<vmem>>, vector<16xi32>,
        %broadcast_in_dim3A_365 = arith.constant true
        %broadcast_in_dim3A_366 = vector.broadcast %broadcast_in_dim3A_365 : i1 to vector<16xi1>
        %masked_cumsum3A_367 = tpu.scan <sum>, %get3A_364 masked %broadcast_in_dim3A_366 : vector<16xi32>, vector<16xi1> -> vector<16xi32>
        %add3A_368 = vector.broadcast %scan3A_357 : i32 to vector<16xi32>
        %add3A_369 = arith.addi %masked_cumsum3A_367, %add3A_368 : vector<16xi32>
        %sub3A_370 = arith.subi %add3A_369, %get3A_364 : vector<16xi32>
        %le3A_371 = vector.broadcast %sub3A_179 : i32 to vector<16xi32>
        %le3A_372 = arith.cmpi sle, %sub3A_370, %le3A_371 : vector<16xi32>
        %add3A_373 = vector.broadcast %add3A_362 : i32 to vector<16xi32>
        %add3A_374 = arith.addi %iota3A, %add3A_373 : vector<16xi32>
        %jit3A_375 = arith.constant -1 : i32
        %broadcast_in_dim3A_376 = vector.broadcast %jit3A_375 : i32 to vector<16xi32>
        %select_n3A_377 = arith.select %le3A_372, %add3A_374, %broadcast_in_dim3A_376 : vector<16xi1>, vector<16xi32>
        %swap3A_378 = arith.index_cast %add3A_362 : i32 to index
        %swap3A_379 = tpu.vector_load %arg9[%swap3A_378] {strides = array<i32>} : memref<256xi32, #tpu.memory_space<vmem>>, vector<16xi32>,
        tpu.vector_store %arg9[%swap3A_378], %add3A_369 {strides = array<i32>} : memref<256xi32, #tpu.memory_space<vmem>>, vector<16xi32>,
        %reduce_sum3A = arith.constant true
        %reduce_sum3A_380 = vector.broadcast %reduce_sum3A : i1 to vector<16xi1>
        %reduce_sum3A_381 = tpu.scan <sum>, %get3A_364 masked %reduce_sum3A_380 : vector<16xi32>, vector<16xi1> -> vector<16xi32>
        %reduce_sum3A_382 = vector.extract %reduce_sum3A_381[15] : i32 from vector<16xi32>
        %add3A_383 = arith.addi %scan3A_357, %reduce_sum3A_382 : i32
        %reduce_max3A_384 = arith.constant true
        %reduce_max3A_385 = vector.broadcast %reduce_max3A_384 : i1 to vector<16xi1>
        %reduce_max3A_386 = arith.constant -2147483648 : i32
        %reduce_max3A_387 = vector.broadcast %reduce_max3A_386 : i32 to vector<16xi32>
        %reduce_max3A_388 = arith.xori %select_n3A_377, %reduce_max3A_387 : vector<16xi32>
        %reduce_max3A_389 = tpu.scan <max>, %reduce_max3A_388 masked %reduce_max3A_385 : vector<16xi32>, vector<16xi1> -> vector<16xi32>
        %reduce_max3A_390 = arith.xori %reduce_max3A_389, %reduce_max3A_387 : vector<16xi32>
        %reduce_max3A_391 = vector.extract %reduce_max3A_390[15] : i32 from vector<16xi32>
        %max3A_392 = arith.maxsi %scan3A_358, %reduce_max3A_391 : i32
        %mul3A_393 = arith.constant 64 : i32
        %mul3A_394 = arith.muli %scan3A_356, %mul3A_393 : i32
        %add3A_395 = arith.constant 16 : i32
        %add3A_396 = arith.addi %mul3A_394, %add3A_395 : i32
        %get3A_397 = arith.index_cast %add3A_396 : i32 to index
        %get3A_398 = tpu.vector_load %arg9[%get3A_397] {strides = array<i32>} : memref<256xi32, #tpu.memory_space<vmem>>, vector<16xi32>,
        %broadcast_in_dim3A_399 = arith.constant true
        %broadcast_in_dim3A_400 = vector.broadcast %broadcast_in_dim3A_399 : i1 to vector<16xi1>
        %masked_cumsum3A_401 = tpu.scan <sum>, %get3A_398 masked %broadcast_in_dim3A_400 : vector<16xi32>, vector<16xi1> -> vector<16xi32>
        %add3A_402 = vector.broadcast %add3A_383 : i32 to vector<16xi32>
        %add3A_403 = arith.addi %masked_cumsum3A_401, %add3A_402 : vector<16xi32>
        %sub3A_404 = arith.subi %add3A_403, %get3A_398 : vector<16xi32>
        %le3A_405 = vector.broadcast %sub3A_179 : i32 to vector<16xi32>
        %le3A_406 = arith.cmpi sle, %sub3A_404, %le3A_405 : vector<16xi32>
        %add3A_407 = vector.broadcast %add3A_396 : i32 to vector<16xi32>
        %add3A_408 = arith.addi %iota3A, %add3A_407 : vector<16xi32>
        %jit3A_409 = arith.constant -1 : i32
        %broadcast_in_dim3A_410 = vector.broadcast %jit3A_409 : i32 to vector<16xi32>
        %select_n3A_411 = arith.select %le3A_406, %add3A_408, %broadcast_in_dim3A_410 : vector<16xi1>, vector<16xi32>
        %swap3A_412 = arith.index_cast %add3A_396 : i32 to index
        %swap3A_413 = tpu.vector_load %arg9[%swap3A_412] {strides = array<i32>} : memref<256xi32, #tpu.memory_space<vmem>>, vector<16xi32>,
        tpu.vector_store %arg9[%swap3A_412], %add3A_403 {strides = array<i32>} : memref<256xi32, #tpu.memory_space<vmem>>, vector<16xi32>,
        %reduce_sum3A_414 = arith.constant true
        %reduce_sum3A_415 = vector.broadcast %reduce_sum3A_414 : i1 to vector<16xi1>
        %reduce_sum3A_416 = tpu.scan <sum>, %get3A_398 masked %reduce_sum3A_415 : vector<16xi32>, vector<16xi1> -> vector<16xi32>
        %reduce_sum3A_417 = vector.extract %reduce_sum3A_416[15] : i32 from vector<16xi32>
        %add3A_418 = arith.addi %add3A_383, %reduce_sum3A_417 : i32
        %reduce_max3A_419 = arith.constant true
        %reduce_max3A_420 = vector.broadcast %reduce_max3A_419 : i1 to vector<16xi1>
        %reduce_max3A_421 = arith.constant -2147483648 : i32
        %reduce_max3A_422 = vector.broadcast %reduce_max3A_421 : i32 to vector<16xi32>
        %reduce_max3A_423 = arith.xori %select_n3A_411, %reduce_max3A_422 : vector<16xi32>
        %reduce_max3A_424 = tpu.scan <max>, %reduce_max3A_423 masked %reduce_max3A_420 : vector<16xi32>, vector<16xi1> -> vector<16xi32>
        %reduce_max3A_425 = arith.xori %reduce_max3A_424, %reduce_max3A_422 : vector<16xi32>
        %reduce_max3A_426 = vector.extract %reduce_max3A_425[15] : i32 from vector<16xi32>
        %max3A_427 = arith.maxsi %max3A_392, %reduce_max3A_426 : i32
        %mul3A_428 = arith.constant 64 : i32
        %mul3A_429 = arith.muli %scan3A_356, %mul3A_428 : i32
        %add3A_430 = arith.constant 32 : i32
        %add3A_431 = arith.addi %mul3A_429, %add3A_430 : i32
        %get3A_432 = arith.index_cast %add3A_431 : i32 to index
        %get3A_433 = tpu.vector_load %arg9[%get3A_432] {strides = array<i32>} : memref<256xi32, #tpu.memory_space<vmem>>, vector<16xi32>,
        %broadcast_in_dim3A_434 = arith.constant true
        %broadcast_in_dim3A_435 = vector.broadcast %broadcast_in_dim3A_434 : i1 to vector<16xi1>
        %masked_cumsum3A_436 = tpu.scan <sum>, %get3A_433 masked %broadcast_in_dim3A_435 : vector<16xi32>, vector<16xi1> -> vector<16xi32>
        %add3A_437 = vector.broadcast %add3A_418 : i32 to vector<16xi32>
        %add3A_438 = arith.addi %masked_cumsum3A_436, %add3A_437 : vector<16xi32>
        %sub3A_439 = arith.subi %add3A_438, %get3A_433 : vector<16xi32>
        %le3A_440 = vector.broadcast %sub3A_179 : i32 to vector<16xi32>
        %le3A_441 = arith.cmpi sle, %sub3A_439, %le3A_440 : vector<16xi32>
        %add3A_442 = vector.broadcast %add3A_431 : i32 to vector<16xi32>
        %add3A_443 = arith.addi %iota3A, %add3A_442 : vector<16xi32>
        %jit3A_444 = arith.constant -1 : i32
        %broadcast_in_dim3A_445 = vector.broadcast %jit3A_444 : i32 to vector<16xi32>
        %select_n3A_446 = arith.select %le3A_441, %add3A_443, %broadcast_in_dim3A_445 : vector<16xi1>, vector<16xi32>
        %swap3A_447 = arith.index_cast %add3A_431 : i32 to index
        %swap3A_448 = tpu.vector_load %arg9[%swap3A_447] {strides = array<i32>} : memref<256xi32, #tpu.memory_space<vmem>>, vector<16xi32>,
        tpu.vector_store %arg9[%swap3A_447], %add3A_438 {strides = array<i32>} : memref<256xi32, #tpu.memory_space<vmem>>, vector<16xi32>,
        %reduce_sum3A_449 = arith.constant true
        %reduce_sum3A_450 = vector.broadcast %reduce_sum3A_449 : i1 to vector<16xi1>
        %reduce_sum3A_451 = tpu.scan <sum>, %get3A_433 masked %reduce_sum3A_450 : vector<16xi32>, vector<16xi1> -> vector<16xi32>
        %reduce_sum3A_452 = vector.extract %reduce_sum3A_451[15] : i32 from vector<16xi32>
        %add3A_453 = arith.addi %add3A_418, %reduce_sum3A_452 : i32
        %reduce_max3A_454 = arith.constant true
        %reduce_max3A_455 = vector.broadcast %reduce_max3A_454 : i1 to vector<16xi1>
        %reduce_max3A_456 = arith.constant -2147483648 : i32
        %reduce_max3A_457 = vector.broadcast %reduce_max3A_456 : i32 to vector<16xi32>
        %reduce_max3A_458 = arith.xori %select_n3A_446, %reduce_max3A_457 : vector<16xi32>
        %reduce_max3A_459 = tpu.scan <max>, %reduce_max3A_458 masked %reduce_max3A_455 : vector<16xi32>, vector<16xi1> -> vector<16xi32>
        %reduce_max3A_460 = arith.xori %reduce_max3A_459, %reduce_max3A_457 : vector<16xi32>
        %reduce_max3A_461 = vector.extract %reduce_max3A_460[15] : i32 from vector<16xi32>
        %max3A_462 = arith.maxsi %max3A_427, %reduce_max3A_461 : i32
        %mul3A_463 = arith.constant 64 : i32
        %mul3A_464 = arith.muli %scan3A_356, %mul3A_463 : i32
        %add3A_465 = arith.constant 48 : i32
        %add3A_466 = arith.addi %mul3A_464, %add3A_465 : i32
        %get3A_467 = arith.index_cast %add3A_466 : i32 to index
        %get3A_468 = tpu.vector_load %arg9[%get3A_467] {strides = array<i32>} : memref<256xi32, #tpu.memory_space<vmem>>, vector<16xi32>,
        %broadcast_in_dim3A_469 = arith.constant true
        %broadcast_in_dim3A_470 = vector.broadcast %broadcast_in_dim3A_469 : i1 to vector<16xi1>
        %masked_cumsum3A_471 = tpu.scan <sum>, %get3A_468 masked %broadcast_in_dim3A_470 : vector<16xi32>, vector<16xi1> -> vector<16xi32>
        %add3A_472 = vector.broadcast %add3A_453 : i32 to vector<16xi32>
        %add3A_473 = arith.addi %masked_cumsum3A_471, %add3A_472 : vector<16xi32>
        %sub3A_474 = arith.subi %add3A_473, %get3A_468 : vector<16xi32>
        %le3A_475 = vector.broadcast %sub3A_179 : i32 to vector<16xi32>
        %le3A_476 = arith.cmpi sle, %sub3A_474, %le3A_475 : vector<16xi32>
        %add3A_477 = vector.broadcast %add3A_466 : i32 to vector<16xi32>
        %add3A_478 = arith.addi %iota3A, %add3A_477 : vector<16xi32>
        %jit3A_479 = arith.constant -1 : i32
        %broadcast_in_dim3A_480 = vector.broadcast %jit3A_479 : i32 to vector<16xi32>
        %select_n3A_481 = arith.select %le3A_476, %add3A_478, %broadcast_in_dim3A_480 : vector<16xi1>, vector<16xi32>
        %swap3A_482 = arith.index_cast %add3A_466 : i32 to index
        %swap3A_483 = tpu.vector_load %arg9[%swap3A_482] {strides = array<i32>} : memref<256xi32, #tpu.memory_space<vmem>>, vector<16xi32>,
        tpu.vector_store %arg9[%swap3A_482], %add3A_473 {strides = array<i32>} : memref<256xi32, #tpu.memory_space<vmem>>, vector<16xi32>,
        %reduce_sum3A_484 = arith.constant true
        %reduce_sum3A_485 = vector.broadcast %reduce_sum3A_484 : i1 to vector<16xi1>
        %reduce_sum3A_486 = tpu.scan <sum>, %get3A_468 masked %reduce_sum3A_485 : vector<16xi32>, vector<16xi1> -> vector<16xi32>
        %reduce_sum3A_487 = vector.extract %reduce_sum3A_486[15] : i32 from vector<16xi32>
        %add3A_488 = arith.addi %add3A_453, %reduce_sum3A_487 : i32
        %reduce_max3A_489 = arith.constant true
        %reduce_max3A_490 = vector.broadcast %reduce_max3A_489 : i1 to vector<16xi1>
        %reduce_max3A_491 = arith.constant -2147483648 : i32
        %reduce_max3A_492 = vector.broadcast %reduce_max3A_491 : i32 to vector<16xi32>
        %reduce_max3A_493 = arith.xori %select_n3A_481, %reduce_max3A_492 : vector<16xi32>
        %reduce_max3A_494 = tpu.scan <max>, %reduce_max3A_493 masked %reduce_max3A_490 : vector<16xi32>, vector<16xi1> -> vector<16xi32>
        %reduce_max3A_495 = arith.xori %reduce_max3A_494, %reduce_max3A_492 : vector<16xi32>
        %reduce_max3A_496 = vector.extract %reduce_max3A_495[15] : i32 from vector<16xi32>
        %max3A_497 = arith.maxsi %max3A_462, %reduce_max3A_496 : i32
        scf.yield %add3A_488, %max3A_497 : i32, i32
      }
      %scan3A_187 = arith.constant 4 : i32
      %broadcast_in_dim3A_188 = vector.broadcast %scan3A_186#1 : i32 to vector<16xi32>
      %sub3A_189 = arith.subi %broadcast_in_dim3A_188, %iota3A : vector<16xi32>
      %max3A_190 = arith.constant 0 : i32
      %max3A_191 = vector.broadcast %max3A_190 : i32 to vector<16xi32>
      %max3A_192 = arith.maxsi %sub3A_189, %max3A_191 : vector<16xi32>
      %gather3A_193 = tpu.vector_load_idx %arg9[%max3A_192] : memref<256xi32, #tpu.memory_space<vmem>>[vector<16xi32>], vector<16xi32>,
      %reduce_max3A_194 = arith.constant true
      %reduce_max3A_195 = vector.broadcast %reduce_max3A_194 : i1 to vector<16xi1>
      %reduce_max3A_196 = arith.constant -2147483648 : i32
      %reduce_max3A_197 = vector.broadcast %reduce_max3A_196 : i32 to vector<16xi32>
      %reduce_max3A_198 = arith.xori %gather3A_193, %reduce_max3A_197 : vector<16xi32>
      %reduce_max3A_199 = tpu.scan <max>, %reduce_max3A_198 masked %reduce_max3A_195 : vector<16xi32>, vector<16xi1> -> vector<16xi32>
      %reduce_max3A_200 = arith.xori %reduce_max3A_199, %reduce_max3A_197 : vector<16xi32>
      %reduce_max3A_201 = vector.extract %reduce_max3A_200[15] : i32 from vector<16xi32>
      %gt3A_202 = arith.constant 0 : i32
      %gt3A_203 = arith.cmpi sgt, %scan3A_186#1, %gt3A_202 : i32
      %eq3A_204 = arith.constant 1 : i32
      %eq3A_205 = vector.broadcast %eq3A_204 : i32 to vector<16xi32>
      %eq3A_206 = arith.cmpi eq, %iota3A, %eq3A_205 : vector<16xi32>
      %jit3A_207 = arith.constant 0 : i32
      %broadcast_in_dim3A_208 = vector.broadcast %jit3A_207 : i32 to vector<16xi32>
      %select_n3A_209 = arith.select %eq3A_206, %gather3A_193, %broadcast_in_dim3A_208 : vector<16xi1>, vector<16xi32>
      %reduce_max3A_210 = arith.constant true
      %reduce_max3A_211 = vector.broadcast %reduce_max3A_210 : i1 to vector<16xi1>
      %reduce_max3A_212 = arith.constant -2147483648 : i32
      %reduce_max3A_213 = vector.broadcast %reduce_max3A_212 : i32 to vector<16xi32>
      %reduce_max3A_214 = arith.xori %select_n3A_209, %reduce_max3A_213 : vector<16xi32>
      %reduce_max3A_215 = tpu.scan <max>, %reduce_max3A_214 masked %reduce_max3A_211 : vector<16xi32>, vector<16xi1> -> vector<16xi32>
      %reduce_max3A_216 = arith.xori %reduce_max3A_215, %reduce_max3A_213 : vector<16xi32>
      %reduce_max3A_217 = vector.extract %reduce_max3A_216[15] : i32 from vector<16xi32>
      %jit3A_218 = arith.constant 0 : i32
      %select_n3A_219 = arith.select %gt3A_203, %reduce_max3A_217, %jit3A_218 : i32
      %mul3A_220 = arith.constant 16 : i32
      %mul3A_221 = arith.muli %scan3A_186#1, %mul3A_220 : i32
      %get3A_222 = arith.index_cast %mul3A_221 : i32 to index
      %get3A_223 = tpu.vector_load %arg7[%get3A_222] {strides = array<i32>} : memref<4096xi32, #tpu.memory_space<vmem>>, vector<16xi32>,
      %broadcast_in_dim3A_224 = arith.constant true
      %broadcast_in_dim3A_225 = vector.broadcast %broadcast_in_dim3A_224 : i1 to vector<16xi1>
      %masked_cumsum3A_226 = tpu.scan <sum>, %get3A_223 masked %broadcast_in_dim3A_225 : vector<16xi32>, vector<16xi1> -> vector<16xi32>
      %add3A_227 = vector.broadcast %select_n3A_219 : i32 to vector<16xi32>
      %add3A_228 = arith.addi %masked_cumsum3A_226, %add3A_227 : vector<16xi32>
      %sub3A_229 = arith.subi %add3A_228, %get3A_223 : vector<16xi32>
      %le3A_230 = vector.broadcast %sub3A_179 : i32 to vector<16xi32>
      %le3A_231 = arith.cmpi sle, %sub3A_229, %le3A_230 : vector<16xi32>
      %jit3A_232 = arith.constant -1 : i32
      %broadcast_in_dim3A_233 = vector.broadcast %jit3A_232 : i32 to vector<16xi32>
      %select_n3A_234 = arith.select %le3A_231, %iota3A, %broadcast_in_dim3A_233 : vector<16xi1>, vector<16xi32>
      %reduce_max3A_235 = arith.constant true
      %reduce_max3A_236 = vector.broadcast %reduce_max3A_235 : i1 to vector<16xi1>
      %reduce_max3A_237 = arith.constant -2147483648 : i32
      %reduce_max3A_238 = vector.broadcast %reduce_max3A_237 : i32 to vector<16xi32>
      %reduce_max3A_239 = arith.xori %select_n3A_234, %reduce_max3A_238 : vector<16xi32>
      %reduce_max3A_240 = tpu.scan <max>, %reduce_max3A_239 masked %reduce_max3A_236 : vector<16xi32>, vector<16xi1> -> vector<16xi32>
      %reduce_max3A_241 = arith.xori %reduce_max3A_240, %reduce_max3A_238 : vector<16xi32>
      %reduce_max3A_242 = vector.extract %reduce_max3A_241[15] : i32 from vector<16xi32>
      %mul3A_243 = arith.constant 16 : i32
      %mul3A_244 = arith.muli %scan3A_186#1, %mul3A_243 : i32
      %add3A_245 = arith.addi %mul3A_244, %reduce_max3A_242 : i32
      %eq3A_246 = vector.broadcast %reduce_max3A_242 : i32 to vector<16xi32>
      %eq3A_247 = arith.cmpi eq, %iota3A, %eq3A_246 : vector<16xi32>
      %jit3A_248 = arith.constant 0 : i32
      %broadcast_in_dim3A_249 = vector.broadcast %jit3A_248 : i32 to vector<16xi32>
      %select_n3A_250 = arith.select %eq3A_247, %add3A_228, %broadcast_in_dim3A_249 : vector<16xi1>, vector<16xi32>
      %reduce_max3A_251 = arith.constant true
      %reduce_max3A_252 = vector.broadcast %reduce_max3A_251 : i1 to vector<16xi1>
      %reduce_max3A_253 = arith.constant -2147483648 : i32
      %reduce_max3A_254 = vector.broadcast %reduce_max3A_253 : i32 to vector<16xi32>
      %reduce_max3A_255 = arith.xori %select_n3A_250, %reduce_max3A_254 : vector<16xi32>
      %reduce_max3A_256 = tpu.scan <max>, %reduce_max3A_255 masked %reduce_max3A_252 : vector<16xi32>, vector<16xi1> -> vector<16xi32>
      %reduce_max3A_257 = arith.xori %reduce_max3A_256, %reduce_max3A_254 : vector<16xi32>
      %reduce_max3A_258 = vector.extract %reduce_max3A_257[15] : i32 from vector<16xi32>
      %eq3A_259 = vector.broadcast %reduce_max3A_242 : i32 to vector<16xi32>
      %eq3A_260 = arith.cmpi eq, %iota3A, %eq3A_259 : vector<16xi32>
      %jit3A_261 = arith.constant 0 : i32
      %broadcast_in_dim3A_262 = vector.broadcast %jit3A_261 : i32 to vector<16xi32>
      %select_n3A_263 = arith.select %eq3A_260, %sub3A_229, %broadcast_in_dim3A_262 : vector<16xi1>, vector<16xi32>
      %reduce_max3A_264 = arith.constant true
      %reduce_max3A_265 = vector.broadcast %reduce_max3A_264 : i1 to vector<16xi1>
      %reduce_max3A_266 = arith.constant -2147483648 : i32
      %reduce_max3A_267 = vector.broadcast %reduce_max3A_266 : i32 to vector<16xi32>
      %reduce_max3A_268 = arith.xori %select_n3A_263, %reduce_max3A_267 : vector<16xi32>
      %reduce_max3A_269 = tpu.scan <max>, %reduce_max3A_268 masked %reduce_max3A_265 : vector<16xi32>, vector<16xi1> -> vector<16xi32>
      %reduce_max3A_270 = arith.xori %reduce_max3A_269, %reduce_max3A_267 : vector<16xi32>
      %reduce_max3A_271 = vector.extract %reduce_max3A_270[15] : i32 from vector<16xi32>
      %sub3A_272 = arith.subi %sub3A_175, %reduce_max3A_258 : i32
      %sub3A_273 = arith.subi %add3A_174, %sub3A_272 : i32
      %sub3A_274 = arith.subi %reduce_max3A_258, %reduce_max3A_271 : i32
      %eq3A_275 = arith.constant 1 : i32
      %eq3A_276 = arith.cmpi eq, %sub3A_274, %eq3A_275 : i32
      %convert_element_type3A_277 = arith.extui %eq3A_276 : i1 to i32
      %cond3A_278 = arith.constant 0 : i32
      %cond3A_279 = arith.cmpi ne, %convert_element_type3A_277, %cond3A_278 : i32
      scf.if %cond3A_279 {
        %broadcast_in_dim3A_356 = vector.broadcast %add3A_245 : i32 to vector<16xi32>
        %gather3A_357 = tpu.vector_load_idx %arg6[%broadcast_in_dim3A_356] : memref<4096xi32, #tpu.memory_space<vmem>>[vector<16xi32>], vector<16xi32>,
        %reduce_max3A_358 = arith.constant true
        %reduce_max3A_359 = vector.broadcast %reduce_max3A_358 : i1 to vector<16xi1>
        %reduce_max3A_360 = arith.constant -2147483648 : i32
        %reduce_max3A_361 = vector.broadcast %reduce_max3A_360 : i32 to vector<16xi32>
        %reduce_max3A_362 = arith.xori %gather3A_357, %reduce_max3A_361 : vector<16xi32>
        %reduce_max3A_363 = tpu.scan <max>, %reduce_max3A_362 masked %reduce_max3A_359 : vector<16xi32>, vector<16xi1> -> vector<16xi32>
        %reduce_max3A_364 = arith.xori %reduce_max3A_363, %reduce_max3A_361 : vector<16xi32>
        %reduce_max3A_365 = vector.extract %reduce_max3A_364[15] : i32 from vector<16xi32>
        %broadcast_in_dim3A_366 = vector.broadcast %reduce_max3A_365 : i32 to vector<16xi32>
        %gather3A_367 = tpu.vector_load_idx %arg5[%broadcast_in_dim3A_366] : memref<4096xi32, #tpu.memory_space<vmem>>[vector<16xi32>], vector<16xi32>,
        %reduce_max3A_368 = arith.constant true
        %reduce_max3A_369 = vector.broadcast %reduce_max3A_368 : i1 to vector<16xi1>
        %reduce_max3A_370 = arith.constant -2147483648 : i32
        %reduce_max3A_371 = vector.broadcast %reduce_max3A_370 : i32 to vector<16xi32>
        %reduce_max3A_372 = arith.xori %gather3A_367, %reduce_max3A_371 : vector<16xi32>
        %reduce_max3A_373 = tpu.scan <max>, %reduce_max3A_372 masked %reduce_max3A_369 : vector<16xi32>, vector<16xi1> -> vector<16xi32>
        %reduce_max3A_374 = arith.xori %reduce_max3A_373, %reduce_max3A_371 : vector<16xi32>
        %reduce_max3A_375 = vector.extract %reduce_max3A_374[15] : i32 from vector<16xi32>
        %broadcast_in_dim3A_376 = arith.constant 0 : i32
        %broadcast_in_dim3A_377 = vector.broadcast %broadcast_in_dim3A_376 : i32 to vector<16xi32>
        %add3A_378 = vector.broadcast %reduce_max3A_375 : i32 to vector<16xi32>
        %add3A_379 = arith.addi %broadcast_in_dim3A_377, %add3A_378 : vector<16xi32>
        %swap3A_380 = arith.constant 0 : index
        %swap3A_381 = tpu.vector_load %arg8[%swap3A_380] {strides = array<i32>} : memref<256xi32, #tpu.memory_space<vmem>>, vector<16xi32>,
        tpu.vector_store %arg8[%swap3A_380], %add3A_379 {strides = array<i32>} : memref<256xi32, #tpu.memory_space<vmem>>, vector<16xi32>,
      } else {
      }
      %gt3A_280 = arith.constant 1 : i32
      %gt3A_281 = arith.cmpi sgt, %sub3A_274, %gt3A_280 : i32
      %convert_element_type3A_282 = arith.extui %gt3A_281 : i1 to i32
      %cond3A_283 = arith.constant 0 : i32
      %cond3A_284 = arith.cmpi ne, %convert_element_type3A_282, %cond3A_283 : i32
      scf.if %cond3A_284 {
        %swap3A_356 = arith.constant 0 : index
        %swap3A_357 = tpu.vector_load %arg6[%swap3A_356] {strides = array<i32>} : memref<4096xi32, #tpu.memory_space<vmem>>, vector<16xi32>,
        tpu.vector_store %arg6[%swap3A_356], %broadcast_in_dim3A_10 {strides = array<i32>} : memref<4096xi32, #tpu.memory_space<vmem>>, vector<16xi32>,
        %swap3A_358 = arith.constant 16 : index
        %swap3A_359 = tpu.vector_load %arg6[%swap3A_358] {strides = array<i32>} : memref<4096xi32, #tpu.memory_space<vmem>>, vector<16xi32>,
        tpu.vector_store %arg6[%swap3A_358], %broadcast_in_dim3A_10 {strides = array<i32>} : memref<4096xi32, #tpu.memory_space<vmem>>, vector<16xi32>,
        %swap3A_360 = arith.constant 32 : index
        %swap3A_361 = tpu.vector_load %arg6[%swap3A_360] {strides = array<i32>} : memref<4096xi32, #tpu.memory_space<vmem>>, vector<16xi32>,
        tpu.vector_store %arg6[%swap3A_360], %broadcast_in_dim3A_10 {strides = array<i32>} : memref<4096xi32, #tpu.memory_space<vmem>>, vector<16xi32>,
        %swap3A_362 = arith.constant 48 : index
        %swap3A_363 = tpu.vector_load %arg6[%swap3A_362] {strides = array<i32>} : memref<4096xi32, #tpu.memory_space<vmem>>, vector<16xi32>,
        tpu.vector_store %arg6[%swap3A_362], %broadcast_in_dim3A_10 {strides = array<i32>} : memref<4096xi32, #tpu.memory_space<vmem>>, vector<16xi32>,
        %swap3A_364 = arith.constant 64 : index
        %swap3A_365 = tpu.vector_load %arg6[%swap3A_364] {strides = array<i32>} : memref<4096xi32, #tpu.memory_space<vmem>>, vector<16xi32>,
        tpu.vector_store %arg6[%swap3A_364], %broadcast_in_dim3A_10 {strides = array<i32>} : memref<4096xi32, #tpu.memory_space<vmem>>, vector<16xi32>,
        %swap3A_366 = arith.constant 80 : index
        %swap3A_367 = tpu.vector_load %arg6[%swap3A_366] {strides = array<i32>} : memref<4096xi32, #tpu.memory_space<vmem>>, vector<16xi32>,
        tpu.vector_store %arg6[%swap3A_366], %broadcast_in_dim3A_10 {strides = array<i32>} : memref<4096xi32, #tpu.memory_space<vmem>>, vector<16xi32>,
        %swap3A_368 = arith.constant 96 : index
        %swap3A_369 = tpu.vector_load %arg6[%swap3A_368] {strides = array<i32>} : memref<4096xi32, #tpu.memory_space<vmem>>, vector<16xi32>,
        tpu.vector_store %arg6[%swap3A_368], %broadcast_in_dim3A_10 {strides = array<i32>} : memref<4096xi32, #tpu.memory_space<vmem>>, vector<16xi32>,
        %swap3A_370 = arith.constant 112 : index
        %swap3A_371 = tpu.vector_load %arg6[%swap3A_370] {strides = array<i32>} : memref<4096xi32, #tpu.memory_space<vmem>>, vector<16xi32>,
        tpu.vector_store %arg6[%swap3A_370], %broadcast_in_dim3A_10 {strides = array<i32>} : memref<4096xi32, #tpu.memory_space<vmem>>, vector<16xi32>,
        %swap3A_372 = arith.constant 128 : index
        %swap3A_373 = tpu.vector_load %arg6[%swap3A_372] {strides = array<i32>} : memref<4096xi32, #tpu.memory_space<vmem>>, vector<16xi32>,
        tpu.vector_store %arg6[%swap3A_372], %broadcast_in_dim3A_10 {strides = array<i32>} : memref<4096xi32, #tpu.memory_space<vmem>>, vector<16xi32>,
        %swap3A_374 = arith.constant 144 : index
        %swap3A_375 = tpu.vector_load %arg6[%swap3A_374] {strides = array<i32>} : memref<4096xi32, #tpu.memory_space<vmem>>, vector<16xi32>,
        tpu.vector_store %arg6[%swap3A_374], %broadcast_in_dim3A_10 {strides = array<i32>} : memref<4096xi32, #tpu.memory_space<vmem>>, vector<16xi32>,
        %swap3A_376 = arith.constant 160 : index
        %swap3A_377 = tpu.vector_load %arg6[%swap3A_376] {strides = array<i32>} : memref<4096xi32, #tpu.memory_space<vmem>>, vector<16xi32>,
        tpu.vector_store %arg6[%swap3A_376], %broadcast_in_dim3A_10 {strides = array<i32>} : memref<4096xi32, #tpu.memory_space<vmem>>, vector<16xi32>,
        %swap3A_378 = arith.constant 176 : index
        %swap3A_379 = tpu.vector_load %arg6[%swap3A_378] {strides = array<i32>} : memref<4096xi32, #tpu.memory_space<vmem>>, vector<16xi32>,
        tpu.vector_store %arg6[%swap3A_378], %broadcast_in_dim3A_10 {strides = array<i32>} : memref<4096xi32, #tpu.memory_space<vmem>>, vector<16xi32>,
        %swap3A_380 = arith.constant 192 : index
        %swap3A_381 = tpu.vector_load %arg6[%swap3A_380] {strides = array<i32>} : memref<4096xi32, #tpu.memory_space<vmem>>, vector<16xi32>,
        tpu.vector_store %arg6[%swap3A_380], %broadcast_in_dim3A_10 {strides = array<i32>} : memref<4096xi32, #tpu.memory_space<vmem>>, vector<16xi32>,
        %swap3A_382 = arith.constant 208 : index
        %swap3A_383 = tpu.vector_load %arg6[%swap3A_382] {strides = array<i32>} : memref<4096xi32, #tpu.memory_space<vmem>>, vector<16xi32>,
        tpu.vector_store %arg6[%swap3A_382], %broadcast_in_dim3A_10 {strides = array<i32>} : memref<4096xi32, #tpu.memory_space<vmem>>, vector<16xi32>,
        %swap3A_384 = arith.constant 224 : index
        %swap3A_385 = tpu.vector_load %arg6[%swap3A_384] {strides = array<i32>} : memref<4096xi32, #tpu.memory_space<vmem>>, vector<16xi32>,
        tpu.vector_store %arg6[%swap3A_384], %broadcast_in_dim3A_10 {strides = array<i32>} : memref<4096xi32, #tpu.memory_space<vmem>>, vector<16xi32>,
        %swap3A_386 = arith.constant 240 : index
        %swap3A_387 = tpu.vector_load %arg6[%swap3A_386] {strides = array<i32>} : memref<4096xi32, #tpu.memory_space<vmem>>, vector<16xi32>,
        tpu.vector_store %arg6[%swap3A_386], %broadcast_in_dim3A_10 {strides = array<i32>} : memref<4096xi32, #tpu.memory_space<vmem>>, vector<16xi32>,
        %scan3A_388 = arith.constant 0 : i32
        %scan3A_389 = arith.constant 0 : i32
        %scan3A_390 = arith.constant 64 : i32
        %scan3A_391 = arith.addi %scan3A_389, %scan3A_390 : i32
        %scan3A_392 = arith.constant 1 : i32
        %scan3A_393 = scf.for %scan3A_448 = %scan3A_389 to %scan3A_391 step %scan3A_392 iter_args(%scan3A_449 = %scan3A_388) -> (i32)  : i32 {
          %mul3A_450 = arith.constant 64 : i32
          %mul3A_451 = arith.muli %scan3A_448, %mul3A_450 : i32
          %add3A_452 = arith.constant 0 : i32
          %add3A_453 = arith.addi %mul3A_451, %add3A_452 : i32
          %get3A_454 = arith.index_cast %add3A_453 : i32 to index
          %get3A_455 = tpu.vector_load %arg5[%get3A_454] {strides = array<i32>} : memref<4096xi32, #tpu.memory_space<vmem>>, vector<16xi32>,
          %shift_right_arithmetic3A_456 = arith.constant 20 : i32
          %shift_right_arithmetic3A_457 = vector.broadcast %shift_right_arithmetic3A_456 : i32 to vector<16xi32>
          %shift_right_arithmetic3A_458 = arith.shrsi %get3A_455, %shift_right_arithmetic3A_457 : vector<16xi32>
          %add3A_459 = arith.constant 2048 : i32
          %add3A_460 = vector.broadcast %add3A_459 : i32 to vector<16xi32>
          %add3A_461 = arith.addi %shift_right_arithmetic3A_458, %add3A_460 : vector<16xi32>
          %eq3A_462 = vector.broadcast %add3A_146 : i32 to vector<16xi32>
          %eq3A_463 = arith.cmpi eq, %add3A_461, %eq3A_462 : vector<16xi32>
          %shift_right_arithmetic3A_464 = arith.constant 8 : i32
          %shift_right_arithmetic3A_465 = vector.broadcast %shift_right_arithmetic3A_464 : i32 to vector<16xi32>
          %shift_right_arithmetic3A_466 = arith.shrsi %get3A_455, %shift_right_arithmetic3A_465 : vector<16xi32>
          %and3A_467 = arith.constant 4095 : i32
          %and3A_468 = vector.broadcast %and3A_467 : i32 to vector<16xi32>
          %and3A_469 = arith.andi %shift_right_arithmetic3A_466, %and3A_468 : vector<16xi32>
          %eq3A_470 = vector.broadcast %add3A_245 : i32 to vector<16xi32>
          %eq3A_471 = arith.cmpi eq, %and3A_469, %eq3A_470 : vector<16xi32>
          %and3A_472 = arith.andi %eq3A_463, %eq3A_471 : vector<16xi1>
          %and3A_473 = arith.constant 255 : i32
          %and3A_474 = vector.broadcast %and3A_473 : i32 to vector<16xi32>
          %and3A_475 = arith.andi %get3A_455, %and3A_474 : vector<16xi32>
          tpu.vector_store_idx %arg6[%and3A_475], %broadcast_in_dim3A_8 masked %and3A_472 {add = true} : memref<4096xi32, #tpu.memory_space<vmem>>[vector<16xi32>], vector<16xi32>, vector<16xi1>
          %mul3A_476 = arith.constant 64 : i32
          %mul3A_477 = arith.muli %scan3A_448, %mul3A_476 : i32
          %add3A_478 = arith.constant 16 : i32
          %add3A_479 = arith.addi %mul3A_477, %add3A_478 : i32
          %get3A_480 = arith.index_cast %add3A_479 : i32 to index
          %get3A_481 = tpu.vector_load %arg5[%get3A_480] {strides = array<i32>} : memref<4096xi32, #tpu.memory_space<vmem>>, vector<16xi32>,
          %shift_right_arithmetic3A_482 = arith.constant 20 : i32
          %shift_right_arithmetic3A_483 = vector.broadcast %shift_right_arithmetic3A_482 : i32 to vector<16xi32>
          %shift_right_arithmetic3A_484 = arith.shrsi %get3A_481, %shift_right_arithmetic3A_483 : vector<16xi32>
          %add3A_485 = arith.constant 2048 : i32
          %add3A_486 = vector.broadcast %add3A_485 : i32 to vector<16xi32>
          %add3A_487 = arith.addi %shift_right_arithmetic3A_484, %add3A_486 : vector<16xi32>
          %eq3A_488 = vector.broadcast %add3A_146 : i32 to vector<16xi32>
          %eq3A_489 = arith.cmpi eq, %add3A_487, %eq3A_488 : vector<16xi32>
          %shift_right_arithmetic3A_490 = arith.constant 8 : i32
          %shift_right_arithmetic3A_491 = vector.broadcast %shift_right_arithmetic3A_490 : i32 to vector<16xi32>
          %shift_right_arithmetic3A_492 = arith.shrsi %get3A_481, %shift_right_arithmetic3A_491 : vector<16xi32>
          %and3A_493 = arith.constant 4095 : i32
          %and3A_494 = vector.broadcast %and3A_493 : i32 to vector<16xi32>
          %and3A_495 = arith.andi %shift_right_arithmetic3A_492, %and3A_494 : vector<16xi32>
          %eq3A_496 = vector.broadcast %add3A_245 : i32 to vector<16xi32>
          %eq3A_497 = arith.cmpi eq, %and3A_495, %eq3A_496 : vector<16xi32>
          %and3A_498 = arith.andi %eq3A_489, %eq3A_497 : vector<16xi1>
          %and3A_499 = arith.constant 255 : i32
          %and3A_500 = vector.broadcast %and3A_499 : i32 to vector<16xi32>
          %and3A_501 = arith.andi %get3A_481, %and3A_500 : vector<16xi32>
          tpu.vector_store_idx %arg6[%and3A_501], %broadcast_in_dim3A_8 masked %and3A_498 {add = true} : memref<4096xi32, #tpu.memory_space<vmem>>[vector<16xi32>], vector<16xi32>, vector<16xi1>
          %mul3A_502 = arith.constant 64 : i32
          %mul3A_503 = arith.muli %scan3A_448, %mul3A_502 : i32
          %add3A_504 = arith.constant 32 : i32
          %add3A_505 = arith.addi %mul3A_503, %add3A_504 : i32
          %get3A_506 = arith.index_cast %add3A_505 : i32 to index
          %get3A_507 = tpu.vector_load %arg5[%get3A_506] {strides = array<i32>} : memref<4096xi32, #tpu.memory_space<vmem>>, vector<16xi32>,
          %shift_right_arithmetic3A_508 = arith.constant 20 : i32
          %shift_right_arithmetic3A_509 = vector.broadcast %shift_right_arithmetic3A_508 : i32 to vector<16xi32>
          %shift_right_arithmetic3A_510 = arith.shrsi %get3A_507, %shift_right_arithmetic3A_509 : vector<16xi32>
          %add3A_511 = arith.constant 2048 : i32
          %add3A_512 = vector.broadcast %add3A_511 : i32 to vector<16xi32>
          %add3A_513 = arith.addi %shift_right_arithmetic3A_510, %add3A_512 : vector<16xi32>
          %eq3A_514 = vector.broadcast %add3A_146 : i32 to vector<16xi32>
          %eq3A_515 = arith.cmpi eq, %add3A_513, %eq3A_514 : vector<16xi32>
          %shift_right_arithmetic3A_516 = arith.constant 8 : i32
          %shift_right_arithmetic3A_517 = vector.broadcast %shift_right_arithmetic3A_516 : i32 to vector<16xi32>
          %shift_right_arithmetic3A_518 = arith.shrsi %get3A_507, %shift_right_arithmetic3A_517 : vector<16xi32>
          %and3A_519 = arith.constant 4095 : i32
          %and3A_520 = vector.broadcast %and3A_519 : i32 to vector<16xi32>
          %and3A_521 = arith.andi %shift_right_arithmetic3A_518, %and3A_520 : vector<16xi32>
          %eq3A_522 = vector.broadcast %add3A_245 : i32 to vector<16xi32>
          %eq3A_523 = arith.cmpi eq, %and3A_521, %eq3A_522 : vector<16xi32>
          %and3A_524 = arith.andi %eq3A_515, %eq3A_523 : vector<16xi1>
          %and3A_525 = arith.constant 255 : i32
          %and3A_526 = vector.broadcast %and3A_525 : i32 to vector<16xi32>
          %and3A_527 = arith.andi %get3A_507, %and3A_526 : vector<16xi32>
          tpu.vector_store_idx %arg6[%and3A_527], %broadcast_in_dim3A_8 masked %and3A_524 {add = true} : memref<4096xi32, #tpu.memory_space<vmem>>[vector<16xi32>], vector<16xi32>, vector<16xi1>
          %mul3A_528 = arith.constant 64 : i32
          %mul3A_529 = arith.muli %scan3A_448, %mul3A_528 : i32
          %add3A_530 = arith.constant 48 : i32
          %add3A_531 = arith.addi %mul3A_529, %add3A_530 : i32
          %get3A_532 = arith.index_cast %add3A_531 : i32 to index
          %get3A_533 = tpu.vector_load %arg5[%get3A_532] {strides = array<i32>} : memref<4096xi32, #tpu.memory_space<vmem>>, vector<16xi32>,
          %shift_right_arithmetic3A_534 = arith.constant 20 : i32
          %shift_right_arithmetic3A_535 = vector.broadcast %shift_right_arithmetic3A_534 : i32 to vector<16xi32>
          %shift_right_arithmetic3A_536 = arith.shrsi %get3A_533, %shift_right_arithmetic3A_535 : vector<16xi32>
          %add3A_537 = arith.constant 2048 : i32
          %add3A_538 = vector.broadcast %add3A_537 : i32 to vector<16xi32>
          %add3A_539 = arith.addi %shift_right_arithmetic3A_536, %add3A_538 : vector<16xi32>
          %eq3A_540 = vector.broadcast %add3A_146 : i32 to vector<16xi32>
          %eq3A_541 = arith.cmpi eq, %add3A_539, %eq3A_540 : vector<16xi32>
          %shift_right_arithmetic3A_542 = arith.constant 8 : i32
          %shift_right_arithmetic3A_543 = vector.broadcast %shift_right_arithmetic3A_542 : i32 to vector<16xi32>
          %shift_right_arithmetic3A_544 = arith.shrsi %get3A_533, %shift_right_arithmetic3A_543 : vector<16xi32>
          %and3A_545 = arith.constant 4095 : i32
          %and3A_546 = vector.broadcast %and3A_545 : i32 to vector<16xi32>
          %and3A_547 = arith.andi %shift_right_arithmetic3A_544, %and3A_546 : vector<16xi32>
          %eq3A_548 = vector.broadcast %add3A_245 : i32 to vector<16xi32>
          %eq3A_549 = arith.cmpi eq, %and3A_547, %eq3A_548 : vector<16xi32>
          %and3A_550 = arith.andi %eq3A_541, %eq3A_549 : vector<16xi1>
          %and3A_551 = arith.constant 255 : i32
          %and3A_552 = vector.broadcast %and3A_551 : i32 to vector<16xi32>
          %and3A_553 = arith.andi %get3A_533, %and3A_552 : vector<16xi32>
          tpu.vector_store_idx %arg6[%and3A_553], %broadcast_in_dim3A_8 masked %and3A_550 {add = true} : memref<4096xi32, #tpu.memory_space<vmem>>[vector<16xi32>], vector<16xi32>, vector<16xi1>
          %scan3A_554 = arith.constant 0 : i32
          scf.yield %scan3A_554 : i32
        }
        %scan3A_394 = arith.constant 64 : i32
        %sub3A_395 = arith.subi %sub3A_274, %sub3A_273 : i32
        %scan3A_396 = arith.constant 0 : i32
        %scan3A_397 = arith.constant -1 : i32
        %scan3A_398 = arith.constant 0 : i32
        %scan3A_399 = arith.constant 4 : i32
        %scan3A_400 = arith.addi %scan3A_398, %scan3A_399 : i32
        %scan3A_401 = arith.constant 1 : i32
        %scan3A_402:2 = scf.for %scan3A_448 = %scan3A_398 to %scan3A_400 step %scan3A_401 iter_args(%scan3A_449 = %scan3A_396, %scan3A_450 = %scan3A_397) -> (i32, i32)  : i32 {
          %mul3A_451 = arith.constant 64 : i32
          %mul3A_452 = arith.muli %scan3A_448, %mul3A_451 : i32
          %add3A_453 = arith.constant 0 : i32
          %add3A_454 = arith.addi %mul3A_452, %add3A_453 : i32
          %get3A_455 = arith.index_cast %add3A_454 : i32 to index
          %get3A_456 = tpu.vector_load %arg6[%get3A_455] {strides = array<i32>} : memref<4096xi32, #tpu.memory_space<vmem>>, vector<16xi32>,
          %broadcast_in_dim3A_457 = arith.constant true
          %broadcast_in_dim3A_458 = vector.broadcast %broadcast_in_dim3A_457 : i1 to vector<16xi1>
          %masked_cumsum3A_459 = tpu.scan <sum>, %get3A_456 masked %broadcast_in_dim3A_458 : vector<16xi32>, vector<16xi1> -> vector<16xi32>
          %add3A_460 = vector.broadcast %scan3A_449 : i32 to vector<16xi32>
          %add3A_461 = arith.addi %masked_cumsum3A_459, %add3A_460 : vector<16xi32>
          %sub3A_462 = arith.subi %add3A_461, %get3A_456 : vector<16xi32>
          %le3A_463 = vector.broadcast %sub3A_395 : i32 to vector<16xi32>
          %le3A_464 = arith.cmpi sle, %sub3A_462, %le3A_463 : vector<16xi32>
          %add3A_465 = vector.broadcast %add3A_454 : i32 to vector<16xi32>
          %add3A_466 = arith.addi %iota3A, %add3A_465 : vector<16xi32>
          %jit3A_467 = arith.constant -1 : i32
          %broadcast_in_dim3A_468 = vector.broadcast %jit3A_467 : i32 to vector<16xi32>
          %select_n3A_469 = arith.select %le3A_464, %add3A_466, %broadcast_in_dim3A_468 : vector<16xi1>, vector<16xi32>
          %swap3A_470 = arith.index_cast %add3A_454 : i32 to index
          %swap3A_471 = tpu.vector_load %arg6[%swap3A_470] {strides = array<i32>} : memref<4096xi32, #tpu.memory_space<vmem>>, vector<16xi32>,
          tpu.vector_store %arg6[%swap3A_470], %add3A_461 {strides = array<i32>} : memref<4096xi32, #tpu.memory_space<vmem>>, vector<16xi32>,
          %reduce_sum3A = arith.constant true
          %reduce_sum3A_472 = vector.broadcast %reduce_sum3A : i1 to vector<16xi1>
          %reduce_sum3A_473 = tpu.scan <sum>, %get3A_456 masked %reduce_sum3A_472 : vector<16xi32>, vector<16xi1> -> vector<16xi32>
          %reduce_sum3A_474 = vector.extract %reduce_sum3A_473[15] : i32 from vector<16xi32>
          %add3A_475 = arith.addi %scan3A_449, %reduce_sum3A_474 : i32
          %reduce_max3A_476 = arith.constant true
          %reduce_max3A_477 = vector.broadcast %reduce_max3A_476 : i1 to vector<16xi1>
          %reduce_max3A_478 = arith.constant -2147483648 : i32
          %reduce_max3A_479 = vector.broadcast %reduce_max3A_478 : i32 to vector<16xi32>
          %reduce_max3A_480 = arith.xori %select_n3A_469, %reduce_max3A_479 : vector<16xi32>
          %reduce_max3A_481 = tpu.scan <max>, %reduce_max3A_480 masked %reduce_max3A_477 : vector<16xi32>, vector<16xi1> -> vector<16xi32>
          %reduce_max3A_482 = arith.xori %reduce_max3A_481, %reduce_max3A_479 : vector<16xi32>
          %reduce_max3A_483 = vector.extract %reduce_max3A_482[15] : i32 from vector<16xi32>
          %max3A_484 = arith.maxsi %scan3A_450, %reduce_max3A_483 : i32
          %mul3A_485 = arith.constant 64 : i32
          %mul3A_486 = arith.muli %scan3A_448, %mul3A_485 : i32
          %add3A_487 = arith.constant 16 : i32
          %add3A_488 = arith.addi %mul3A_486, %add3A_487 : i32
          %get3A_489 = arith.index_cast %add3A_488 : i32 to index
          %get3A_490 = tpu.vector_load %arg6[%get3A_489] {strides = array<i32>} : memref<4096xi32, #tpu.memory_space<vmem>>, vector<16xi32>,
          %broadcast_in_dim3A_491 = arith.constant true
          %broadcast_in_dim3A_492 = vector.broadcast %broadcast_in_dim3A_491 : i1 to vector<16xi1>
          %masked_cumsum3A_493 = tpu.scan <sum>, %get3A_490 masked %broadcast_in_dim3A_492 : vector<16xi32>, vector<16xi1> -> vector<16xi32>
          %add3A_494 = vector.broadcast %add3A_475 : i32 to vector<16xi32>
          %add3A_495 = arith.addi %masked_cumsum3A_493, %add3A_494 : vector<16xi32>
          %sub3A_496 = arith.subi %add3A_495, %get3A_490 : vector<16xi32>
          %le3A_497 = vector.broadcast %sub3A_395 : i32 to vector<16xi32>
          %le3A_498 = arith.cmpi sle, %sub3A_496, %le3A_497 : vector<16xi32>
          %add3A_499 = vector.broadcast %add3A_488 : i32 to vector<16xi32>
          %add3A_500 = arith.addi %iota3A, %add3A_499 : vector<16xi32>
          %jit3A_501 = arith.constant -1 : i32
          %broadcast_in_dim3A_502 = vector.broadcast %jit3A_501 : i32 to vector<16xi32>
          %select_n3A_503 = arith.select %le3A_498, %add3A_500, %broadcast_in_dim3A_502 : vector<16xi1>, vector<16xi32>
          %swap3A_504 = arith.index_cast %add3A_488 : i32 to index
          %swap3A_505 = tpu.vector_load %arg6[%swap3A_504] {strides = array<i32>} : memref<4096xi32, #tpu.memory_space<vmem>>, vector<16xi32>,
          tpu.vector_store %arg6[%swap3A_504], %add3A_495 {strides = array<i32>} : memref<4096xi32, #tpu.memory_space<vmem>>, vector<16xi32>,
          %reduce_sum3A_506 = arith.constant true
          %reduce_sum3A_507 = vector.broadcast %reduce_sum3A_506 : i1 to vector<16xi1>
          %reduce_sum3A_508 = tpu.scan <sum>, %get3A_490 masked %reduce_sum3A_507 : vector<16xi32>, vector<16xi1> -> vector<16xi32>
          %reduce_sum3A_509 = vector.extract %reduce_sum3A_508[15] : i32 from vector<16xi32>
          %add3A_510 = arith.addi %add3A_475, %reduce_sum3A_509 : i32
          %reduce_max3A_511 = arith.constant true
          %reduce_max3A_512 = vector.broadcast %reduce_max3A_511 : i1 to vector<16xi1>
          %reduce_max3A_513 = arith.constant -2147483648 : i32
          %reduce_max3A_514 = vector.broadcast %reduce_max3A_513 : i32 to vector<16xi32>
          %reduce_max3A_515 = arith.xori %select_n3A_503, %reduce_max3A_514 : vector<16xi32>
          %reduce_max3A_516 = tpu.scan <max>, %reduce_max3A_515 masked %reduce_max3A_512 : vector<16xi32>, vector<16xi1> -> vector<16xi32>
          %reduce_max3A_517 = arith.xori %reduce_max3A_516, %reduce_max3A_514 : vector<16xi32>
          %reduce_max3A_518 = vector.extract %reduce_max3A_517[15] : i32 from vector<16xi32>
          %max3A_519 = arith.maxsi %max3A_484, %reduce_max3A_518 : i32
          %mul3A_520 = arith.constant 64 : i32
          %mul3A_521 = arith.muli %scan3A_448, %mul3A_520 : i32
          %add3A_522 = arith.constant 32 : i32
          %add3A_523 = arith.addi %mul3A_521, %add3A_522 : i32
          %get3A_524 = arith.index_cast %add3A_523 : i32 to index
          %get3A_525 = tpu.vector_load %arg6[%get3A_524] {strides = array<i32>} : memref<4096xi32, #tpu.memory_space<vmem>>, vector<16xi32>,
          %broadcast_in_dim3A_526 = arith.constant true
          %broadcast_in_dim3A_527 = vector.broadcast %broadcast_in_dim3A_526 : i1 to vector<16xi1>
          %masked_cumsum3A_528 = tpu.scan <sum>, %get3A_525 masked %broadcast_in_dim3A_527 : vector<16xi32>, vector<16xi1> -> vector<16xi32>
          %add3A_529 = vector.broadcast %add3A_510 : i32 to vector<16xi32>
          %add3A_530 = arith.addi %masked_cumsum3A_528, %add3A_529 : vector<16xi32>
          %sub3A_531 = arith.subi %add3A_530, %get3A_525 : vector<16xi32>
          %le3A_532 = vector.broadcast %sub3A_395 : i32 to vector<16xi32>
          %le3A_533 = arith.cmpi sle, %sub3A_531, %le3A_532 : vector<16xi32>
          %add3A_534 = vector.broadcast %add3A_523 : i32 to vector<16xi32>
          %add3A_535 = arith.addi %iota3A, %add3A_534 : vector<16xi32>
          %jit3A_536 = arith.constant -1 : i32
          %broadcast_in_dim3A_537 = vector.broadcast %jit3A_536 : i32 to vector<16xi32>
          %select_n3A_538 = arith.select %le3A_533, %add3A_535, %broadcast_in_dim3A_537 : vector<16xi1>, vector<16xi32>
          %swap3A_539 = arith.index_cast %add3A_523 : i32 to index
          %swap3A_540 = tpu.vector_load %arg6[%swap3A_539] {strides = array<i32>} : memref<4096xi32, #tpu.memory_space<vmem>>, vector<16xi32>,
          tpu.vector_store %arg6[%swap3A_539], %add3A_530 {strides = array<i32>} : memref<4096xi32, #tpu.memory_space<vmem>>, vector<16xi32>,
          %reduce_sum3A_541 = arith.constant true
          %reduce_sum3A_542 = vector.broadcast %reduce_sum3A_541 : i1 to vector<16xi1>
          %reduce_sum3A_543 = tpu.scan <sum>, %get3A_525 masked %reduce_sum3A_542 : vector<16xi32>, vector<16xi1> -> vector<16xi32>
          %reduce_sum3A_544 = vector.extract %reduce_sum3A_543[15] : i32 from vector<16xi32>
          %add3A_545 = arith.addi %add3A_510, %reduce_sum3A_544 : i32
          %reduce_max3A_546 = arith.constant true
          %reduce_max3A_547 = vector.broadcast %reduce_max3A_546 : i1 to vector<16xi1>
          %reduce_max3A_548 = arith.constant -2147483648 : i32
          %reduce_max3A_549 = vector.broadcast %reduce_max3A_548 : i32 to vector<16xi32>
          %reduce_max3A_550 = arith.xori %select_n3A_538, %reduce_max3A_549 : vector<16xi32>
          %reduce_max3A_551 = tpu.scan <max>, %reduce_max3A_550 masked %reduce_max3A_547 : vector<16xi32>, vector<16xi1> -> vector<16xi32>
          %reduce_max3A_552 = arith.xori %reduce_max3A_551, %reduce_max3A_549 : vector<16xi32>
          %reduce_max3A_553 = vector.extract %reduce_max3A_552[15] : i32 from vector<16xi32>
          %max3A_554 = arith.maxsi %max3A_519, %reduce_max3A_553 : i32
          %mul3A_555 = arith.constant 64 : i32
          %mul3A_556 = arith.muli %scan3A_448, %mul3A_555 : i32
          %add3A_557 = arith.constant 48 : i32
          %add3A_558 = arith.addi %mul3A_556, %add3A_557 : i32
          %get3A_559 = arith.index_cast %add3A_558 : i32 to index
          %get3A_560 = tpu.vector_load %arg6[%get3A_559] {strides = array<i32>} : memref<4096xi32, #tpu.memory_space<vmem>>, vector<16xi32>,
          %broadcast_in_dim3A_561 = arith.constant true
          %broadcast_in_dim3A_562 = vector.broadcast %broadcast_in_dim3A_561 : i1 to vector<16xi1>
          %masked_cumsum3A_563 = tpu.scan <sum>, %get3A_560 masked %broadcast_in_dim3A_562 : vector<16xi32>, vector<16xi1> -> vector<16xi32>
          %add3A_564 = vector.broadcast %add3A_545 : i32 to vector<16xi32>
          %add3A_565 = arith.addi %masked_cumsum3A_563, %add3A_564 : vector<16xi32>
          %sub3A_566 = arith.subi %add3A_565, %get3A_560 : vector<16xi32>
          %le3A_567 = vector.broadcast %sub3A_395 : i32 to vector<16xi32>
          %le3A_568 = arith.cmpi sle, %sub3A_566, %le3A_567 : vector<16xi32>
          %add3A_569 = vector.broadcast %add3A_558 : i32 to vector<16xi32>
          %add3A_570 = arith.addi %iota3A, %add3A_569 : vector<16xi32>
          %jit3A_571 = arith.constant -1 : i32
          %broadcast_in_dim3A_572 = vector.broadcast %jit3A_571 : i32 to vector<16xi32>
          %select_n3A_573 = arith.select %le3A_568, %add3A_570, %broadcast_in_dim3A_572 : vector<16xi1>, vector<16xi32>
          %swap3A_574 = arith.index_cast %add3A_558 : i32 to index
          %swap3A_575 = tpu.vector_load %arg6[%swap3A_574] {strides = array<i32>} : memref<4096xi32, #tpu.memory_space<vmem>>, vector<16xi32>,
          tpu.vector_store %arg6[%swap3A_574], %add3A_565 {strides = array<i32>} : memref<4096xi32, #tpu.memory_space<vmem>>, vector<16xi32>,
          %reduce_sum3A_576 = arith.constant true
          %reduce_sum3A_577 = vector.broadcast %reduce_sum3A_576 : i1 to vector<16xi1>
          %reduce_sum3A_578 = tpu.scan <sum>, %get3A_560 masked %reduce_sum3A_577 : vector<16xi32>, vector<16xi1> -> vector<16xi32>
          %reduce_sum3A_579 = vector.extract %reduce_sum3A_578[15] : i32 from vector<16xi32>
          %add3A_580 = arith.addi %add3A_545, %reduce_sum3A_579 : i32
          %reduce_max3A_581 = arith.constant true
          %reduce_max3A_582 = vector.broadcast %reduce_max3A_581 : i1 to vector<16xi1>
          %reduce_max3A_583 = arith.constant -2147483648 : i32
          %reduce_max3A_584 = vector.broadcast %reduce_max3A_583 : i32 to vector<16xi32>
          %reduce_max3A_585 = arith.xori %select_n3A_573, %reduce_max3A_584 : vector<16xi32>
          %reduce_max3A_586 = tpu.scan <max>, %reduce_max3A_585 masked %reduce_max3A_582 : vector<16xi32>, vector<16xi1> -> vector<16xi32>
          %reduce_max3A_587 = arith.xori %reduce_max3A_586, %reduce_max3A_584 : vector<16xi32>
          %reduce_max3A_588 = vector.extract %reduce_max3A_587[15] : i32 from vector<16xi32>
          %max3A_589 = arith.maxsi %max3A_554, %reduce_max3A_588 : i32
          scf.yield %add3A_580, %max3A_589 : i32, i32
        }
        %scan3A_403 = arith.constant 4 : i32
        %broadcast_in_dim3A_404 = vector.broadcast %scan3A_402#1 : i32 to vector<16xi32>
        %sub3A_405 = arith.subi %broadcast_in_dim3A_404, %iota3A : vector<16xi32>
        %max3A_406 = arith.constant 0 : i32
        %max3A_407 = vector.broadcast %max3A_406 : i32 to vector<16xi32>
        %max3A_408 = arith.maxsi %sub3A_405, %max3A_407 : vector<16xi32>
        %gather3A_409 = tpu.vector_load_idx %arg6[%max3A_408] : memref<4096xi32, #tpu.memory_space<vmem>>[vector<16xi32>], vector<16xi32>,
        %reduce_max3A_410 = arith.constant true
        %reduce_max3A_411 = vector.broadcast %reduce_max3A_410 : i1 to vector<16xi1>
        %reduce_max3A_412 = arith.constant -2147483648 : i32
        %reduce_max3A_413 = vector.broadcast %reduce_max3A_412 : i32 to vector<16xi32>
        %reduce_max3A_414 = arith.xori %gather3A_409, %reduce_max3A_413 : vector<16xi32>
        %reduce_max3A_415 = tpu.scan <max>, %reduce_max3A_414 masked %reduce_max3A_411 : vector<16xi32>, vector<16xi1> -> vector<16xi32>
        %reduce_max3A_416 = arith.xori %reduce_max3A_415, %reduce_max3A_413 : vector<16xi32>
        %reduce_max3A_417 = vector.extract %reduce_max3A_416[15] : i32 from vector<16xi32>
        %gt3A_418 = arith.constant 0 : i32
        %gt3A_419 = arith.cmpi sgt, %scan3A_402#1, %gt3A_418 : i32
        %eq3A_420 = arith.constant 1 : i32
        %eq3A_421 = vector.broadcast %eq3A_420 : i32 to vector<16xi32>
        %eq3A_422 = arith.cmpi eq, %iota3A, %eq3A_421 : vector<16xi32>
        %jit3A_423 = arith.constant 0 : i32
        %broadcast_in_dim3A_424 = vector.broadcast %jit3A_423 : i32 to vector<16xi32>
        %select_n3A_425 = arith.select %eq3A_422, %gather3A_409, %broadcast_in_dim3A_424 : vector<16xi1>, vector<16xi32>
        %reduce_max3A_426 = arith.constant true
        %reduce_max3A_427 = vector.broadcast %reduce_max3A_426 : i1 to vector<16xi1>
        %reduce_max3A_428 = arith.constant -2147483648 : i32
        %reduce_max3A_429 = vector.broadcast %reduce_max3A_428 : i32 to vector<16xi32>
        %reduce_max3A_430 = arith.xori %select_n3A_425, %reduce_max3A_429 : vector<16xi32>
        %reduce_max3A_431 = tpu.scan <max>, %reduce_max3A_430 masked %reduce_max3A_427 : vector<16xi32>, vector<16xi1> -> vector<16xi32>
        %reduce_max3A_432 = arith.xori %reduce_max3A_431, %reduce_max3A_429 : vector<16xi32>
        %reduce_max3A_433 = vector.extract %reduce_max3A_432[15] : i32 from vector<16xi32>
        %jit3A_434 = arith.constant 0 : i32
        %select_n3A_435 = arith.select %gt3A_419, %reduce_max3A_433, %jit3A_434 : i32
        %sub3A_436 = arith.constant 2048 : i32
        %sub3A_437 = arith.subi %add3A_146, %sub3A_436 : i32
        %shift_left3A = arith.constant 20 : i32
        %shift_left3A_438 = arith.shli %sub3A_437, %shift_left3A : i32
        %shift_left3A_439 = arith.constant 8 : i32
        %shift_left3A_440 = arith.shli %add3A_245, %shift_left3A_439 : i32
        %or3A = arith.ori %shift_left3A_438, %shift_left3A_440 : i32
        %or3A_441 = arith.ori %or3A, %scan3A_402#1 : i32
        %broadcast_in_dim3A_442 = arith.constant 0 : i32
        %broadcast_in_dim3A_443 = vector.broadcast %broadcast_in_dim3A_442 : i32 to vector<16xi32>
        %add3A_444 = vector.broadcast %or3A_441 : i32 to vector<16xi32>
        %add3A_445 = arith.addi %broadcast_in_dim3A_443, %add3A_444 : vector<16xi32>
        %swap3A_446 = arith.constant 0 : index
        %swap3A_447 = tpu.vector_load %arg8[%swap3A_446] {strides = array<i32>} : memref<256xi32, #tpu.memory_space<vmem>>, vector<16xi32>,
        tpu.vector_store %arg8[%swap3A_446], %add3A_445 {strides = array<i32>} : memref<256xi32, #tpu.memory_space<vmem>>, vector<16xi32>,
      } else {
      }
      %get3A_285 = arith.constant 0 : index
      %get3A_286 = tpu.vector_load %arg8[%get3A_285] {strides = array<i32>} : memref<256xi32, #tpu.memory_space<vmem>>, vector<16xi32>,
      %reduce_max3A_287 = arith.constant true
      %reduce_max3A_288 = vector.broadcast %reduce_max3A_287 : i1 to vector<16xi1>
      %reduce_max3A_289 = arith.constant -2147483648 : i32
      %reduce_max3A_290 = vector.broadcast %reduce_max3A_289 : i32 to vector<16xi32>
      %reduce_max3A_291 = arith.xori %get3A_286, %reduce_max3A_290 : vector<16xi32>
      %reduce_max3A_292 = tpu.scan <max>, %reduce_max3A_291 masked %reduce_max3A_288 : vector<16xi32>, vector<16xi1> -> vector<16xi32>
      %reduce_max3A_293 = arith.xori %reduce_max3A_292, %reduce_max3A_290 : vector<16xi32>
      %reduce_max3A_294 = vector.extract %reduce_max3A_293[15] : i32 from vector<16xi32>
      %mul3A_295 = arith.constant -1640531527 : i32
      %mul3A_296 = arith.muli %reduce_max3A_294, %mul3A_295 : i32
      %shift_right_arithmetic3A = arith.constant 16 : i32
      %shift_right_arithmetic3A_297 = arith.shrsi %mul3A_296, %shift_right_arithmetic3A : i32
      %and3A = arith.constant 65535 : i32
      %and3A_298 = arith.andi %shift_right_arithmetic3A_297, %and3A : i32
      %broadcast_in_dim3A_299 = vector.broadcast %and3A_298 : i32 to vector<16xi32>
      %gather3A_300 = tpu.vector_load_idx %arg10[%broadcast_in_dim3A_299] : memref<65536xi32, #tpu.memory_space<vmem>>[vector<16xi32>], vector<16xi32>,
      %reduce_max3A_301 = arith.constant true
      %reduce_max3A_302 = vector.broadcast %reduce_max3A_301 : i1 to vector<16xi1>
      %reduce_max3A_303 = arith.constant -2147483648 : i32
      %reduce_max3A_304 = vector.broadcast %reduce_max3A_303 : i32 to vector<16xi32>
      %reduce_max3A_305 = arith.xori %gather3A_300, %reduce_max3A_304 : vector<16xi32>
      %reduce_max3A_306 = tpu.scan <max>, %reduce_max3A_305 masked %reduce_max3A_302 : vector<16xi32>, vector<16xi1> -> vector<16xi32>
      %reduce_max3A_307 = arith.xori %reduce_max3A_306, %reduce_max3A_304 : vector<16xi32>
      %reduce_max3A_308 = vector.extract %reduce_max3A_307[15] : i32 from vector<16xi32>
      %and3A_309 = arith.constant 4095 : i32
      %and3A_310 = arith.andi %reduce_max3A_308, %and3A_309 : i32
      %shift_right_arithmetic3A_311 = arith.constant 4 : i32
      %shift_right_arithmetic3A_312 = arith.shrsi %and3A_310, %shift_right_arithmetic3A_311 : i32
      %mul3A_313 = arith.constant 16 : i32
      %mul3A_314 = arith.muli %shift_right_arithmetic3A_312, %mul3A_313 : i32
      %get3A_315 = arith.index_cast %mul3A_314 : i32 to index
      %get3A_316 = tpu.vector_load %arg5[%get3A_315] {strides = array<i32>} : memref<4096xi32, #tpu.memory_space<vmem>>, vector<16xi32>,
      %sub3A_317 = arith.subi %and3A_310, %mul3A_314 : i32
      %eq3A_318 = vector.broadcast %sub3A_317 : i32 to vector<16xi32>
      %eq3A_319 = arith.cmpi eq, %iota3A, %eq3A_318 : vector<16xi32>
      %jit3A_320 = arith.constant -2147483648 : i32
      %broadcast_in_dim3A_321 = vector.broadcast %jit3A_320 : i32 to vector<16xi32>
      %select_n3A_322 = arith.select %eq3A_319, %get3A_316, %broadcast_in_dim3A_321 : vector<16xi1>, vector<16xi32>
      %reduce_max3A_323 = arith.constant true
      %reduce_max3A_324 = vector.broadcast %reduce_max3A_323 : i1 to vector<16xi1>
      %reduce_max3A_325 = arith.constant -2147483648 : i32
      %reduce_max3A_326 = vector.broadcast %reduce_max3A_325 : i32 to vector<16xi32>
      %reduce_max3A_327 = arith.xori %select_n3A_322, %reduce_max3A_326 : vector<16xi32>
      %reduce_max3A_328 = tpu.scan <max>, %reduce_max3A_327 masked %reduce_max3A_324 : vector<16xi32>, vector<16xi1> -> vector<16xi32>
      %reduce_max3A_329 = arith.xori %reduce_max3A_328, %reduce_max3A_326 : vector<16xi32>
      %reduce_max3A_330 = vector.extract %reduce_max3A_329[15] : i32 from vector<16xi32>
      %eq3A_331 = vector.broadcast %reduce_max3A_294 : i32 to vector<16xi32>
      %eq3A_332 = arith.cmpi eq, %get3A_316, %eq3A_331 : vector<16xi32>
      %add3A_333 = vector.broadcast %mul3A_314 : i32 to vector<16xi32>
      %add3A_334 = arith.addi %iota3A, %add3A_333 : vector<16xi32>
      %jit3A_335 = arith.constant 4096 : i32
      %broadcast_in_dim3A_336 = vector.broadcast %jit3A_335 : i32 to vector<16xi32>
      %select_n3A_337 = arith.select %eq3A_332, %add3A_334, %broadcast_in_dim3A_336 : vector<16xi1>, vector<16xi32>
      %reduce_min3A = arith.constant true
      %reduce_min3A_338 = vector.broadcast %reduce_min3A : i1 to vector<16xi1>
      %reduce_min3A_339 = arith.constant -2147483648 : i32
      %reduce_min3A_340 = vector.broadcast %reduce_min3A_339 : i32 to vector<16xi32>
      %reduce_min3A_341 = arith.xori %select_n3A_337, %reduce_min3A_340 : vector<16xi32>
      %reduce_min3A_342 = tpu.scan <min>, %reduce_min3A_341 masked %reduce_min3A_338 : vector<16xi32>, vector<16xi1> -> vector<16xi32>
      %reduce_min3A_343 = arith.xori %reduce_min3A_342, %reduce_min3A_340 : vector<16xi32>
      %reduce_min3A_344 = vector.extract %reduce_min3A_343[15] : i32 from vector<16xi32>
      %broadcast_in_dim3A_345 = vector.broadcast %reduce_min3A_344 : i32 to vector<16xi32>
      %swap3A_346 = arith.constant 0 : index
      %swap3A_347 = tpu.vector_load %arg7[%swap3A_346] {strides = array<i32>} : memref<4096xi32, #tpu.memory_space<vmem>>, vector<16xi32>,
      tpu.vector_store %arg7[%swap3A_346], %broadcast_in_dim3A_345 {strides = array<i32>} : memref<4096xi32, #tpu.memory_space<vmem>>, vector<16xi32>,
      %ne3A = arith.cmpi ne, %reduce_max3A_330, %reduce_max3A_294 : i32
      %convert_element_type3A_348 = arith.extui %ne3A : i1 to i32
      %cond3A_349 = arith.constant 0 : i32
      %cond3A_350 = arith.cmpi ne, %convert_element_type3A_348, %cond3A_349 : i32
      scf.if %cond3A_350 {
        %scan3A_356 = arith.constant 4096 : i32
        %scan3A_357 = arith.constant 0 : i32
        %scan3A_358 = arith.constant 64 : i32
        %scan3A_359 = arith.addi %scan3A_357, %scan3A_358 : i32
        %scan3A_360 = arith.constant 1 : i32
        %scan3A_361 = scf.for %scan3A_369 = %scan3A_357 to %scan3A_359 step %scan3A_360 iter_args(%scan3A_370 = %scan3A_356) -> (i32)  : i32 {
          %mul3A_371 = arith.constant 64 : i32
          %mul3A_372 = arith.muli %scan3A_369, %mul3A_371 : i32
          %add3A_373 = arith.constant 0 : i32
          %add3A_374 = arith.addi %mul3A_372, %add3A_373 : i32
          %get3A_375 = arith.index_cast %add3A_374 : i32 to index
          %get3A_376 = tpu.vector_load %arg5[%get3A_375] {strides = array<i32>} : memref<4096xi32, #tpu.memory_space<vmem>>, vector<16xi32>,
          %eq3A_377 = vector.broadcast %reduce_max3A_294 : i32 to vector<16xi32>
          %eq3A_378 = arith.cmpi eq, %get3A_376, %eq3A_377 : vector<16xi32>
          %add3A_379 = vector.broadcast %add3A_374 : i32 to vector<16xi32>
          %add3A_380 = arith.addi %iota3A, %add3A_379 : vector<16xi32>
          %jit3A_381 = arith.constant 4096 : i32
          %broadcast_in_dim3A_382 = vector.broadcast %jit3A_381 : i32 to vector<16xi32>
          %select_n3A_383 = arith.select %eq3A_378, %add3A_380, %broadcast_in_dim3A_382 : vector<16xi1>, vector<16xi32>
          %reduce_min3A_384 = arith.constant true
          %reduce_min3A_385 = vector.broadcast %reduce_min3A_384 : i1 to vector<16xi1>
          %reduce_min3A_386 = arith.constant -2147483648 : i32
          %reduce_min3A_387 = vector.broadcast %reduce_min3A_386 : i32 to vector<16xi32>
          %reduce_min3A_388 = arith.xori %select_n3A_383, %reduce_min3A_387 : vector<16xi32>
          %reduce_min3A_389 = tpu.scan <min>, %reduce_min3A_388 masked %reduce_min3A_385 : vector<16xi32>, vector<16xi1> -> vector<16xi32>
          %reduce_min3A_390 = arith.xori %reduce_min3A_389, %reduce_min3A_387 : vector<16xi32>
          %reduce_min3A_391 = vector.extract %reduce_min3A_390[15] : i32 from vector<16xi32>
          %min3A = arith.minsi %scan3A_370, %reduce_min3A_391 : i32
          %mul3A_392 = arith.constant 64 : i32
          %mul3A_393 = arith.muli %scan3A_369, %mul3A_392 : i32
          %add3A_394 = arith.constant 16 : i32
          %add3A_395 = arith.addi %mul3A_393, %add3A_394 : i32
          %get3A_396 = arith.index_cast %add3A_395 : i32 to index
          %get3A_397 = tpu.vector_load %arg5[%get3A_396] {strides = array<i32>} : memref<4096xi32, #tpu.memory_space<vmem>>, vector<16xi32>,
          %eq3A_398 = vector.broadcast %reduce_max3A_294 : i32 to vector<16xi32>
          %eq3A_399 = arith.cmpi eq, %get3A_397, %eq3A_398 : vector<16xi32>
          %add3A_400 = vector.broadcast %add3A_395 : i32 to vector<16xi32>
          %add3A_401 = arith.addi %iota3A, %add3A_400 : vector<16xi32>
          %jit3A_402 = arith.constant 4096 : i32
          %broadcast_in_dim3A_403 = vector.broadcast %jit3A_402 : i32 to vector<16xi32>
          %select_n3A_404 = arith.select %eq3A_399, %add3A_401, %broadcast_in_dim3A_403 : vector<16xi1>, vector<16xi32>
          %reduce_min3A_405 = arith.constant true
          %reduce_min3A_406 = vector.broadcast %reduce_min3A_405 : i1 to vector<16xi1>
          %reduce_min3A_407 = arith.constant -2147483648 : i32
          %reduce_min3A_408 = vector.broadcast %reduce_min3A_407 : i32 to vector<16xi32>
          %reduce_min3A_409 = arith.xori %select_n3A_404, %reduce_min3A_408 : vector<16xi32>
          %reduce_min3A_410 = tpu.scan <min>, %reduce_min3A_409 masked %reduce_min3A_406 : vector<16xi32>, vector<16xi1> -> vector<16xi32>
          %reduce_min3A_411 = arith.xori %reduce_min3A_410, %reduce_min3A_408 : vector<16xi32>
          %reduce_min3A_412 = vector.extract %reduce_min3A_411[15] : i32 from vector<16xi32>
          %min3A_413 = arith.minsi %min3A, %reduce_min3A_412 : i32
          %mul3A_414 = arith.constant 64 : i32
          %mul3A_415 = arith.muli %scan3A_369, %mul3A_414 : i32
          %add3A_416 = arith.constant 32 : i32
          %add3A_417 = arith.addi %mul3A_415, %add3A_416 : i32
          %get3A_418 = arith.index_cast %add3A_417 : i32 to index
          %get3A_419 = tpu.vector_load %arg5[%get3A_418] {strides = array<i32>} : memref<4096xi32, #tpu.memory_space<vmem>>, vector<16xi32>,
          %eq3A_420 = vector.broadcast %reduce_max3A_294 : i32 to vector<16xi32>
          %eq3A_421 = arith.cmpi eq, %get3A_419, %eq3A_420 : vector<16xi32>
          %add3A_422 = vector.broadcast %add3A_417 : i32 to vector<16xi32>
          %add3A_423 = arith.addi %iota3A, %add3A_422 : vector<16xi32>
          %jit3A_424 = arith.constant 4096 : i32
          %broadcast_in_dim3A_425 = vector.broadcast %jit3A_424 : i32 to vector<16xi32>
          %select_n3A_426 = arith.select %eq3A_421, %add3A_423, %broadcast_in_dim3A_425 : vector<16xi1>, vector<16xi32>
          %reduce_min3A_427 = arith.constant true
          %reduce_min3A_428 = vector.broadcast %reduce_min3A_427 : i1 to vector<16xi1>
          %reduce_min3A_429 = arith.constant -2147483648 : i32
          %reduce_min3A_430 = vector.broadcast %reduce_min3A_429 : i32 to vector<16xi32>
          %reduce_min3A_431 = arith.xori %select_n3A_426, %reduce_min3A_430 : vector<16xi32>
          %reduce_min3A_432 = tpu.scan <min>, %reduce_min3A_431 masked %reduce_min3A_428 : vector<16xi32>, vector<16xi1> -> vector<16xi32>
          %reduce_min3A_433 = arith.xori %reduce_min3A_432, %reduce_min3A_430 : vector<16xi32>
          %reduce_min3A_434 = vector.extract %reduce_min3A_433[15] : i32 from vector<16xi32>
          %min3A_435 = arith.minsi %min3A_413, %reduce_min3A_434 : i32
          %mul3A_436 = arith.constant 64 : i32
          %mul3A_437 = arith.muli %scan3A_369, %mul3A_436 : i32
          %add3A_438 = arith.constant 48 : i32
          %add3A_439 = arith.addi %mul3A_437, %add3A_438 : i32
          %get3A_440 = arith.index_cast %add3A_439 : i32 to index
          %get3A_441 = tpu.vector_load %arg5[%get3A_440] {strides = array<i32>} : memref<4096xi32, #tpu.memory_space<vmem>>, vector<16xi32>,
          %eq3A_442 = vector.broadcast %reduce_max3A_294 : i32 to vector<16xi32>
          %eq3A_443 = arith.cmpi eq, %get3A_441, %eq3A_442 : vector<16xi32>
          %add3A_444 = vector.broadcast %add3A_439 : i32 to vector<16xi32>
          %add3A_445 = arith.addi %iota3A, %add3A_444 : vector<16xi32>
          %jit3A_446 = arith.constant 4096 : i32
          %broadcast_in_dim3A_447 = vector.broadcast %jit3A_446 : i32 to vector<16xi32>
          %select_n3A_448 = arith.select %eq3A_443, %add3A_445, %broadcast_in_dim3A_447 : vector<16xi1>, vector<16xi32>
          %reduce_min3A_449 = arith.constant true
          %reduce_min3A_450 = vector.broadcast %reduce_min3A_449 : i1 to vector<16xi1>
          %reduce_min3A_451 = arith.constant -2147483648 : i32
          %reduce_min3A_452 = vector.broadcast %reduce_min3A_451 : i32 to vector<16xi32>
          %reduce_min3A_453 = arith.xori %select_n3A_448, %reduce_min3A_452 : vector<16xi32>
          %reduce_min3A_454 = tpu.scan <min>, %reduce_min3A_453 masked %reduce_min3A_450 : vector<16xi32>, vector<16xi1> -> vector<16xi32>
          %reduce_min3A_455 = arith.xori %reduce_min3A_454, %reduce_min3A_452 : vector<16xi32>
          %reduce_min3A_456 = vector.extract %reduce_min3A_455[15] : i32 from vector<16xi32>
          %min3A_457 = arith.minsi %min3A_435, %reduce_min3A_456 : i32
          scf.yield %min3A_457 : i32
        }
        %scan3A_362 = arith.constant 64 : i32
        %broadcast_in_dim3A_363 = arith.constant 0 : i32
        %broadcast_in_dim3A_364 = vector.broadcast %broadcast_in_dim3A_363 : i32 to vector<16xi32>
        %add3A_365 = vector.broadcast %scan3A_361 : i32 to vector<16xi32>
        %add3A_366 = arith.addi %broadcast_in_dim3A_364, %add3A_365 : vector<16xi32>
        %swap3A_367 = arith.constant 0 : index
        %swap3A_368 = tpu.vector_load %arg7[%swap3A_367] {strides = array<i32>} : memref<4096xi32, #tpu.memory_space<vmem>>, vector<16xi32>,
        tpu.vector_store %arg7[%swap3A_367], %add3A_366 {strides = array<i32>} : memref<4096xi32, #tpu.memory_space<vmem>>, vector<16xi32>,
      } else {
      }
      %get3A_351 = arith.constant 0 : index
      %get3A_352 = tpu.vector_load %arg7[%get3A_351] {strides = array<i32>} : memref<4096xi32, #tpu.memory_space<vmem>>, vector<16xi32>,
      %parallel_loop3A_353 = arith.constant 0 : i32
      %parallel_loop3A_354 = arith.constant 256 : i32
      %parallel_loop3A_355 = arith.constant 1 : i32
      scf.for %parallel_loop3A_356 = %parallel_loop3A_353 to %parallel_loop3A_354 step %parallel_loop3A_355  : i32 {
        %parallel_loop3A_357 = arith.constant 16 : i32
        %parallel_loop3A_358 = arith.muli %parallel_loop3A_356, %parallel_loop3A_357 : i32
        %parallel_loop3A_359 = arith.index_cast %parallel_loop3A_358 : i32 to index
        %parallel_loop3A_360 = tpu.vector_load %arg5[%parallel_loop3A_359] {strides = array<i32>} : memref<4096xi32, #tpu.memory_space<vmem>>, vector<16xi32>,
        %parallel_loop3A_361 = vector.broadcast %parallel_loop3A_358 : i32 to vector<16xi32>
        %parallel_loop3A_362 = arith.addi %iota3A, %parallel_loop3A_361 : vector<16xi32>
        %parallel_loop3A_363 = arith.constant -1640531527 : i32
        %parallel_loop3A_364 = vector.broadcast %parallel_loop3A_363 : i32 to vector<16xi32>
        %parallel_loop3A_365 = arith.muli %parallel_loop3A_360, %parallel_loop3A_364 : vector<16xi32>
        %parallel_loop3A_366 = arith.constant 16 : i32
        %parallel_loop3A_367 = vector.broadcast %parallel_loop3A_366 : i32 to vector<16xi32>
        %parallel_loop3A_368 = arith.shrsi %parallel_loop3A_365, %parallel_loop3A_367 : vector<16xi32>
        %parallel_loop3A_369 = arith.constant 65535 : i32
        %parallel_loop3A_370 = vector.broadcast %parallel_loop3A_369 : i32 to vector<16xi32>
        %parallel_loop3A_371 = arith.andi %parallel_loop3A_368, %parallel_loop3A_370 : vector<16xi32>
        %parallel_loop3A_372 = tpu.vector_load_idx %arg10[%parallel_loop3A_371] : memref<65536xi32, #tpu.memory_space<vmem>>[vector<16xi32>], vector<16xi32>,
        %parallel_loop3A_373 = arith.constant -2048144789 : i32
        %parallel_loop3A_374 = vector.broadcast %parallel_loop3A_373 : i32 to vector<16xi32>
        %parallel_loop3A_375 = arith.muli %parallel_loop3A_360, %parallel_loop3A_374 : vector<16xi32>
        %parallel_loop3A_376 = arith.constant -4096 : i32
        %parallel_loop3A_377 = vector.broadcast %parallel_loop3A_376 : i32 to vector<16xi32>
        %parallel_loop3A_378 = arith.andi %parallel_loop3A_375, %parallel_loop3A_377 : vector<16xi32>
        %parallel_loop3A_379 = arith.constant 4095 : i32
        %parallel_loop3A_380 = vector.broadcast %parallel_loop3A_379 : i32 to vector<16xi32>
        %parallel_loop3A_381 = arith.andi %parallel_loop3A_372, %parallel_loop3A_380 : vector<16xi32>
        %parallel_loop3A_382 = arith.constant -4096 : i32
        %parallel_loop3A_383 = vector.broadcast %parallel_loop3A_382 : i32 to vector<16xi32>
        %parallel_loop3A_384 = arith.andi %parallel_loop3A_372, %parallel_loop3A_383 : vector<16xi32>
        %parallel_loop3A_385 = arith.cmpi eq, %parallel_loop3A_384, %parallel_loop3A_378 : vector<16xi32>
        %parallel_loop3A_386 = arith.minsi %parallel_loop3A_362, %parallel_loop3A_381 : vector<16xi32>
        %parallel_loop3A_387 = arith.select %parallel_loop3A_385, %parallel_loop3A_386, %parallel_loop3A_362 : vector<16xi1>, vector<16xi32>
        %parallel_loop3A_388 = vector.broadcast %reduce_max3A_294 : i32 to vector<16xi32>
        %parallel_loop3A_389 = arith.cmpi sgt, %parallel_loop3A_360, %parallel_loop3A_388 : vector<16xi32>
        %parallel_loop3A_390 = arith.select %parallel_loop3A_389, %parallel_loop3A_387, %get3A_352 : vector<16xi1>, vector<16xi32>
        %parallel_loop3A_391 = arith.index_cast %parallel_loop3A_358 : i32 to index
        %parallel_loop3A_392 = tpu.vector_load %arg11[%parallel_loop3A_391] {strides = array<i32>} : memref<4096xi32, #tpu.memory_space<vmem>>, vector<16xi32>,
        tpu.vector_store %arg11[%parallel_loop3A_391], %parallel_loop3A_390 {strides = array<i32>} : memref<4096xi32, #tpu.memory_space<vmem>>, vector<16xi32>,
      } {sc.loop_unroll_factor = 2 : i64, sc.parallel_access}
      "tpu.region"() ({
        %run_scoped3A = tpu.sem_alloc : memref<!tpu.dma_semaphore, #tpu.memory_space<semaphore_mem>>
        %dma_start3A_356 = arith.constant 0 : i32
        %dma_start3A_357 = tpu.memref_slice %arg3[%add3A, %dma_start3A_356] : memref<8x4096xi32, #tpu.memory_space<hbm>> -> memref<1x4096xi32, #tpu.memory_space<hbm>>
        %dma_start3A_358 = tpu.memref_squeeze %dma_start3A_357 : memref<1x4096xi32, #tpu.memory_space<hbm>> -> memref<4096xi32, #tpu.memory_space<hbm>>
        %dma_start3A_359 = arith.constant 0 : i32
        %dma_start3A_360 = tpu.memref_slice %arg3[%add3A, %dma_start3A_359] : memref<8x4096xi32, #tpu.memory_space<hbm>> -> memref<1x4096xi32, #tpu.memory_space<hbm>>
        %dma_start3A_361 = tpu.memref_squeeze %dma_start3A_360 : memref<1x4096xi32, #tpu.memory_space<hbm>> -> memref<4096xi32, #tpu.memory_space<hbm>>
        tpu.enqueue_dma source(%arg11 : memref<4096xi32, #tpu.memory_space<vmem>>) target(%dma_start3A_361 : memref<4096xi32, #tpu.memory_space<hbm>>) target_semaphore(%run_scoped3A : memref<!tpu.dma_semaphore, #tpu.memory_space<semaphore_mem>>)
        %dma_wait3A_362 = arith.constant 0 : i32
        %dma_wait3A_363 = tpu.memref_slice %arg3[%add3A, %dma_wait3A_362] : memref<8x4096xi32, #tpu.memory_space<hbm>> -> memref<1x4096xi32, #tpu.memory_space<hbm>>
        %dma_wait3A_364 = tpu.memref_squeeze %dma_wait3A_363 : memref<1x4096xi32, #tpu.memory_space<hbm>> -> memref<4096xi32, #tpu.memory_space<hbm>>
        %dma_wait3A_365 = arith.constant 0 : i32
        %dma_wait3A_366 = tpu.memref_slice %arg3[%add3A, %dma_wait3A_365] : memref<8x4096xi32, #tpu.memory_space<hbm>> -> memref<1x4096xi32, #tpu.memory_space<hbm>>
        %dma_wait3A_367 = tpu.memref_squeeze %dma_wait3A_366 : memref<1x4096xi32, #tpu.memory_space<hbm>> -> memref<4096xi32, #tpu.memory_space<hbm>>
        tpu.wait_dma2 semaphore(%run_scoped3A : memref<!tpu.dma_semaphore, #tpu.memory_space<semaphore_mem>>) src(%arg11 : memref<4096xi32, #tpu.memory_space<vmem>>) dst(%dma_wait3A_367 : memref<4096xi32, #tpu.memory_space<hbm>>)
        tpu.yield
      }) : () -> ()
    } else {
    }
    return
  }
}

</mosaic_0001>

<sc_bundles>
// kernel: kernel.3.cloned.1.call-start
scs
__scs_entry_jumppad:
0x0: {  	(pc) =	sbr.rel $0x88, $3  }
0x1: {  	(tag) =	ssettag $0x0;
	lr =	simm.s32 $0x1  }
0x2: {  	[smem:$0x3FA0] =	sst lr;
	_ =	strace $0xD0000000  }
0x3: {  	_ = 	snop  }
0x4: {  	_ = 	snop  }
0x5: {  	_ = 	snop  }
0x6: {  	_ = 	snop  }
0x7: {  	_ = 	snop  }
__scs_overlays_trampoline_lowered:
0x8: {  	[smem:$0x3FAF] =	sst s0  }
0x9: {  	[smem:$0x3FB0] =	sst s1  }
0xa: {  	[smem:$0x3FB1] =	sst s2  }
0xb: {  	[smem:$0x3FB2] =	sst s3  }
0xc: {  	[smem:$0x3FB3] =	sst s4  }
0xd: {  	[smem:$0x3FB4] =	sst s5  }
0xe: {  	[smem:$0x3FB5] =	sst s6  }
0xf: {  	[smem:$0x3FB6] =	sst s7  }
0x10: {  	[smem:$0x3FB7] =	sst s8  }
0x11: {  	[smem:$0x3FB8] =	sst s9;
	s0 =	simm.s32 @!p0 $0x0  }
0x12: {  	s1 =	sld [smem:$0x3F9E];
	s0 =	simm.s32 @p0 $0x1  }
0x13: {  	[smem:$0x3FB9] =	sst s0;
	s0 =	simm.s32 @!p1 $0x0  }
0x14: {  	s2 =	sld [smem:$0x3F9D];
	s0 =	simm.s32 @p1 $0x1  }
0x15: {  	[smem:$0x3FBA] =	sst s0;
	s0 =	simm.s32 @!p2 $0x0  }
0x16: {  	s3 =	sld [smem:$0x3FDB];
	s0 =	simm.s32 @p2 $0x1  }
0x17: {  	s4 =	simm.s32 $0x1BF5;
	[smem:$0x3FBC] =	sst s0  }
0x18: {  	s0 =	sld [smem:$0x3F9F];
	_ =	swait.ge [sflag:s4], $0x0  }
0x19: {  	s7 =	sld [smem:$0x3FA0]  }
0x1a: {  	s8 =	sadd.s32 $0xFFFFE003, lr  }
0x1b: {  	s9 =	sadd.s32 $0xFFFFFEF7, lr;
	s5 =	simm.s32 $0xFFFFFFFF;
	p2 =	slt.u32 s8, $0xFFFFF086  }
0x1c: {  	p1 =	slt.u32 s9, $0xF7A;
	s5 =	simm.s32 @!p2 $0x0  }
0x1d: {  	s5 =	simm.s32 @p1 $0x1;
	p0 =	seq.s32 s7, s2  }
0x1e: {  	s7 =	smul.u32 @!p0 $0xF7A, s2;
	p2 =	seq.s32 @!p0 s5, $0x0  }
0x1f: {  	s9 =	smul.u32 $0xF7A, s1;
	s8 =	simm.s32 @!p0 $0x1BF5;
	p2 =	por !p2, p0  }
0x20: {  	[sflag:s8] =	ssyncset.s32 @!p0 $0xFFFFF086;
	s6 =	sadd.s32 @!p0 s3, s7;
	s7 =	simm.s32 @!p0 $0x108  }
0x21: {  	s3 =	sadd.s32 s3, s9;
	s6 =	sadd.s32 @!p0 $0x88, s6;
	s7 =	simm.s32 @p2 $0x1082  }
0x22: {  	[simem:s7], [sflag:s8] =	dma.local @!p0 [hbm:s6], $0xF7A  }
0x23: {  	s9 =	sor.u32 $0xD0000000, s2;
	s6 =	simm.s32 $0x108;
	_ =	swait.ge @!p0 [sflag:s8], $0x0  }
0x24: {  	s3 =	sadd.s32 $0x88, s3;
	s6 =	simm.s32 @!p1 $0x1082;
	[sflag:s4] =	ssyncset.s32 $0xFFFFF086  }
0x25: {  	[simem:s6], [sflag:s4] =	dma.local [hbm:s3], $0xF7A  }
0x26: {  	[smem:$0x3FA0] =	sst s1;
	(tag) =	ssettag s2;
	_ =	strace s9  }
0x27: {  	s1 =	sld [smem:$0x3FB0]  }
0x28: {  	s2 =	sld [smem:$0x3FB1]  }
0x29: {  	s4 =	sld [smem:$0x3FB3]  }
0x2a: {  	p0 =	seq.s32 s5, $0x0;
	s5 =	sld [smem:$0x3FB4]  }
0x2b: {  	s6 =	sld [smem:$0x3FB5]  }
0x2c: {  	s7 =	sld [smem:$0x3FB6]  }
0x2d: {  	s3 =	simm.s32 $0x108;
	s8 =	sld [smem:$0x3FB7]  }
0x2e: {  	s3 =	simm.s32 @!p0 $0x1082;
	s9 =	sld [smem:$0x3FB8]  }
0x2f: {  	lr =	sadd.s32 s0, s3;
	s0 =	sld [smem:$0x3FAF]  }
0x30: {  	s3 =	sld [smem:$0x3FB2]  }
0x31: {  	[smem:$0x3FBB] =	sst s10  }
0x32: {  	s10 =	sld [smem:$0x3FB9];
	_ =	sdelay $0x3  }
0x33: {  	p0 =	seq.s32 s10, $0x1;
	s10 =	sld [smem:$0x3FBB];
	_ =	sdelay $0x3  }
0x34: {  	[smem:$0x3FBB] =	sst s10  }
0x35: {  	s10 =	sld [smem:$0x3FBA];
	_ =	sdelay $0x3  }
0x36: {  	p1 =	seq.s32 s10, $0x1;
	s10 =	sld [smem:$0x3FBB];
	_ =	sdelay $0x3  }
0x37: {  	[smem:$0x3FBB] =	sst s10  }
0x38: {  	s10 =	sld [smem:$0x3FBC]  }
0x39: {  	_ = 	snop;
	(pc) =	sbr.ind lr, $3  }
0x3a: {  	_ = 	snop  }
0x3b: {  	_ = 	snop  }
0x3c: {  	p2 =	seq.s32 s10, $0x1;
	s10 =	sld [smem:$0x3FBB]  }
0x3d: {  	_ =	shalt  }
0x3e: {  	_ =	shalt  }
0x3f: {  	_ =	shalt  }
0x40: {  	_ =	shalt  }
0x41: {  	_ =	shalt  }
0x42: {  	_ =	shalt  }
0x43: {  	_ =	shalt  }
0x44: {  	_ =	shalt  }
0x45: {  	_ =	shalt  }
0x46: {  	_ =	shalt  }
0x47: {  	_ =	shalt  }
0x48: {  	_ =	shalt  }
0x49: {  	_ =	shalt  }
0x4a: {  	_ =	shalt  }
0x4b: {  	_ =	shalt  }
0x4c: {  	_ =	shalt  }
0x4d: {  	_ =	shalt  }
0x4e: {  	_ =	shalt  }
0x4f: {  	_ =	shalt  }
0x50: {  	_ =	shalt  }
0x51: {  	_ =	shalt  }
0x52: {  	_ =	shalt  }
0x53: {  	_ =	shalt  }
0x54: {  	_ =	shalt  }
0x55: {  	_ =	shalt  }
0x56: {  	_ =	shalt  }
0x57: {  	_ =	shalt  }
0x58: {  	_ =	shalt  }
0x59: {  	_ =	shalt  }
0x5a: {  	_ =	shalt  }
0x5b: {  	_ =	shalt  }
0x5c: {  	_ =	shalt  }
0x5d: {  	_ =	shalt  }
0x5e: {  	_ =	shalt  }
0x5f: {  	_ =	shalt  }
0x60: {  	_ =	shalt  }
0x61: {  	_ =	shalt  }
0x62: {  	_ =	shalt  }
0x63: {  	_ =	shalt  }
0x64: {  	_ =	shalt  }
0x65: {  	_ =	shalt  }
0x66: {  	_ =	shalt  }
0x67: {  	_ =	shalt  }
0x68: {  	_ =	shalt  }
0x69: {  	_ =	shalt  }
0x6a: {  	_ =	shalt  }
0x6b: {  	_ =	shalt  }
0x6c: {  	_ =	shalt  }
0x6d: {  	_ =	shalt  }
0x6e: {  	_ =	shalt  }
0x6f: {  	_ =	shalt  }
0x70: {  	_ =	shalt  }
0x71: {  	_ =	shalt  }
0x72: {  	_ =	shalt  }
0x73: {  	_ =	shalt  }
0x74: {  	_ =	shalt  }
0x75: {  	_ =	shalt  }
0x76: {  	_ =	shalt  }
0x77: {  	_ =	shalt  }
0x78: {  	_ =	shalt  }
0x79: {  	_ =	shalt  }
0x7a: {  	_ =	shalt  }
0x7b: {  	_ =	shalt  }
0x7c: {  	_ =	shalt  }
0x7d: {  	_ =	shalt  }
0x7e: {  	_ =	shalt  }
0x7f: {  	_ =	shalt  }
0x80: {  	_ =	shalt  }
0x81: {  	_ =	shalt  }
0x82: {  	_ =	shalt  }
0x83: {  	_ =	shalt  }
0x84: {  	_ =	shalt  }
0x85: {  	_ =	shalt  }
0x86: {  	_ =	shalt  }
0x87: {  	_ =	shalt  }
.Lfunc_end0:
.L_simem_size_0:
called_computation_lowered:
.L_overlay_start_0:
0x88: {  	s2 =	sld [smem:$0x3FD9]  }
0x89: {  	s3 =	sld [smem:$0x3FFE];
	_ =	sdelay $0x1  }
0x8a: {  	s1 =	srdreg.scid  }
0x8b: {  	s0 =	sand.u32 $0x1, s1  }
0x8c: {  	s18 =	sshll.u32 s0, $0xA;
	s2 =	sadd.s32 s3, s2  }
0x8d: {  	s2 =	sadd.s32 s2, s18  }
0x8e: {  	[smem:$0x3FC7] =	sst s2  }
0x8f: {  	_ = 	snop  }
0x90: {  	s2 =	sld [smem:$0x3FC9]  }
0x91: {  	s19 =	sld [smem:$0x3FD0];
	(tm) =	ssettm $0x1  }
0x92: {  	s4 =	sld [smem:$0x3FFB];
	_ =	sdelay $0x3  }
0x93: {  	_ =	strace s4  }
0x94: {  	s4 =	sld [smem:$0x3FFC];
	_ =	sdelay $0x3  }
0x95: {  	_ =	strace s4  }
0x96: {  	s4 =	sld [smem:$0x3FFD];
	_ =	sdelay $0x3  }
0x97: {  	_ =	strace s4  }
0x98: {  	_ =	strace $0x8FFFFFFF  }
0x99: {  	s20 =	sld [smem:$0x3FDB];
	_ =	sdelay $0x1  }
0x9a: {  	s5 =	simm.s32 $_scs_section_size  }
0x9b: {  	s6 =	simm.s32 $_size__tile_overlayer_lowered;
	s7 =	simm.s32 $_tile_overlayer_lowered  }
0x9c: {  	s23 =	simm.s32 $0x1BFF;
	s22 =	sshll.u32 s7, $0x1;
	s4 =	sadd.s32 s5, s20  }
0x9d: {  	s8 =	simm.s32 $0x0;
	s21 =	sshll.u32 s6, $0x1;
	s6 =	sadd.s32 s22, s4  }
0x9e: {  	[timem:s8], [sflag:s23] =	dma.local [hbm:s6], s21  }
0x9f: {  	_ =	swait.ge [sflag:s23], s21  }
0xa0: {  	s5 =	ssub.s32 $0x0, s21;
	[sflag:s23] =	ssyncset.done $0x0  }
0xa1: {  	[sflag:s23] =	ssyncadd.s32 s5;
	_ =	sdelay $0x1  }
0xa2: {  	s24 =	simm.s32 $0x1B8B  }
0xa3: {  	_ =	swait.ge [sflag:s24], $0x1  }
0xa4: {  	[sflag:s24] =	ssyncset.done $0x0  }
0xa5: {  	s25 =	simm.s32 $0x1B8E;
	[sflag:s24] =	ssyncadd.s32 $0xFFFFFFFF  }
0xa6: {  	s26 =	simm.s32 $execute0_lowered;
	[smem:$0x3FD2] =	sst s25  }
0xa7: {  	s5 =	sshll.u32 s26, $0x1;
	_ =	strace $0x80000046;
	[dreg:$0x1] =	wrdreg $0xFFFFFFFF  }
0xa8: {  	s28 =	simm.s32 $_size_execute0_lowered;
	s4 =	sadd.s32 s4, s5;
	[dreg:$0x0] =	wrdreg $0x0  }
0xa9: {  	s5 =	sshll.u32 s28, $0x1;
	[dreg:$0x2] =	wrdreg s4  }
0xaa: {  	[dreg:$0x3] =	wrdreg s5  }
0xab: {  	[dreg:$0x4] =	wrdreg $0xC0  }
0xac: {  	_ =	task [dreg:s8], $0x5FFFF  }
0xad: {  	[dreg:$0x1] =	wrdreg $0xFFFFFFFF  }
0xae: {  	[dreg:$0x0] =	wrdreg $0x60  }
0xaf: {  	[dreg:$0x2] =	wrdreg s2  }
0xb0: {  	[dreg:$0x3] =	wrdreg s19  }
0xb1: {  	[dreg:$0x4] =	wrdreg $0x9  }
0xb2: {  	_ =	task.clear_ibuf [dreg:s8], $0x5FFFF;
	_ =	strace $0x90000046  }
0xb3: {  	s29 =	simm.s32 $0x9;
	_ =	strace $0x80000048  }
0xb4: {  	_ =	swait.ge [sflag:s29], $0x1  }
0xb5: {  	[sflag:s29] =	ssyncadd.s32 $0xFFFFFFFF  }
0xb6: {  	_ =	strace $0x90000048  }
0xb7: {  	_ =	sfence  }
0xb8: {  	s30 =	sld [smem:$0x0];
	_ =	sdelay $0x2  }
0xb9: {  	s31 =	sshll.u32 s1, $0xD;
	s1 =	sshrl.u32 s1, $0x2  }
0xba: {  	s3 =	sand.u32 $0x4000, s31;
	s1 =	sadd.s32 s1, s30  }
0xbb: {  	s0 =	sor.u32 s3, s0;
	s1 =	sshll.u32 s1, $0x11  }
0xbc: {  	s0 =	sor.u32 s1, s0  }
0xbd: {  	s0 =	sadd.s32 $0x8F2B, s0  }
0xbe: {  	[sflag:s0] =	ssyncadd.remote.s32 $0x1  }
0xbf: {  	_ =	sfence.sel $0xFFFF  }
0xc0: {  	[dreg:$0x0] =	wrdreg $0xFFFFFFFF;
	(pc) =	sbr.abs _section_cstart, $3  }
0xc1: {  	[dreg:$0x1] =	wrdreg $0xFFFFFFFF  }
0xc2: {  	_ =	task.clear_ibuf [dreg:s8], $0x2FFFF;
	_ =	strace $0x9FFFFFFF  }
0xc3: {  	(tm) =	ssettm $0x7FFFFFFF  }
tec
execute0_lowered:
.L_overlay_start_1:
0x0: {  	(tag) =	ssettag $0x1  }
0x1: {  	s1 =	stileid.u32  }
0x2: {  	p0 =	sgt.u32 s1, $0x3  }
.Ltmp0:
0x3: {  	_ = 	snop;
	(pc) =	sbr.rel @p0 .LBB2_30-.Ltmp0, $4  }
0x4: {  	s4 =	rddreg [dreg:$0x0]  }
0x5: {  	s3 =	rddreg [dreg:$0x1];
	s2 =	simm.s32 $0x0  }
0x6: {  	[smem:$0x7FF] =	sst s2  }
0x7: {  	s0 =	rddreg [dreg:$0x2];
	_ =	strace $0x80000047  }
0x8: {  	s5 =	srdreg.scid;
	s7 =	sshll.u32 s1, $0x5  }
0x9: {  	s9 =	simm.s32 $0x2000;
	s10 =	simm.s32 $0x4000;
	s11 =	simm.s32 $0x4200  }
0xa: {  	s12 =	simm.s32 $0x3000;
	s13 =	simm.s32 $0x4100;
	s14 =	simm.s32 $0x1000  }
0xb: {  	s15 =	simm.s32 $0x14200;
	s16 =	simm.s32 $0x2;
	s5 =	sand.u32 $0x1, s5  }
0xc: {  	s17 =	simm.s32 $0x0;
	s6 =	ssub.s32 $0x2, s5;
	s5 =	sshll.u32 s5, $0x4  }
0xd: {  	s8 =	sshrl.u32 s6, $0x1;
	s5 =	sor.u32 s5, s7;
	s7 =	simm.s32 $0x400  }
0xe: {  	v0 =	vimm.s32 $0x0;
	v1 =	vimm.s32 $0x1;
	v2 =	vlaneseq.u32;
	s6 =	ssub.s32 s6, s8;
	s3 =	sadd.s32 s3, s5;
	s4 =	sadd.s32 s4, s5  }
0xf: {  	vm0 =	vcmask $0x308;
	v3 =	vor.u32 $0x80000000, v2;
	v4 =	vmul.u32 $0xFFFFFFFF, v2;
	s8 =	simm.s32 $0x1;
	s5 =	smax.u32 s6, $0x1;
	s6 =	simm.s32 $0x80  }
.LBB2_2:
0x10: {  	[tilespmem:s2], [sflag:$0x1] =	stream.strided.gather [hbm4b:s4+s6], $0x1000, s7, s6, $0x38;
	[tilespmem:$0x15200] =	vst v63  }
0x11: {  	s18 =	simm.s32 $0x2010  }
0x12: {  	s19 =	simm.s32 $0x0;
	[tilespmem:s18+$0xFFFFFFF0] =	vst v0  }
.LBB2_3:
0x13: {  	s19 =	sadd.s32 $0x2, s19  }
0x14: {  	p0 =	slt.u32 s19, $0xFE  }
.Ltmp1:
0x15: {  	_ = 	snop;
	(pc) =	sbr.rel @p0 .LBB2_3-.Ltmp1, $3  }
0x16: {  	_ =	sdelay $0x1  }
0x17: {  	[tilespmem:s18+$0x0] =	vst v0;
	s18 =	sadd.s32 $0x20, s18  }
0x18: {  	[tilespmem:s18+$0xFFFFFFF0] =	vst v0  }
0x19: {  	[tilespmem:s18+$0x0] =	vst v0  }
0x1a: {  	[tilespmem:$0x4000] =	vst v0  }
0x1b: {  	[tilespmem:$0x4010] =	vst v0  }
0x1c: {  	[tilespmem:$0x4020] =	vst v0  }
0x1d: {  	[tilespmem:$0x4030] =	vst v0  }
0x1e: {  	[tilespmem:$0x4040] =	vst v0  }
0x1f: {  	[tilespmem:$0x4050] =	vst v0  }
0x20: {  	[tilespmem:$0x4060] =	vst v0  }
0x21: {  	[tilespmem:$0x4070] =	vst v0  }
0x22: {  	[tilespmem:$0x4080] =	vst v0  }
0x23: {  	[tilespmem:$0x4090] =	vst v0  }
0x24: {  	[tilespmem:$0x40A0] =	vst v0  }
0x25: {  	[tilespmem:$0x40B0] =	vst v0  }
0x26: {  	[tilespmem:$0x40C0] =	vst v0  }
0x27: {  	[tilespmem:$0x40D0] =	vst v0  }
0x28: {  	[tilespmem:$0x40E0] =	vst v0  }
0x29: {  	[tilespmem:$0x40F0] =	vst v0  }
0x2a: {  	_ =	swait.ge [sflag:s8], $0x1000  }
0x2b: {  	[sflag:s8] =	ssyncset.done $0x0  }
0x2c: {  	s29 =	simm.s32 $0x10;
	[sflag:s8] =	ssyncadd.s32 $0xFFFFF000  }
0x2d: {  	v5 =	vld [tilespmem:s29+$0xFFFFFFF0];
	_ =	sdelay $0x1  }
0x2e: {  	s30 =	simm.s32 $0x30;
	v6 =	vld [tilespmem:s29+$0x0]  }
0x2f: {  	v7 =	vld [tilespmem:s30+$0xFFFFFFF0]  }
0x30: {  	v9 =	vld [tilespmem:s30+$0x0]  }
0x31: {  	v5 =	vadd.f32 $0.0e+00, v5;
	_ =	sdelay $0x1  }
0x32: {  	v6 =	vadd.f32 $0.0e+00, v6;
	v8 =	vshra.s32 v5, $0x1F  }
0x33: {  	v13 =	vadd.f32 $0.0e+00, v7;
	v8 =	vand.u32 $0x7FFFFFFF, v8  }
0x34: {  	v7 =	vadd.f32 $0.0e+00, v9;
	v10 =	vshra.s32 v6, $0x1F;
	v11 =	vxor.u32 v5, v8  }
0x35: {  	v12 =	vshra.s32 v13, $0x1F;
	v5 =	vand.u32 $0x7FFFFFFF, v10;
	v8 =	vshra.s32 v11, $0x14  }
0x36: {  	s31 =	simm.s32 $0x50;
	v14 =	vand.u32 $0x7FFFFFFF, v12;
	v6 =	vxor.u32 v6, v5;
	v8 =	vadd.s32 $0x800, v8  }
0x37: {  	v15 =	vshra.s32 v7, $0x1F;
	v10 =	vld [tilespmem:s31+$0xFFFFFFF0];
	v13 =	vxor.u32 v13, v14;
	v9 =	vshra.s32 v6, $0x14  }
0x38: {  	s19 =	simm.s32 $0x1010;
	v12 =	vld [tilespmem:s31+$0x0];
	v5 =	vshra.s32 v11, $0x18;
	v16 =	vshra.s32 v6, $0x18;
	v9 =	vadd.s32 $0x800, v9  }
0x39: {  	s20 =	simm.s32 $0x4;
	s22 =	simm.s32 $0x70;
	s21 =	simm.s32 $0x1010;
	v14 =	vand.u32 $0x7FFFFFFF, v15;
	[tilespmem:s19+$0xFFFFFFF0] =	vst v11;
	v5 =	vadd.s32 $0x80, v5;
	v11 =	vadd.s32 $0x80, v16  }
.LBB2_5:
0x3a: {  	s20 =	sadd.s32 $0x2, s20  }
0x3b: {  	v15 =	vshra.s32 v13, $0x14;
	[tilespmem:v8+s9+$0x0] =	vst.idx.add.s32.msk $0xffff, v1;
	s19 =	sadd.s32 $0x20, s19;
	s18 =	simm.s32 $0xFC0;
	p0 =	slt.u32 s20, $0xFE  }
.Ltmp2:
0x3c: {  	v16 =	vadd.f32 $0.0e+00, v10;
	v10 =	vld [tilespmem:s22+$0xFFFFFFF0];
	v8 =	vadd.s32 $0x800, v15;
	[tilespmem:s21+$0x0] =	vst v6;
	v6 =	vxor.u32 v7, v14;
	s21 =	smov.u32 s19;
	(pc) =	sbr.rel @p0 .LBB2_5-.Ltmp2, $4  }
0x3d: {  	v14 =	vshra.s32 v13, $0x18;
	v7 =	vadd.f32 $0.0e+00, v12;
	v15 =	vshra.s32 v6, $0x14;
	[tilespmem:v9+s9+$0x0] =	vst.idx.add.s32.msk $0xffff, v1  }
0x3e: {  	v17 =	vshra.s32 v16, $0x1F;
	v18 =	vadd.s32 $0x80, v14;
	v12 =	vld [tilespmem:s22+$0x0];
	[tilespmem:s19+$0xFFFFFFF0] =	vst v13;
	v9 =	vadd.s32 $0x800, v15  }
0x3f: {  	v13 =	vand.u32 $0x7FFFFFFF, v17;
	v15 =	vshra.s32 v6, $0x18;
	v14 =	vshra.s32 v7, $0x1F;
	[tilespmem:v11+s10+$0x0] =	vst.idx.add.s32.msk $0xffff, v1  }
0x40: {  	s22 =	sadd.s32 $0x20, s22;
	v13 =	vxor.u32 v16, v13;
	v11 =	vadd.s32 $0x80, v15;
	v14 =	vand.u32 $0x7FFFFFFF, v14;
	[tilespmem:v5+s10+$0x0] =	vst.idx.add.s32.msk $0xffff, v1;
	v5 =	vmovc v18  }
0x41: {  	_ =	sdelay $0x3  }
0x42: {  	[tilespmem:v8+s9+$0x0] =	vst.idx.add.s32.msk $0xffff, v1  }
0x43: {  	[tilespmem:s21+$0x0] =	vst v6  }
0x44: {  	v15 =	vshra.s32 v13, $0x14;
	v55 =	vadd.f32 $0.0e+00, v10;
	v7 =	vxor.u32 v7, v14;
	s19 =	sadd.s32 $0x20, s19;
	[tilespmem:v9+s9+$0x0] =	vst.idx.add.s32.msk $0xffff, v1  }
0x45: {  	v59 =	vshra.s32 v13, $0x18;
	v56 =	vadd.s32 $0x800, v15;
	v6 =	vshra.s32 v7, $0x14;
	[tilespmem:s19+$0xFFFFFFF0] =	vst v13  }
0x46: {  	[tilespmem:v5+s10+$0x0] =	vst.idx.add.s32.msk $0xffff, v1;
	v57 =	vadd.f32 $0.0e+00, v12;
	v58 =	vshra.s32 v55, $0x1F;
	v6 =	vadd.s32 $0x800, v6  }
0x47: {  	v5 =	vadd.s32 $0x80, v59;
	[tilespmem:s19+$0x0] =	vst v7;
	v12 =	vand.u32 $0x7FFFFFFF, v58  }
0x48: {  	v14 =	vshra.s32 v7, $0x18;
	s19 =	sadd.s32 $0x20, s19;
	[tilespmem:v11+s10+$0x0] =	vst.idx.add.s32.msk $0xffff, v1;
	v60 =	vshra.s32 v57, $0x1F;
	v8 =	vxor.u32 v55, v12  }
0x49: {  	v61 =	vadd.s32 $0x80, v14;
	v11 =	vand.u32 $0x7FFFFFFF, v60;
	v62 =	vshra.s32 v8, $0x14;
	[tilespmem:s19+$0xFFFFFFF0] =	vst v8  }
0x4a: {  	v8 =	vshra.s32 v8, $0x18;
	[tilespmem:v56+s9+$0x0] =	vst.idx.add.s32.msk $0xffff, v1;
	v63 =	vadd.s32 $0x800, v62;
	v9 =	vxor.u32 v57, v11  }
0x4b: {  	v8 =	vadd.s32 $0x80, v8;
	v7 =	vshra.s32 v9, $0x14;
	[tilespmem:v6+s9+$0x0] =	vst.idx.add.s32.msk $0xffff, v1  }
0x4c: {  	[tilespmem:v5+s10+$0x0] =	vst.idx.add.s32.msk $0xffff, v1;
	v6 =	vadd.s32 $0x800, v7;
	v7 =	vshra.s32 v9, $0x18  }
0x4d: {  	[tilespmem:s19+$0x0] =	vst v9;
	v7 =	vadd.s32 $0x80, v7  }
0x4e: {  	[tilespmem:v61+s10+$0x0] =	vst.idx.add.s32.msk $0xffff, v1  }
0x4f: {  	[tilespmem:v63+s9+$0x0] =	vst.idx.add.s32.msk $0xffff, v1  }
0x50: {  	[tilespmem:v8+s10+$0x0] =	vst.idx.add.s32.msk $0xffff, v1  }
0x51: {  	[tilespmem:v6+s9+$0x0] =	vst.idx.add.s32.msk $0xffff, v1  }
0x52: {  	s20 =	simm.s32 $0x1FF0;
	s19 =	simm.s32 $0x3FF0;
	[tilespmem:v7+s10+$0x0] =	vst.idx.add.s32.msk $0xffff, v1  }
.LBB2_7:
0x53: {  	v5 =	vld [tilespmem:s20+$0x0];
	_ =	sdelay $0x4  }
0x54: {  	v6 =	vmul.u32 $0x9E3779B9, v5;
	_ =	sdelay $0x1  }
0x55: {  	v5 =	vmul.u32 $0x85EBCA6B, v5;
	v6 =	vshrl.u32 v6, $0x10;
	_ =	sdelay $0x1  }
0x56: {  	s21 =	sadd.s32 $0x30, s18;
	v5 =	vand.u32 $0xFFFFF000, v5  }
0x57: {  	v5 =	vor.u32 s21, v5  }
0x58: {  	v5 =	vor.u32 v2, v5  }
0x59: {  	[tilespmem:v6+s11+$0x0] =	vst.idx.msk $0xffff, v5  }
0x5a: {  	[tilespmem:s19+$0x0] =	vst v0  }
0x5b: {  	v5 =	vld [tilespmem:s20+$0xFFFFFFF0];
	_ =	sdelay $0x4  }
0x5c: {  	v6 =	vmul.u32 $0x9E3779B9, v5;
	_ =	sdelay $0x1  }
0x5d: {  	v5 =	vmul.u32 $0x85EBCA6B, v5;
	v6 =	vshrl.u32 v6, $0x10;
	_ =	sdelay $0x1  }
0x5e: {  	s30 =	sadd.s32 $0x20, s18;
	v5 =	vand.u32 $0xFFFFF000, v5  }
0x5f: {  	v5 =	vor.u32 s30, v5  }
0x60: {  	v5 =	vor.u32 v2, v5  }
0x61: {  	[tilespmem:v6+s11+$0x0] =	vst.idx.msk $0xffff, v5  }
0x62: {  	[tilespmem:s19+$0xFFFFFFF0] =	vst v0  }
0x63: {  	v5 =	vld [tilespmem:s20+$0xFFFFFFE0];
	_ =	sdelay $0x4  }
0x64: {  	v6 =	vmul.u32 $0x9E3779B9, v5;
	_ =	sdelay $0x1  }
0x65: {  	v5 =	vmul.u32 $0x85EBCA6B, v5;
	v6 =	vshrl.u32 v6, $0x10;
	_ =	sdelay $0x1  }
0x66: {  	s31 =	sadd.s32 $0x10, s18;
	v5 =	vand.u32 $0xFFFFF000, v5  }
0x67: {  	v5 =	vor.u32 s31, v5  }
0x68: {  	v5 =	vor.u32 v2, v5  }
0x69: {  	[tilespmem:v6+s11+$0x0] =	vst.idx.msk $0xffff, v5  }
0x6a: {  	[tilespmem:s19+$0xFFFFFFE0] =	vst v0  }
0x6b: {  	v5 =	vld [tilespmem:s20+$0xFFFFFFD0];
	_ =	sdelay $0x4  }
0x6c: {  	v6 =	vmul.u32 $0x9E3779B9, v5;
	_ =	sdelay $0x1  }
0x6d: {  	v5 =	vmul.u32 $0x85EBCA6B, v5;
	v6 =	vshrl.u32 v6, $0x10  }
0x6e: {  	p0 =	sne.s32 s18, $0x0  }
.Ltmp3:
0x6f: {  	v5 =	vand.u32 $0xFFFFF000, v5;
	(pc) =	sbr.rel @p0 .LBB2_7-.Ltmp3, $4  }
0x70: {  	v5 =	vor.u32 s18, v5  }
0x71: {  	v5 =	vor.u32 v2, v5  }
0x72: {  	[tilespmem:v6+s11+$0x0] =	vst.idx.msk $0xffff, v5  }
0x73: {  	s20 =	sadd.s32 $0xFFFFFFC0, s20;
	s18 =	sadd.s32 $0xFFFFFFC0, s18;
	[tilespmem:s19+$0xFFFFFFD0] =	vst v0;
	s19 =	sadd.s32 $0xFFFFFFC0, s19  }
0x74: {  	[tilespmem:$0x4100] =	vst v0  }
0x75: {  	[tilespmem:$0x4110] =	vst v0  }
0x76: {  	[tilespmem:$0x4120] =	vst v0  }
0x77: {  	[tilespmem:$0x4130] =	vst v0  }
0x78: {  	[tilespmem:$0x4140] =	vst v0  }
0x79: {  	[tilespmem:$0x4150] =	vst v0  }
0x7a: {  	[tilespmem:$0x4160] =	vst v0  }
0x7b: {  	[tilespmem:$0x4170] =	vst v0  }
0x7c: {  	[tilespmem:$0x4180] =	vst v0  }
0x7d: {  	[tilespmem:$0x4190] =	vst v0  }
0x7e: {  	[tilespmem:$0x41A0] =	vst v0  }
0x7f: {  	[tilespmem:$0x41B0] =	vst v0  }
0x80: {  	[tilespmem:$0x41C0] =	vst v0  }
0x81: {  	[tilespmem:$0x41D0] =	vst v0  }
0x82: {  	[tilespmem:$0x41E0] =	vst v0  }
0x83: {  	[tilespmem:$0x41F0] =	vst v0;
	s18 =	simm.s32 $0x4020  }
0x84: {  	v5 =	vld [tilespmem:s18+$0xFFFFFFE0]  }
0x85: {  	v6 =	vld [tilespmem:s18+$0xFFFFFFF0];
	_ =	sdelay $0x3  }
0x86: {  	v7 =	vld [tilespmem:s18+$0x0];
	(xrf0) =	vadd.scan.msk.s32 $0xffff, v5  }
0x87: {  	(xrf0) =	vadd.scan.msk.s32 $0xffff, v6;
	_ =	sdelay $0x3  }
0x88: {  	(xrf0) =	vadd.scan.msk.s32 $0xffff, v7  }
0x89: {  	v8, _, _ =	vpop (xrf0)  }
0x8a: {  	(v2sf) =	vpush v8, $0xF;
	v9, _, _ =	vpop (xrf0)  }
0x8b: {  	(v2sf) =	vpush v9, $0xF;
	_ =	sdelay $0x2  }
0x8c: {  	v10, _, _ =	vpop (xrf0)  }
0x8d: {  	(v2sf) =	vpush v10, $0xF;
	_ =	sdelay $0x3  }
0x8e: {  	v11 =	vld [tilespmem:s18+$0x10];
	_ =	sdelay $0x3  }
0x8f: {  	s19 =	simm.s32 $0x0  }
0x90: {  	(xrf0) =	vadd.scan.msk.s32 $0xffff, v11;
	v8 =	vadd.s32 s19, v8  }
0x91: {  	v5 =	vsub.s32 v8, v5;
	s20 =	spop (v2sf)  }
0x92: {  	[tilespmem:s18+$0xFFFFFFE0] =	vst v8;
	v8 =	vor.u32 s19, v3;
	vm1 =	vlt.s32 v5, $0x801;
	s20 =	sadd.s32 $0x0, s20;
	s21 =	spop (v2sf)  }
0x93: {  	v8 =	vnsel vm1, $0x7FFFFFFF, v8;
	v5 =	vadd.s32 s20, v9;
	s20 =	sadd.s32 s20, s21  }
0x94: {  	s24 =	simm.s32 $0x10;
	s19 =	simm.s32 $0x4060;
	v6 =	vsub.s32 v5, v6;
	v9 =	vadd.s32 s20, v10  }
0x95: {  	v10 =	vld [tilespmem:s19+$0xFFFFFFE0];
	vm1 =	vlt.s32 v6, $0x801;
	v6 =	vor.u32 s24, v3;
	[tilespmem:s18+$0x0] =	vst v9  }
0x96: {  	s25 =	simm.s32 $0x20;
	(xrf0) =	vmax.scan.msk.u32 $0xffff, v8;
	v8, _, _ =	vpop (xrf0);
	s22 =	spop (v2sf);
	v7 =	vsub.s32 v9, v7;
	v12 =	vnsel vm1, $0x7FFFFFFF, v6;
	v6 =	vld [tilespmem:s19+$0xFFFFFFF0]  }
0x97: {  	(v2sf) =	vpush v8, $0xF;
	s20 =	sadd.s32 s20, s22;
	vm1 =	vlt.s32 v7, $0x801;
	v7 =	vor.u32 s25, v3  }
0x98: {  	v8 =	vadd.s32 s20, v8;
	(xrf0) =	vmax.scan.msk.u32 $0xffff, v12;
	v7 =	vnsel vm1, $0x7FFFFFFF, v7  }
0x99: {  	s26 =	simm.s32 $0x30;
	v9 =	vsub.s32 v8, v11;
	(xrf0) =	vmax.scan.msk.u32 $0xffff, v7  }
0x9a: {  	vm1 =	vlt.s32 v9, $0x801;
	v7 =	vor.u32 s26, v3;
	(xrf0) =	vadd.scan.msk.s32 $0xffff, v10  }
0x9b: {  	v7 =	vnsel vm1, $0x7FFFFFFF, v7;
	(xrf0) =	vadd.scan.msk.s32 $0xffff, v6  }
0x9c: {  	v9, _, _ =	vpop (xrf0);
	(xrf0) =	vmax.scan.msk.u32 $0xffff, v7;
	_ =	sdelay $0x1  }
0x9d: {  	(v2sf) =	vpush v9, $0xF;
	v7, _, _ =	vpop (xrf0)  }
0x9e: {  	(v2sf) =	vpush v7, $0xF;
	v7, _, _ =	vpop (xrf0)  }
0x9f: {  	(v2sf) =	vpush v7, $0xF;
	v9, _, _ =	vpop (xrf0)  }
0xa0: {  	[tilespmem:s18+$0x10] =	vst v8;
	(v2sf) =	vpush v9, $0xF;
	v11, _, _ =	vpop (xrf0)  }
0xa1: {  	v8 =	vld [tilespmem:s19+$0x0];
	(v2sf) =	vpush v11, $0xF;
	v7, _, _ =	vpop (xrf0)  }
0xa2: {  	(v2sf) =	vpush v7, $0xF;
	v7 =	vld [tilespmem:s19+$0x10];
	_ =	sdelay $0x2  }
0xa3: {  	s28 =	spop (v2sf)  }
0xa4: {  	(xrf0) =	vadd.scan.msk.s32 $0xffff, v8;
	s22 =	sadd.s32 s20, s28  }
0xa5: {  	v63 =	vadd.s32 s22, v9;
	(xrf0) =	vadd.scan.msk.s32 $0xffff, v7  }
0xa6: {  	s20 =	simm.s32 $0x40;
	v9 =	vsub.s32 v63, v10  }
0xa7: {  	vm1 =	vlt.s32 v9, $0x801;
	v9 =	vor.u32 s20, v3  }
0xa8: {  	v9 =	vnsel vm1, $0x7FFFFFFF, v9;
	_ =	sdelay $0x1  }
0xa9: {  	v10, _, _ =	vpop (xrf0);
	s29 =	spop (v2sf)  }
0xaa: {  	(xrf0) =	vmax.scan.msk.u32 $0xffff, v9;
	s24 =	spop (v2sf);
	(v2sf) =	vpush v10, $0xF;
	v9, _, _ =	vpop (xrf0)  }
0xab: {  	(v2sf) =	vpush v9, $0xF;
	_ =	sdelay $0x4  }
0xac: {  	s23 =	sxor.u32 $0x80000000, s29;
	v13, _, _ =	vpop (xrf0)  }
0xad: {  	s21 =	simm.s32 $0xFFFFFFFF;
	p0 =	slt.s32 s23, $0xFFFFFFFF;
	(v2sf) =	vpush v13, $0xF  }
0xae: {  	s23 =	smov.u32 @p0 s21;
	s24 =	sxor.u32 $0x80000000, s24  }
0xaf: {  	s21 =	simm.s32 $0x80;
	s25 =	spop (v2sf);
	p0 =	sgt.s32 s23, s24  }
0xb0: {  	s30 =	spop (v2sf);
	s24 =	smov.u32 @p0 s23;
	s23 =	sxor.u32 $0x80000000, s25  }
0xb1: {  	s22 =	sadd.s32 s22, s30;
	p0 =	sgt.s32 s24, s23;
	s31 =	spop (v2sf)  }
0xb2: {  	[tilespmem:s19+$0xFFFFFFE0] =	vst v63;
	v11 =	vadd.s32 s22, v11;
	s23 =	smov.u32 @p0 s24;
	s24 =	sadd.s32 s22, s31;
	s22 =	spop (v2sf)  }
.LBB2_9:
0xb3: {  	s25 =	sadd.s32 $0x10, s20;
	s26 =	sadd.s32 $0x20, s20  }
0xb4: {  	v6 =	vsub.s32 v11, v6;
	[tilespmem:s18+$0xFFFFFFF0] =	vst v5;
	s22 =	sxor.u32 $0x80000000, s22;
	v5 =	vmov v11;
	s18 =	smov.u32 s19;
	s28 =	smov.u32 s21  }
0xb5: {  	v10 =	vadd.s32 s24, v10;
	s19 =	sadd.s32 $0x40, s19;
	vm1 =	vlt.s32 v6, $0x801;
	v6 =	vor.u32 s25, v3;
	s25 =	spop (v2sf);
	p0 =	sgt.s32 s23, s22  }
0xb6: {  	v8 =	vsub.s32 v10, v8;
	v11 =	vld [tilespmem:s19+$0xFFFFFFE0];
	v12 =	vnsel vm1, $0x7FFFFFFF, v6;
	[tilespmem:s18+$0x0] =	vst v10;
	s24 =	sadd.s32 s24, s25;
	s25 =	spop (v2sf);
	s22 =	smov.u32 @p0 s23  }
0xb7: {  	p0 =	sne.s32 s21, $0xC0;
	s21 =	sadd.s32 $0x40, s21;
	vm1 =	vlt.s32 v8, $0x801;
	v8 =	vor.u32 s26, v3;
	v6 =	vld [tilespmem:s19+$0xFFFFFFF0];
	v9 =	vadd.s32 s24, v9;
	s24 =	sadd.s32 s24, s25;
	(xrf0) =	vmax.scan.msk.u32 $0xffff, v12  }
0xb8: {  	s23 =	sadd.s32 $0x30, s20;
	s20 =	smov.u32 s28;
	v8 =	vnsel vm1, $0x7FFFFFFF, v8;
	v7 =	vsub.s32 v9, v7;
	[tilespmem:s18+$0x10] =	vst v9  }
0xb9: {  	vm1 =	vlt.s32 v7, $0x801;
	v7 =	vor.u32 s23, v3;
	(xrf0) =	vmax.scan.msk.u32 $0xffff, v8  }
0xba: {  	v8 =	vld [tilespmem:s19+$0x0];
	v9 =	vnsel vm1, $0x7FFFFFFF, v7  }
0xbb: {  	v7 =	vld [tilespmem:s19+$0x10];
	(xrf0) =	vadd.scan.msk.s32 $0xffff, v11  }
0xbc: {  	(xrf0) =	vadd.scan.msk.s32 $0xffff, v6;
	s23 =	spop (v2sf)  }
0xbd: {  	s23 =	sxor.u32 $0x80000000, s23;
	v10, _, _ =	vpop (xrf0);
	(xrf0) =	vmax.scan.msk.u32 $0xffff, v9  }
0xbe: {  	p1 =	sgt.s32 s22, s23;
	(v2sf) =	vpush v10, $0xF  }
0xbf: {  	(xrf0) =	vadd.scan.msk.s32 $0xffff, v8;
	v9, _, _ =	vpop (xrf0)  }
0xc0: {  	(xrf0) =	vadd.scan.msk.s32 $0xffff, v7;
	(v2sf) =	vpush v9, $0xF  }
0xc1: {  	v9, _, _ =	vpop (xrf0)  }
0xc2: {  	v13 =	vadd.s32 s24, v9;
	(v2sf) =	vpush v9, $0xF;
	v12, _, _ =	vpop (xrf0)  }
0xc3: {  	v9 =	vsub.s32 v13, v11;
	[tilespmem:s19+$0xFFFFFFE0] =	vst v13;
	(v2sf) =	vpush v12, $0xF;
	v10, _, _ =	vpop (xrf0)  }
0xc4: {  	v13 =	vor.u32 s20, v3;
	vm1 =	vlt.s32 v9, $0x801;
	(v2sf) =	vpush v10, $0xF  }
0xc5: {  	v11 =	vnsel vm1, $0x7FFFFFFF, v13;
	v10, _, _ =	vpop (xrf0)  }
0xc6: {  	(xrf0) =	vmax.scan.msk.u32 $0xffff, v11;
	(v2sf) =	vpush v10, $0xF;
	v9, _, _ =	vpop (xrf0)  }
0xc7: {  	(v2sf) =	vpush v9, $0xF;
	_ =	sdelay $0x4  }
0xc8: {  	v11, _, _ =	vpop (xrf0)  }
0xc9: {  	(v2sf) =	vpush v11, $0xF;
	s25 =	spop (v2sf)  }
0xca: {  	s23 =	smov.u32 @p1 s22;
	s22 =	sxor.u32 $0x80000000, s25  }
.Ltmp4:
0xcb: {  	p1 =	sgt.s32 s23, s22;
	s25 =	spop (v2sf);
	(pc) =	sbr.rel @p0 .LBB2_9-.Ltmp4, $4  }
0xcc: {  	s22 =	smov.u32 @p1 s23;
	s23 =	sxor.u32 $0x80000000, s25  }
0xcd: {  	s25 =	spop (v2sf);
	p1 =	sgt.s32 s22, s23  }
0xce: {  	s24 =	sadd.s32 s24, s25;
	s25 =	spop (v2sf);
	s23 =	smov.u32 @p1 s22  }
0xcf: {  	v11 =	vadd.s32 s24, v12;
	s24 =	sadd.s32 s24, s25;
	s22 =	spop (v2sf)  }
0xd0: {  	s21 =	sadd.s32 $0x10, s20;
	v6 =	vsub.s32 v11, v6  }
0xd1: {  	v10 =	vadd.s32 s24, v10;
	vm1 =	vlt.s32 v6, $0x801;
	v6 =	vor.u32 s21, v3;
	s30 =	spop (v2sf)  }
0xd2: {  	s25 =	sadd.s32 $0x20, s20;
	v8 =	vsub.s32 v10, v8;
	v6 =	vnsel vm1, $0x7FFFFFFF, v6;
	s21 =	sadd.s32 s24, s30  }
0xd3: {  	vm1 =	vlt.s32 v8, $0x801;
	v8 =	vor.u32 s25, v3;
	v9 =	vadd.s32 s21, v9;
	(xrf0) =	vmax.scan.msk.u32 $0xffff, v6  }
0xd4: {  	s31 =	sadd.s32 $0x30, s20;
	v6 =	vnsel vm1, $0x7FFFFFFF, v8;
	v7 =	vsub.s32 v9, v7  }
0xd5: {  	(xrf0) =	vmax.scan.msk.u32 $0xffff, v6;
	vm1 =	vlt.s32 v7, $0x801;
	v7 =	vor.u32 s31, v3  }
0xd6: {  	v6 =	vnsel vm1, $0x7FFFFFFF, v7  }
0xd7: {  	(xrf0) =	vmax.scan.msk.u32 $0xffff, v6;
	_ =	sdelay $0x1  }
0xd8: {  	v6, _, _ =	vpop (xrf0)  }
0xd9: {  	(v2sf) =	vpush v6, $0xF  }
0xda: {  	v6, _, _ =	vpop (xrf0)  }
0xdb: {  	(v2sf) =	vpush v6, $0xF  }
0xdc: {  	v6, _, _ =	vpop (xrf0)  }
0xdd: {  	(v2sf) =	vpush v6, $0xF;
	_ =	sdelay $0x7  }
0xde: {  	s20 =	sxor.u32 $0x80000000, s22;
	s21 =	spop (v2sf)  }
0xdf: {  	p0 =	sgt.s32 s23, s20;
	s22 =	spop (v2sf)  }
0xe0: {  	s20 =	smov.u32 @p0 s23;
	s21 =	sxor.u32 $0x80000000, s22  }
0xe1: {  	p0 =	sgt.s32 s20, s21;
	s23 =	spop (v2sf)  }
0xe2: {  	s21 =	smov.u32 @p0 s20;
	s20 =	sxor.u32 $0x80000000, s23  }
0xe3: {  	s24 =	spop (v2sf);
	p0 =	sgt.s32 s21, s20  }
0xe4: {  	s20 =	smov.u32 @p0 s21;
	s21 =	sxor.u32 $0x80000000, s24  }
0xe5: {  	p0 =	sgt.s32 s20, s21;
	s25 =	spop (v2sf)  }
0xe6: {  	s21 =	smov.u32 @p0 s20;
	s20 =	sxor.u32 $0x80000000, s25  }
0xe7: {  	p0 =	sgt.s32 s21, s20  }
0xe8: {  	s20 =	smov.u32 @p0 s21  }
0xe9: {  	v6 =	vadd.s32 s20, v4  }
0xea: {  	vm1 =	vgt.s32 v6, $0x0  }
0xeb: {  	v6 =	vnsel vm1, $0x0, v6  }
0xec: {  	[tilespmem:s18+$0xFFFFFFF0] =	vst v5  }
0xed: {  	[tilespmem:s19+$0x0] =	vst v10  }
0xee: {  	[tilespmem:s19+$0xFFFFFFF0] =	vst v11  }
0xef: {  	[tilespmem:s19+$0x10] =	vst v9  }
0xf0: {  	v5 =	vld.idx.msk [tilespmem:v6+s10+$0x0], $0xffff;
	_ =	sdelay $0x4  }
0xf1: {  	v5 =	vsel vm0, $0x0, v5  }
0xf2: {  	v5 =	vxor.u32 $0x80000000, v5  }
0xf3: {  	(xrf0) =	vmax.scan.msk.u32 $0xffff, v5;
	_ =	sdelay $0x5  }
0xf4: {  	v5, _, _ =	vpop (xrf0)  }
0xf5: {  	(v2sf) =	vpush v5, $0xF;
	_ =	sdelay $0x4  }
0xf6: {  	s26 =	sshll.u32 s20, $0x4  }
0xf7: {  	v5 =	vld [tilespmem:s26+$0x2000];
	_ =	sdelay $0x4  }
0xf8: {  	(xrf0) =	vadd.scan.msk.s32 $0xffff, v5;
	_ =	sdelay $0x3  }
0xf9: {  	s28 =	spop (v2sf)  }
0xfa: {  	p0 =	sgt.s32 s20, $0x0;
	s19 =	sxor.u32 $0x80000000, s28  }
0xfb: {  	v6, _, _ =	vpop (xrf0);
	s19 =	simm.s32 @!p0 $0x0  }
0xfc: {  	v7 =	vadd.s32 s19, v6  }
0xfd: {  	v6 =	vsub.s32 v7, v5  }
0xfe: {  	vm1 =	vlt.s32 v6, $0x801  }
0xff: {  	v5 =	vnsel vm1, $0x7FFFFFFF, v3  }
0x100: {  	(xrf0) =	vmax.scan.msk.u32 $0xffff, v5;
	_ =	sdelay $0x5  }
0x101: {  	v5, _, _ =	vpop (xrf0)  }
0x102: {  	(v2sf) =	vpush v5, $0xF;
	_ =	sdelay $0xa  }
0x103: {  	s29 =	simm.s32 $0x1010  }
0x104: {  	v8 =	vld [tilespmem:s29+$0x0];
	_ =	sdelay $0x2  }
0x105: {  	v9 =	vld [tilespmem:s29+$0xFFFFFFF0];
	s31 =	simm.s32 $0x1030;
	s30 =	spop (v2sf)  }
0x106: {  	v12 =	vld [tilespmem:s31+$0x0];
	s19 =	sxor.u32 $0x80000000, s30  }
0x107: {  	v13 =	vld [tilespmem:s31+$0xFFFFFFF0];
	v10 =	vshra.s32 v8, $0x14;
	s18 =	sadd.s32 s26, s19  }
0x108: {  	v10 =	vadd.s32 $0x800, v10;
	v5 =	vmov s18  }
0x109: {  	v11 =	vshrl.u32 v8, $0x8;
	v8 =	vshrl.u32 v8, $0xC;
	vm2 =	veq.s32 v10, v5  }
0x10a: {  	v15 =	vand.u32 $0xFFF, v11;
	v16 =	vand.u32 $0xFF, v8;
	v10 =	vshra.s32 v9, $0x14  }
0x10b: {  	v8 =	vshrl.u32 v9, $0x8;
	v17 =	vshrl.u32 v12, $0x8;
	v10 =	vadd.s32 $0x800, v10  }
0x10c: {  	v18 =	vshrl.u32 v12, $0xC;
	v14 =	vshrl.u32 v13, $0xC;
	vm5 =	veq.s32 v10, v5  }
0x10d: {  	s20 =	simm.s32 $0x1050;
	vm3 =	vmmov vm2;
	v10 =	vshrl.u32 v9, $0xC;
	v9 =	vand.u32 $0xFFF, v8  }
0x10e: {  	v11 =	vld [tilespmem:s20+$0x0];
	v8 =	vshra.s32 v12, $0x14;
	v19 =	vand.u32 $0xFF, v10;
	vm1 =	vmmov vm5  }
0x10f: {  	s21 =	simm.s32 $0x10;
	v10 =	vshrl.u32 v13, $0x8;
	v12 =	vadd.s32 $0x800, v8;
	v13 =	vshra.s32 v13, $0x14;
	[tilespmem:v15+s12+$0x0] =	vst.idx.add.s32.msk vm2, v1  }
0x110: {  	vm4 =	veq.s32 v12, v5;
	v13 =	vadd.s32 $0x800, v13;
	[tilespmem:v16+s13+$0x0] =	vst.idx.add.s32.msk vm2, v1;
	v16 =	vor.u32 s21, v2  }
0x111: {  	v8 =	vand.u32 $0xFFF, v10;
	v10 =	vld [tilespmem:s20+$0xFFFFFFF0];
	v12 =	vand.u32 $0xFFF, v17;
	vm3 =	vmmov vm4;
	[tilespmem:v15+s9+$0x0] =	vst.idx.msk vm2, v16  }
0x112: {  	v16 =	vand.u32 $0xFF, v18;
	[tilespmem:v9+s12+$0x0] =	vst.idx.add.s32.msk vm5, v1  }
0x113: {  	s22 =	simm.s32 $0x4;
	s23 =	simm.s32 $0x0;
	v17 =	vshrl.u32 v11, $0x8;
	v15 =	vshrl.u32 v11, $0xC;
	vm2 =	veq.s32 v13, v5;
	v13 =	vmovc v8;
	[tilespmem:v19+s13+$0x0] =	vst.idx.add.s32.msk vm5, v1  }
.LBB2_11:
0x114: {  	s22 =	sadd.s32 $0x2, s22;
	s20 =	sadd.s32 $0x20, s20;
	v18 =	vor.u32 s23, v2;
	s21 =	sadd.s32 $0x20, s21  }
0x115: {  	v19 =	vshra.s32 v11, $0x14;
	v20 =	vand.u32 $0xFF, v14;
	p0 =	slt.u32 s22, $0xFE;
	v11 =	vld [tilespmem:s20+$0x0];
	[tilespmem:v9+s9+$0x0] =	vst.idx.msk vm1, v18;
	v9 =	vmovc v8;
	vm1 =	vmmov vm2  }
.Ltmp5:
0x116: {  	v18 =	vadd.s32 $0x800, v19;
	v8 =	vshrl.u32 v10, $0x8;
	v14 =	vshrl.u32 v10, $0xC;
	[tilespmem:v12+s12+$0x0] =	vst.idx.add.s32.msk vm4, v1;
	(pc) =	sbr.rel @p0 .LBB2_11-.Ltmp5, $4  }
0x117: {  	vm4 =	veq.s32 v18, v5;
	v8 =	vand.u32 $0xFFF, v8;
	[tilespmem:v16+s13+$0x0] =	vst.idx.add.s32.msk vm3, v1;
	v16 =	vor.u32 s21, v2  }
0x118: {  	v18 =	vshra.s32 v10, $0x14;
	v10 =	vld [tilespmem:s20+$0xFFFFFFF0];
	[tilespmem:v12+s9+$0x0] =	vst.idx.msk vm3, v16;
	v12 =	vand.u32 $0xFFF, v17;
	vm3 =	vmmov vm4  }
0x119: {  	s23 =	sadd.s32 $0xFFFFFFF0, s21;
	v18 =	vadd.s32 $0x800, v18;
	v16 =	vand.u32 $0xFF, v15;
	[tilespmem:v13+s12+$0x0] =	vst.idx.add.s32.msk vm2, v1;
	v13 =	vmov v8  }
0x11a: {  	v17 =	vshrl.u32 v11, $0x8;
	v15 =	vshrl.u32 v11, $0xC;
	[tilespmem:v20+s13+$0x0] =	vst.idx.add.s32.msk vm2, v1;
	vm2 =	veq.s32 v18, v5  }
0x11b: {  	_ =	sdelay $0x3  }
0x11c: {  	v18 =	vor.u32 s23, v2;
	v11 =	vshra.s32 v11, $0x14  }
0x11d: {  	v14 =	vand.u32 $0xFF, v14;
	[tilespmem:v9+s9+$0x0] =	vst.idx.msk vm1, v18;
	v9 =	vadd.s32 $0x800, v11  }
0x11e: {  	s20 =	sadd.s32 $0x20, s21;
	[tilespmem:v12+s12+$0x0] =	vst.idx.add.s32.msk vm4, v1;
	vm15 =	veq.s32 v9, v5  }
0x11f: {  	v63 =	vand.u32 $0xFFF, v17;
	[tilespmem:v16+s13+$0x0] =	vst.idx.add.s32.msk vm3, v1;
	v9 =	vor.u32 s20, v2;
	v11 =	vshra.s32 v10, $0x14  }
0x120: {  	[tilespmem:v12+s9+$0x0] =	vst.idx.msk vm3, v9;
	v9 =	vadd.s32 $0x800, v11;
	v11 =	vand.u32 $0xFF, v15  }
0x121: {  	[tilespmem:v13+s12+$0x0] =	vst.idx.add.s32.msk vm2, v1;
	s21 =	sadd.s32 $0xFFFFFFF0, s20;
	v12 =	vshrl.u32 v10, $0x8;
	vm3 =	veq.s32 v9, v5  }
0x122: {  	v9 =	vshrl.u32 v10, $0xC;
	v10 =	vand.u32 $0xFFF, v12;
	v12 =	vor.u32 s21, v2;
	[tilespmem:v14+s13+$0x0] =	vst.idx.add.s32.msk vm2, v1  }
0x123: {  	v9 =	vand.u32 $0xFF, v9;
	[tilespmem:v8+s9+$0x0] =	vst.idx.msk vm2, v12  }
0x124: {  	s20 =	sadd.s32 $0x20, s20;
	[tilespmem:v63+s12+$0x0] =	vst.idx.add.s32.msk vm15, v1  }
0x125: {  	v8 =	vor.u32 s20, v2;
	[tilespmem:v11+s13+$0x0] =	vst.idx.add.s32.msk vm15, v1  }
0x126: {  	[tilespmem:v63+s9+$0x0] =	vst.idx.msk vm15, v8;
	v8 =	vmov s19  }
0x127: {  	v7 =	vxor.u32 $0x80000000, v7;
	vm1 =	vmmov vm2;
	s20 =	sadd.s32 $0xFFFFFFF0, s20;
	[tilespmem:v10+s12+$0x0] =	vst.idx.add.s32.msk vm3, v1;
	vm2 =	veq.s32 v8, v2  }
0x128: {  	v6 =	vxor.u32 $0x80000000, v6;
	[tilespmem:v9+s13+$0x0] =	vst.idx.add.s32.msk vm3, v1;
	v9 =	vor.u32 s20, v2;
	v7 =	vnsel vm2, $0x80000000, v7  }
0x129: {  	s21 =	simm.s32 $0x4120;
	[tilespmem:v10+s9+$0x0] =	vst.idx.msk vm3, v9;
	v6 =	vnsel vm2, $0x80000000, v6;
	(xrf0) =	vmax.scan.msk.u32 $0xffff, v7  }
0x12a: {  	v7 =	vld [tilespmem:s21+$0xFFFFFFE0];
	(xrf0) =	vmax.scan.msk.u32 $0xffff, v6  }
0x12b: {  	v8 =	vld [tilespmem:s21+$0xFFFFFFF0];
	_ =	sdelay $0x3  }
0x12c: {  	v9 =	vld [tilespmem:s21+$0x0];
	(xrf0) =	vadd.scan.msk.s32 $0xffff, v7;
	v6, _, _ =	vpop (xrf0)  }
0x12d: {  	(xrf0) =	vadd.scan.msk.s32 $0xffff, v8;
	(v2sf) =	vpush v6, $0xF;
	v6, _, _ =	vpop (xrf0)  }
0x12e: {  	(v2sf) =	vpush v6, $0xF;
	_ =	sdelay $0x2  }
0x12f: {  	(xrf0) =	vadd.scan.msk.s32 $0xffff, v9  }
0x130: {  	v6, _, _ =	vpop (xrf0)  }
0x131: {  	(v2sf) =	vpush v6, $0xF;
	v10, _, _ =	vpop (xrf0)  }
0x132: {  	(v2sf) =	vpush v10, $0xF;
	_ =	sdelay $0x2  }
0x133: {  	v11, _, _ =	vpop (xrf0)  }
0x134: {  	(v2sf) =	vpush v11, $0xF;
	_ =	sdelay $0x3  }
0x135: {  	v12 =	vld [tilespmem:s21+$0x10];
	s19 =	spop (v2sf)  }
0x136: {  	s30 =	spop (v2sf)  }
0x137: {  	s22 =	sxor.u32 $0x80000000, s19;
	s20 =	sxor.u32 $0x80000000, s30  }
0x138: {  	s20 =	ssub.s32 s22, s20  }
0x139: {  	s31 =	simm.s32 $0x0;
	s22 =	ssub.s32 s20, s19  }
0x13a: {  	(xrf0) =	vadd.scan.msk.s32 $0xffff, v12;
	v13 =	vadd.s32 s31, v6;
	s22 =	sadd.s32 $0x80000800, s22  }
0x13b: {  	vm1 =	vmmov vm3;
	v7 =	vsub.s32 v13, v7;
	s24 =	spop (v2sf);
	v6 =	vmov s22  }
0x13c: {  	[tilespmem:s21+$0xFFFFFFE0] =	vst v13;
	v13 =	vor.u32 s31, v3;
	s25 =	sadd.s32 $0x0, s24;
	s26 =	spop (v2sf);
	vm1 =	vgt.s32 v7, v6  }
0x13d: {  	v7 =	vadd.s32 s25, v10;
	s29 =	sadd.s32 s25, s26;
	v10 =	vsel vm1, $0x7FFFFFFF, v13  }
0x13e: {  	s30 =	simm.s32 $0x10;
	s22 =	simm.s32 $0x4160;
	v8 =	vsub.s32 v7, v8;
	v11 =	vadd.s32 s29, v11  }
0x13f: {  	v13 =	vld [tilespmem:s22+$0xFFFFFFE0];
	vm1 =	vgt.s32 v8, v6;
	v8 =	vor.u32 s30, v3;
	[tilespmem:s21+$0x0] =	vst v11  }
0x140: {  	s31 =	simm.s32 $0x20;
	s25 =	spop (v2sf);
	(xrf0) =	vmax.scan.msk.u32 $0xffff, v10;
	v9 =	vsub.s32 v11, v9;
	v14 =	vsel vm1, $0x7FFFFFFF, v8;
	v8 =	vld [tilespmem:s22+$0xFFFFFFF0];
	v10, _, _ =	vpop (xrf0)  }
0x141: {  	s23 =	sadd.s32 s29, s25;
	vm1 =	vgt.s32 v9, v6;
	v9 =	vor.u32 s31, v3;
	(v2sf) =	vpush v10, $0xF  }
0x142: {  	(xrf0) =	vmax.scan.msk.u32 $0xffff, v14;
	v9 =	vsel vm1, $0x7FFFFFFF, v9;
	v10 =	vadd.s32 s23, v10  }
0x143: {  	s25 =	simm.s32 $0x30;
	(xrf0) =	vmax.scan.msk.u32 $0xffff, v9;
	v11 =	vsub.s32 v10, v12  }
0x144: {  	v9 =	vor.u32 s25, v3;
	(xrf0) =	vadd.scan.msk.s32 $0xffff, v13;
	vm1 =	vgt.s32 v11, v6  }
0x145: {  	v9 =	vsel vm1, $0x7FFFFFFF, v9;
	(xrf0) =	vadd.scan.msk.s32 $0xffff, v8  }
0x146: {  	v11, _, _ =	vpop (xrf0);
	(xrf0) =	vmax.scan.msk.u32 $0xffff, v9;
	_ =	sdelay $0x1  }
0x147: {  	(v2sf) =	vpush v11, $0xF;
	v9, _, _ =	vpop (xrf0)  }
0x148: {  	(v2sf) =	vpush v9, $0xF;
	v9, _, _ =	vpop (xrf0)  }
0x149: {  	(v2sf) =	vpush v9, $0xF;
	v11, _, _ =	vpop (xrf0)  }
0x14a: {  	[tilespmem:s21+$0x10] =	vst v10;
	(v2sf) =	vpush v11, $0xF;
	v14, _, _ =	vpop (xrf0)  }
0x14b: {  	v10 =	vld [tilespmem:s22+$0x0];
	(v2sf) =	vpush v14, $0xF;
	v9, _, _ =	vpop (xrf0)  }
0x14c: {  	(v2sf) =	vpush v9, $0xF;
	v9 =	vld [tilespmem:s22+$0x10];
	_ =	sdelay $0x2  }
0x14d: {  	s26 =	spop (v2sf)  }
0x14e: {  	(xrf0) =	vadd.scan.msk.s32 $0xffff, v10;
	s25 =	sadd.s32 s23, s26  }
0x14f: {  	(xrf0) =	vadd.scan.msk.s32 $0xffff, v9;
	v15 =	vadd.s32 s25, v11  }
0x150: {  	s23 =	simm.s32 $0x40;
	v11 =	vsub.s32 v15, v13  }
0x151: {  	vm1 =	vgt.s32 v11, v6;
	v11 =	vor.u32 s23, v3  }
0x152: {  	v11 =	vsel vm1, $0x7FFFFFFF, v11;
	_ =	sdelay $0x1  }
0x153: {  	v12, _, _ =	vpop (xrf0);
	s29 =	spop (v2sf)  }
0x154: {  	(xrf0) =	vmax.scan.msk.u32 $0xffff, v11;
	s28 =	spop (v2sf);
	(v2sf) =	vpush v12, $0xF;
	v11, _, _ =	vpop (xrf0)  }
0x155: {  	(v2sf) =	vpush v11, $0xF;
	_ =	sdelay $0x4  }
0x156: {  	s26 =	sxor.u32 $0x80000000, s29;
	v13, _, _ =	vpop (xrf0)  }
0x157: {  	s24 =	simm.s32 $0xFFFFFFFF;
	p0 =	slt.s32 s26, $0xFFFFFFFF;
	(v2sf) =	vpush v13, $0xF  }
0x158: {  	s26 =	smov.u32 @p0 s24;
	s28 =	sxor.u32 $0x80000000, s28  }
0x159: {  	s24 =	simm.s32 $0x80;
	s29 =	spop (v2sf);
	p0 =	sgt.s32 s26, s28  }
0x15a: {  	s30 =	spop (v2sf);
	s28 =	smov.u32 @p0 s26;
	s26 =	sxor.u32 $0x80000000, s29  }
0x15b: {  	s25 =	sadd.s32 s25, s30;
	s31 =	spop (v2sf);
	p0 =	sgt.s32 s28, s26  }
0x15c: {  	vm5 =	vmmov vm15;
	[tilespmem:s22+$0xFFFFFFE0] =	vst v15;
	s26 =	smov.u32 @p0 s28;
	s28 =	sadd.s32 s25, s31;
	v13 =	vadd.s32 s25, v14;
	s25 =	spop (v2sf)  }
.LBB2_13:
0x15d: {  	s29 =	sadd.s32 $0x10, s23;
	s30 =	sadd.s32 $0x20, s23  }
0x15e: {  	v8 =	vsub.s32 v13, v8;
	[tilespmem:s21+$0xFFFFFFF0] =	vst v7;
	s25 =	sxor.u32 $0x80000000, s25;
	v7 =	vmov v13;
	s21 =	smov.u32 s22;
	s31 =	smov.u32 s24  }
0x15f: {  	v12 =	vadd.s32 s28, v12;
	s22 =	sadd.s32 $0x40, s22;
	vm1 =	vgt.s32 v8, v6;
	v8 =	vor.u32 s29, v3;
	s29 =	spop (v2sf);
	p0 =	sgt.s32 s26, s25  }
0x160: {  	v10 =	vsub.s32 v12, v10;
	v13 =	vld [tilespmem:s22+$0xFFFFFFE0];
	v14 =	vsel vm1, $0x7FFFFFFF, v8;
	[tilespmem:s21+$0x0] =	vst v12;
	s28 =	sadd.s32 s28, s29;
	s29 =	spop (v2sf);
	s25 =	smov.u32 @p0 s26  }
0x161: {  	p0 =	sne.s32 s24, $0xC0;
	s24 =	sadd.s32 $0x40, s24;
	vm1 =	vgt.s32 v10, v6;
	v10 =	vor.u32 s30, v3;
	v8 =	vld [tilespmem:s22+$0xFFFFFFF0];
	v11 =	vadd.s32 s28, v11;
	s28 =	sadd.s32 s28, s29;
	(xrf0) =	vmax.scan.msk.u32 $0xffff, v14  }
0x162: {  	s26 =	sadd.s32 $0x30, s23;
	s23 =	smov.u32 s31;
	v10 =	vsel vm1, $0x7FFFFFFF, v10;
	v9 =	vsub.s32 v11, v9;
	[tilespmem:s21+$0x10] =	vst v11  }
0x163: {  	vm1 =	vgt.s32 v9, v6;
	v9 =	vor.u32 s26, v3;
	(xrf0) =	vmax.scan.msk.u32 $0xffff, v10  }
0x164: {  	v10 =	vld [tilespmem:s22+$0x0];
	v11 =	vsel vm1, $0x7FFFFFFF, v9  }
0x165: {  	v9 =	vld [tilespmem:s22+$0x10];
	(xrf0) =	vadd.scan.msk.s32 $0xffff, v13  }
0x166: {  	(xrf0) =	vadd.scan.msk.s32 $0xffff, v8;
	s26 =	spop (v2sf)  }
0x167: {  	s26 =	sxor.u32 $0x80000000, s26;
	v12, _, _ =	vpop (xrf0);
	(xrf0) =	vmax.scan.msk.u32 $0xffff, v11  }
0x168: {  	p1 =	sgt.s32 s25, s26;
	(v2sf) =	vpush v12, $0xF  }
0x169: {  	(xrf0) =	vadd.scan.msk.s32 $0xffff, v10;
	v11, _, _ =	vpop (xrf0)  }
0x16a: {  	(xrf0) =	vadd.scan.msk.s32 $0xffff, v9;
	(v2sf) =	vpush v11, $0xF  }
0x16b: {  	v11, _, _ =	vpop (xrf0)  }
0x16c: {  	v15 =	vadd.s32 s28, v11;
	(v2sf) =	vpush v11, $0xF;
	v14, _, _ =	vpop (xrf0)  }
0x16d: {  	v11 =	vsub.s32 v15, v13;
	[tilespmem:s22+$0xFFFFFFE0] =	vst v15;
	(v2sf) =	vpush v14, $0xF;
	v12, _, _ =	vpop (xrf0)  }
0x16e: {  	v15 =	vor.u32 s23, v3;
	vm1 =	vgt.s32 v11, v6;
	(v2sf) =	vpush v12, $0xF  }
0x16f: {  	v13 =	vsel vm1, $0x7FFFFFFF, v15;
	v12, _, _ =	vpop (xrf0)  }
0x170: {  	(xrf0) =	vmax.scan.msk.u32 $0xffff, v13;
	(v2sf) =	vpush v12, $0xF;
	v11, _, _ =	vpop (xrf0)  }
0x171: {  	(v2sf) =	vpush v11, $0xF;
	_ =	sdelay $0x4  }
0x172: {  	v13, _, _ =	vpop (xrf0)  }
0x173: {  	(v2sf) =	vpush v13, $0xF;
	s29 =	spop (v2sf)  }
0x174: {  	s26 =	smov.u32 @p1 s25;
	s25 =	sxor.u32 $0x80000000, s29  }
.Ltmp6:
0x175: {  	p1 =	sgt.s32 s26, s25;
	s29 =	spop (v2sf);
	(pc) =	sbr.rel @p0 .LBB2_13-.Ltmp6, $4  }
0x176: {  	s25 =	smov.u32 @p1 s26;
	s26 =	sxor.u32 $0x80000000, s29  }
0x177: {  	s29 =	spop (v2sf);
	p1 =	sgt.s32 s25, s26  }
0x178: {  	s28 =	sadd.s32 s28, s29;
	s29 =	spop (v2sf);
	s26 =	smov.u32 @p1 s25  }
0x179: {  	v13 =	vadd.s32 s28, v14;
	s28 =	sadd.s32 s28, s29;
	s25 =	spop (v2sf)  }
0x17a: {  	s24 =	sadd.s32 $0x10, s23;
	v8 =	vsub.s32 v13, v8  }
0x17b: {  	v12 =	vadd.s32 s28, v12;
	vm1 =	vgt.s32 v8, v6;
	v54 =	vor.u32 s24, v3;
	s30 =	spop (v2sf)  }
0x17c: {  	s29 =	sadd.s32 $0x20, s23;
	v10 =	vsub.s32 v12, v10;
	v8 =	vsel vm1, $0x7FFFFFFF, v54;
	s24 =	sadd.s32 s28, s30  }
0x17d: {  	v55 =	vor.u32 s29, v3;
	vm1 =	vgt.s32 v10, v6;
	(xrf0) =	vmax.scan.msk.u32 $0xffff, v8;
	v56 =	vadd.s32 s24, v11  }
0x17e: {  	s31 =	sadd.s32 $0x30, s23;
	v8 =	vsel vm1, $0x7FFFFFFF, v55;
	v9 =	vsub.s32 v56, v9  }
0x17f: {  	v57 =	vor.u32 s31, v3;
	(xrf0) =	vmax.scan.msk.u32 $0xffff, v8;
	vm1 =	vgt.s32 v9, v6  }
0x180: {  	v58 =	vsel vm1, $0x7FFFFFFF, v57  }
0x181: {  	(xrf0) =	vmax.scan.msk.u32 $0xffff, v58;
	_ =	sdelay $0x1  }
0x182: {  	v59, _, _ =	vpop (xrf0)  }
0x183: {  	(v2sf) =	vpush v59, $0xF  }
0x184: {  	v60, _, _ =	vpop (xrf0)  }
0x185: {  	(v2sf) =	vpush v60, $0xF  }
0x186: {  	v61, _, _ =	vpop (xrf0)  }
0x187: {  	(v2sf) =	vpush v61, $0xF;
	_ =	sdelay $0x7  }
0x188: {  	s23 =	sxor.u32 $0x80000000, s25;
	s24 =	spop (v2sf)  }
0x189: {  	p0 =	sgt.s32 s26, s23;
	s28 =	spop (v2sf)  }
0x18a: {  	s23 =	smov.u32 @p0 s26;
	s24 =	sxor.u32 $0x80000000, s28  }
0x18b: {  	p0 =	sgt.s32 s23, s24;
	s29 =	spop (v2sf)  }
0x18c: {  	s24 =	smov.u32 @p0 s23;
	s23 =	sxor.u32 $0x80000000, s29  }
0x18d: {  	s30 =	spop (v2sf);
	p0 =	sgt.s32 s24, s23  }
0x18e: {  	s23 =	smov.u32 @p0 s24;
	s24 =	sxor.u32 $0x80000000, s30  }
0x18f: {  	p0 =	sgt.s32 s23, s24;
	s31 =	spop (v2sf)  }
0x190: {  	s24 =	smov.u32 @p0 s23;
	s23 =	sxor.u32 $0x80000000, s31  }
0x191: {  	p0 =	sgt.s32 s24, s23  }
0x192: {  	s23 =	smov.u32 @p0 s24  }
0x193: {  	v62 =	vadd.s32 s23, v4  }
0x194: {  	vm1 =	vgt.s32 v62, $0x0  }
0x195: {  	v8 =	vnsel vm1, $0x0, v62  }
0x196: {  	[tilespmem:s21+$0xFFFFFFF0] =	vst v7  }
0x197: {  	[tilespmem:s22+$0x0] =	vst v12  }
0x198: {  	[tilespmem:s22+$0xFFFFFFF0] =	vst v13  }
0x199: {  	[tilespmem:s22+$0x10] =	vst v56  }
0x19a: {  	v7 =	vld.idx.msk [tilespmem:v8+s13+$0x0], $0xffff;
	_ =	sdelay $0x4  }
0x19b: {  	v7 =	vsel vm0, $0x0, v7  }
0x19c: {  	v7 =	vxor.u32 $0x80000000, v7  }
0x19d: {  	(xrf0) =	vmax.scan.msk.u32 $0xffff, v7;
	_ =	sdelay $0x5  }
0x19e: {  	v7, _, _ =	vpop (xrf0)  }
0x19f: {  	(v2sf) =	vpush v7, $0xF;
	_ =	sdelay $0x4  }
0x1a0: {  	s21 =	sshll.u32 s23, $0x4  }
0x1a1: {  	v7 =	vld [tilespmem:s21+$0x3000];
	_ =	sdelay $0x4  }
0x1a2: {  	(xrf0) =	vadd.scan.msk.s32 $0xffff, v7;
	_ =	sdelay $0x3  }
0x1a3: {  	s26 =	spop (v2sf)  }
0x1a4: {  	p0 =	sgt.s32 s23, $0x0;
	s22 =	sxor.u32 $0x80000000, s26  }
0x1a5: {  	v63, _, _ =	vpop (xrf0);
	s22 =	simm.s32 @!p0 $0x0  }
0x1a6: {  	v8 =	vadd.s32 s22, v63  }
0x1a7: {  	v7 =	vsub.s32 v8, v7  }
0x1a8: {  	vm1 =	vgt.s32 v7, v6  }
0x1a9: {  	v6 =	vsel vm1, $0x7FFFFFFF, v3  }
0x1aa: {  	(xrf0) =	vmax.scan.msk.u32 $0xffff, v6;
	_ =	sdelay $0x5  }
0x1ab: {  	v6, _, _ =	vpop (xrf0)  }
0x1ac: {  	(v2sf) =	vpush v6, $0xF;
	_ =	sdelay $0xe  }
0x1ad: {  	s28 =	spop (v2sf)  }
0x1ae: {  	s22 =	sxor.u32 $0x80000000, s28  }
0x1af: {  	v6 =	vmov s22  }
0x1b0: {  	vm1 =	veq.s32 v6, v2;
	v6 =	vxor.u32 $0x80000000, v8  }
0x1b1: {  	v7 =	vxor.u32 $0x80000000, v7;
	v6 =	vnsel vm1, $0x80000000, v6  }
0x1b2: {  	(xrf0) =	vmax.scan.msk.u32 $0xffff, v6;
	v6 =	vnsel vm1, $0x80000000, v7  }
0x1b3: {  	(xrf0) =	vmax.scan.msk.u32 $0xffff, v6;
	_ =	sdelay $0x4  }
0x1b4: {  	v6, _, _ =	vpop (xrf0)  }
0x1b5: {  	(v2sf) =	vpush v6, $0xF;
	v6, _, _ =	vpop (xrf0)  }
0x1b6: {  	(v2sf) =	vpush v6, $0xF;
	_ =	sdelay $0xd  }
0x1b7: {  	s29 =	spop (v2sf)  }
0x1b8: {  	s30 =	spop (v2sf)  }
0x1b9: {  	s24 =	sxor.u32 $0x80000000, s29;
	s31 =	sxor.u32 $0x80000000, s30  }
0x1ba: {  	s23 =	ssub.s32 s24, s31  }
0x1bb: {  	p0 =	sne.s32 s23, $0x1  }
.Ltmp7:
0x1bc: {  	_ = 	snop;
	(pc) =	sbr.rel @p0 .LBB2_16-.Ltmp7, $2  }
0x1bd: {  	_ =	sdelay $0x2  }
0x1be: {  	s21 =	sadd.s32 s21, s22  }
0x1bf: {  	v5 =	vmov s21;
	_ =	sdelay $0x4  }
0x1c0: {  	v5 =	vld.idx.msk [tilespmem:v5+s9+$0x0], $0xffff;
	_ =	sdelay $0x4  }
0x1c1: {  	v5 =	vxor.u32 $0x80000000, v5  }
0x1c2: {  	(xrf0) =	vmax.scan.msk.u32 $0xffff, v5;
	_ =	sdelay $0x5  }
0x1c3: {  	v5, _, _ =	vpop (xrf0)  }
0x1c4: {  	(v2sf) =	vpush v5, $0xF;
	_ =	sdelay $0xe  }
0x1c5: {  	s18 =	spop (v2sf)  }
0x1c6: {  	s18 =	sxor.u32 $0x80000000, s18  }
0x1c7: {  	v5 =	vmov s18;
	_ =	sdelay $0x4  }
0x1c8: {  	v5 =	vld.idx.msk [tilespmem:v5+s14+$0x0], $0xffff;
	_ =	sdelay $0x4  }
0x1c9: {  	v5 =	vxor.u32 $0x80000000, v5  }
0x1ca: {  	(xrf0) =	vmax.scan.msk.u32 $0xffff, v5;
	_ =	sdelay $0x5  }
0x1cb: {  	v5, _, _ =	vpop (xrf0)  }
0x1cc: {  	(v2sf) =	vpush v5, $0xF;
	_ =	sdelay $0xb  }
.Ltmp8:
0x1cd: {  	_ = 	snop;
	(pc) =	sbr.rel .LBB2_22-.Ltmp8, $3  }
0x1ce: {  	_ =	sdelay $0x1  }
0x1cf: {  	s31 =	spop (v2sf)  }
0x1d0: {  	s18 =	sxor.u32 $0x80000000, s31  }
.LBB2_16:
0x1d1: {  	p0 =	slt.s32 s23, $0x2  }
.Ltmp9:
0x1d2: {  	_ = 	snop;
	(pc) =	sbr.rel @p0 .LBB2_23-.Ltmp9, $1  }
0x1d3: {  	_ =	sdelay $0x3  }
0x1d4: {  	[tilespmem:$0x2000] =	vst v0  }
0x1d5: {  	[tilespmem:$0x2010] =	vst v0  }
0x1d6: {  	[tilespmem:$0x2020] =	vst v0  }
0x1d7: {  	[tilespmem:$0x2030] =	vst v0  }
0x1d8: {  	[tilespmem:$0x2040] =	vst v0  }
0x1d9: {  	[tilespmem:$0x2050] =	vst v0  }
0x1da: {  	[tilespmem:$0x2060] =	vst v0  }
0x1db: {  	[tilespmem:$0x2070] =	vst v0  }
0x1dc: {  	[tilespmem:$0x2080] =	vst v0  }
0x1dd: {  	[tilespmem:$0x2090] =	vst v0  }
0x1de: {  	[tilespmem:$0x20A0] =	vst v0  }
0x1df: {  	[tilespmem:$0x20B0] =	vst v0  }
0x1e0: {  	[tilespmem:$0x20C0] =	vst v0  }
0x1e1: {  	[tilespmem:$0x20D0] =	vst v0  }
0x1e2: {  	[tilespmem:$0x20E0] =	vst v0  }
0x1e3: {  	[tilespmem:$0x20F0] =	vst v0;
	v6 =	vmov s21;
	s22 =	simm.s32 $0x0  }
.LBB2_18:
0x1e4: {  	s25 =	sshra.s32 s22, $0x2  }
0x1e5: {  	v7 =	vld [tilespmem:s25+$0x1000];
	_ =	sdelay $0x4  }
0x1e6: {  	v8 =	vshra.s32 v7, $0x14;
	v9 =	vshrl.u32 v7, $0x8  }
0x1e7: {  	v8 =	vadd.s32 $0x800, v8;
	v9 =	vand.u32 $0xFFF, v9  }
0x1e8: {  	vm1 =	veq.s32 v8, v5;
	vm2 =	veq.s32 v9, v6  }
0x1e9: {  	vm1 =	vmand vm1, vm2  }
0x1ea: {  	v7 =	vand.u32 $0xFF, v7;
	_ =	sdelay $0x4  }
0x1eb: {  	[tilespmem:v7+s9+$0x0] =	vst.idx.add.s32.msk vm1, v1  }
0x1ec: {  	v7 =	vld [tilespmem:s25+$0x1010];
	_ =	sdelay $0x4  }
0x1ed: {  	v8 =	vshra.s32 v7, $0x14;
	v61 =	vshrl.u32 v7, $0x8  }
0x1ee: {  	v8 =	vadd.s32 $0x800, v8;
	v9 =	vand.u32 $0xFFF, v61  }
0x1ef: {  	vm1 =	veq.s32 v8, v5;
	vm2 =	veq.s32 v9, v6  }
0x1f0: {  	vm1 =	vmand vm1, vm2  }
0x1f1: {  	v7 =	vand.u32 $0xFF, v7;
	_ =	sdelay $0x4  }
0x1f2: {  	[tilespmem:v7+s9+$0x0] =	vst.idx.add.s32.msk vm1, v1  }
0x1f3: {  	v7 =	vld [tilespmem:s25+$0x1020];
	_ =	sdelay $0x4  }
0x1f4: {  	v8 =	vshra.s32 v7, $0x14;
	v62 =	vshrl.u32 v7, $0x8  }
0x1f5: {  	v8 =	vadd.s32 $0x800, v8;
	v9 =	vand.u32 $0xFFF, v62  }
0x1f6: {  	vm1 =	veq.s32 v8, v5;
	vm2 =	veq.s32 v9, v6  }
0x1f7: {  	vm1 =	vmand vm1, vm2  }
0x1f8: {  	v7 =	vand.u32 $0xFF, v7;
	_ =	sdelay $0x4  }
0x1f9: {  	[tilespmem:v7+s9+$0x0] =	vst.idx.add.s32.msk vm1, v1  }
0x1fa: {  	v7 =	vld [tilespmem:s25+$0x1030];
	_ =	sdelay $0x4  }
0x1fb: {  	v8 =	vshra.s32 v7, $0x14;
	v63 =	vshrl.u32 v7, $0x8  }
0x1fc: {  	v8 =	vadd.s32 $0x800, v8;
	v9 =	vand.u32 $0xFFF, v63  }
0x1fd: {  	vm1 =	veq.s32 v8, v5;
	vm2 =	veq.s32 v9, v6  }
0x1fe: {  	vm1 =	vmand vm1, vm2  }
0x1ff: {  	p0 =	sne.s32 s22, $0x3F00;
	v7 =	vand.u32 $0xFF, v7  }
.Ltmp10:
0x200: {  	_ = 	snop;
	(pc) =	sbr.rel @p0 .LBB2_18-.Ltmp10, $2  }
0x201: {  	_ =	sdelay $0x2  }
0x202: {  	s22 =	sadd.s32 $0x100, s22;
	[tilespmem:v7+s9+$0x0] =	vst.idx.add.s32.msk vm1, v1  }
0x203: {  	s22 =	simm.s32 $0x2020  }
0x204: {  	v5 =	vld [tilespmem:s22+$0xFFFFFFE0]  }
0x205: {  	v7 =	vld [tilespmem:s22+$0xFFFFFFF0];
	_ =	sdelay $0x3  }
0x206: {  	v8 =	vld [tilespmem:s22+$0x0];
	(xrf0) =	vadd.scan.msk.s32 $0xffff, v5  }
0x207: {  	(xrf0) =	vadd.scan.msk.s32 $0xffff, v7;
	_ =	sdelay $0x3  }
0x208: {  	(xrf0) =	vadd.scan.msk.s32 $0xffff, v8  }
0x209: {  	v6, _, _ =	vpop (xrf0)  }
0x20a: {  	(v2sf) =	vpush v6, $0xF;
	v9, _, _ =	vpop (xrf0)  }
0x20b: {  	(v2sf) =	vpush v9, $0xF;
	_ =	sdelay $0x2  }
0x20c: {  	v10, _, _ =	vpop (xrf0)  }
0x20d: {  	(v2sf) =	vpush v10, $0xF;
	_ =	sdelay $0x3  }
0x20e: {  	v11 =	vld [tilespmem:s22+$0x10];
	_ =	sdelay $0x1  }
0x20f: {  	s19 =	sadd.s32 s24, s19  }
0x210: {  	s19 =	ssub.s32 s20, s19  }
0x211: {  	s24 =	simm.s32 $0x0;
	s19 =	sadd.s32 s23, s19  }
0x212: {  	s19 =	sadd.s32 $0x80000800, s19;
	(xrf0) =	vadd.scan.msk.s32 $0xffff, v11;
	v12 =	vadd.s32 s24, v6  }
0x213: {  	v6 =	vmov s19;
	v5 =	vsub.s32 v12, v5;
	s25 =	spop (v2sf)  }
0x214: {  	[tilespmem:s22+$0xFFFFFFE0] =	vst v12;
	v12 =	vor.u32 s24, v3;
	vm1 =	vgt.s32 v5, v6;
	s26 =	sadd.s32 $0x0, s25;
	s28 =	spop (v2sf)  }
0x215: {  	v5 =	vadd.s32 s26, v9;
	s29 =	sadd.s32 s26, s28;
	v9 =	vsel vm1, $0x7FFFFFFF, v12  }
0x216: {  	s30 =	simm.s32 $0x10;
	s19 =	simm.s32 $0x2060;
	v7 =	vsub.s32 v5, v7;
	v10 =	vadd.s32 s29, v10  }
0x217: {  	v12 =	vld [tilespmem:s19+$0xFFFFFFE0];
	vm1 =	vgt.s32 v7, v6;
	v7 =	vor.u32 s30, v3;
	[tilespmem:s22+$0x0] =	vst v10  }
0x218: {  	s31 =	simm.s32 $0x20;
	s25 =	spop (v2sf);
	(xrf0) =	vmax.scan.msk.u32 $0xffff, v9;
	v8 =	vsub.s32 v10, v8;
	v9, _, _ =	vpop (xrf0);
	v13 =	vsel vm1, $0x7FFFFFFF, v7;
	v7 =	vld [tilespmem:s19+$0xFFFFFFF0]  }
0x219: {  	s20 =	sadd.s32 s29, s25;
	vm1 =	vgt.s32 v8, v6;
	v8 =	vor.u32 s31, v3;
	(v2sf) =	vpush v9, $0xF  }
0x21a: {  	(xrf0) =	vmax.scan.msk.u32 $0xffff, v13;
	v9 =	vadd.s32 s20, v9;
	v8 =	vsel vm1, $0x7FFFFFFF, v8  }
0x21b: {  	s26 =	simm.s32 $0x30;
	v10 =	vsub.s32 v9, v11;
	(xrf0) =	vmax.scan.msk.u32 $0xffff, v8  }
0x21c: {  	v8 =	vor.u32 s26, v3;
	vm1 =	vgt.s32 v10, v6;
	(xrf0) =	vadd.scan.msk.s32 $0xffff, v12  }
0x21d: {  	v8 =	vsel vm1, $0x7FFFFFFF, v8;
	(xrf0) =	vadd.scan.msk.s32 $0xffff, v7  }
0x21e: {  	v10, _, _ =	vpop (xrf0);
	(xrf0) =	vmax.scan.msk.u32 $0xffff, v8;
	_ =	sdelay $0x1  }
0x21f: {  	(v2sf) =	vpush v10, $0xF;
	v8, _, _ =	vpop (xrf0)  }
0x220: {  	(v2sf) =	vpush v8, $0xF;
	v8, _, _ =	vpop (xrf0)  }
0x221: {  	(v2sf) =	vpush v8, $0xF;
	v10, _, _ =	vpop (xrf0)  }
0x222: {  	[tilespmem:s22+$0x10] =	vst v9;
	(v2sf) =	vpush v10, $0xF;
	v13, _, _ =	vpop (xrf0)  }
0x223: {  	v9 =	vld [tilespmem:s19+$0x0];
	(v2sf) =	vpush v13, $0xF;
	v8, _, _ =	vpop (xrf0)  }
0x224: {  	(v2sf) =	vpush v8, $0xF;
	v8 =	vld [tilespmem:s19+$0x10];
	_ =	sdelay $0x2  }
0x225: {  	s28 =	spop (v2sf)  }
0x226: {  	(xrf0) =	vadd.scan.msk.s32 $0xffff, v9;
	s24 =	sadd.s32 s20, s28  }
0x227: {  	v14 =	vadd.s32 s24, v10;
	(xrf0) =	vadd.scan.msk.s32 $0xffff, v8  }
0x228: {  	s20 =	simm.s32 $0x40;
	v10 =	vsub.s32 v14, v12  }
0x229: {  	vm1 =	vgt.s32 v10, v6;
	v10 =	vor.u32 s20, v3  }
0x22a: {  	v10 =	vsel vm1, $0x7FFFFFFF, v10;
	_ =	sdelay $0x1  }
0x22b: {  	v11, _, _ =	vpop (xrf0);
	s29 =	spop (v2sf)  }
0x22c: {  	(xrf0) =	vmax.scan.msk.u32 $0xffff, v10;
	s26 =	spop (v2sf);
	(v2sf) =	vpush v11, $0xF;
	v10, _, _ =	vpop (xrf0)  }
0x22d: {  	(v2sf) =	vpush v10, $0xF;
	_ =	sdelay $0x4  }
0x22e: {  	s25 =	sxor.u32 $0x80000000, s29;
	v12, _, _ =	vpop (xrf0)  }
0x22f: {  	s23 =	simm.s32 $0xFFFFFFFF;
	p0 =	slt.s32 s25, $0xFFFFFFFF;
	(v2sf) =	vpush v12, $0xF  }
0x230: {  	s25 =	smov.u32 @p0 s23;
	s26 =	sxor.u32 $0x80000000, s26  }
0x231: {  	s23 =	simm.s32 $0x80;
	s28 =	spop (v2sf);
	p0 =	sgt.s32 s25, s26  }
0x232: {  	s30 =	spop (v2sf);
	s26 =	smov.u32 @p0 s25;
	s25 =	sxor.u32 $0x80000000, s28  }
0x233: {  	s24 =	sadd.s32 s24, s30;
	p0 =	sgt.s32 s26, s25;
	s31 =	spop (v2sf)  }
0x234: {  	[tilespmem:s19+$0xFFFFFFE0] =	vst v14;
	s25 =	smov.u32 @p0 s26;
	s26 =	sadd.s32 s24, s31;
	v12 =	vadd.s32 s24, v13;
	s24 =	spop (v2sf)  }
.LBB2_20:
0x235: {  	s28 =	sadd.s32 $0x10, s20;
	s29 =	sadd.s32 $0x20, s20  }
0x236: {  	v7 =	vsub.s32 v12, v7;
	[tilespmem:s22+$0xFFFFFFF0] =	vst v5;
	s24 =	sxor.u32 $0x80000000, s24;
	v5 =	vmov v12;
	s22 =	smov.u32 s19;
	s30 =	smov.u32 s23  }
0x237: {  	v11 =	vadd.s32 s26, v11;
	s19 =	sadd.s32 $0x40, s19;
	vm1 =	vgt.s32 v7, v6;
	v7 =	vor.u32 s28, v3;
	s28 =	spop (v2sf);
	p0 =	sgt.s32 s25, s24  }
0x238: {  	v9 =	vsub.s32 v11, v9;
	v12 =	vld [tilespmem:s19+$0xFFFFFFE0];
	v13 =	vsel vm1, $0x7FFFFFFF, v7;
	[tilespmem:s22+$0x0] =	vst v11;
	s26 =	sadd.s32 s26, s28;
	s28 =	spop (v2sf);
	s24 =	smov.u32 @p0 s25  }
0x239: {  	p0 =	sne.s32 s23, $0xC0;
	s23 =	sadd.s32 $0x40, s23;
	vm1 =	vgt.s32 v9, v6;
	v9 =	vor.u32 s29, v3;
	v7 =	vld [tilespmem:s19+$0xFFFFFFF0];
	v10 =	vadd.s32 s26, v10;
	s26 =	sadd.s32 s26, s28;
	(xrf0) =	vmax.scan.msk.u32 $0xffff, v13  }
0x23a: {  	s25 =	sadd.s32 $0x30, s20;
	s20 =	smov.u32 s30;
	v9 =	vsel vm1, $0x7FFFFFFF, v9;
	v8 =	vsub.s32 v10, v8;
	[tilespmem:s22+$0x10] =	vst v10  }
0x23b: {  	vm1 =	vgt.s32 v8, v6;
	v8 =	vor.u32 s25, v3;
	(xrf0) =	vmax.scan.msk.u32 $0xffff, v9  }
0x23c: {  	v9 =	vld [tilespmem:s19+$0x0];
	v10 =	vsel vm1, $0x7FFFFFFF, v8  }
0x23d: {  	v8 =	vld [tilespmem:s19+$0x10];
	(xrf0) =	vadd.scan.msk.s32 $0xffff, v12  }
0x23e: {  	(xrf0) =	vadd.scan.msk.s32 $0xffff, v7;
	s25 =	spop (v2sf)  }
0x23f: {  	s25 =	sxor.u32 $0x80000000, s25;
	v11, _, _ =	vpop (xrf0);
	(xrf0) =	vmax.scan.msk.u32 $0xffff, v10  }
0x240: {  	p1 =	sgt.s32 s24, s25;
	(v2sf) =	vpush v11, $0xF  }
0x241: {  	(xrf0) =	vadd.scan.msk.s32 $0xffff, v9;
	v10, _, _ =	vpop (xrf0)  }
0x242: {  	(xrf0) =	vadd.scan.msk.s32 $0xffff, v8;
	(v2sf) =	vpush v10, $0xF  }
0x243: {  	v10, _, _ =	vpop (xrf0)  }
0x244: {  	v14 =	vadd.s32 s26, v10;
	(v2sf) =	vpush v10, $0xF;
	v13, _, _ =	vpop (xrf0)  }
0x245: {  	v10 =	vsub.s32 v14, v12;
	[tilespmem:s19+$0xFFFFFFE0] =	vst v14;
	(v2sf) =	vpush v13, $0xF;
	v11, _, _ =	vpop (xrf0)  }
0x246: {  	v14 =	vor.u32 s20, v3;
	vm1 =	vgt.s32 v10, v6;
	(v2sf) =	vpush v11, $0xF  }
0x247: {  	v12 =	vsel vm1, $0x7FFFFFFF, v14;
	v11, _, _ =	vpop (xrf0)  }
0x248: {  	(xrf0) =	vmax.scan.msk.u32 $0xffff, v12;
	(v2sf) =	vpush v11, $0xF;
	v10, _, _ =	vpop (xrf0)  }
0x249: {  	(v2sf) =	vpush v10, $0xF;
	_ =	sdelay $0x4  }
0x24a: {  	v12, _, _ =	vpop (xrf0)  }
0x24b: {  	(v2sf) =	vpush v12, $0xF;
	s28 =	spop (v2sf)  }
0x24c: {  	s25 =	smov.u32 @p1 s24;
	s24 =	sxor.u32 $0x80000000, s28  }
.Ltmp11:
0x24d: {  	p1 =	sgt.s32 s25, s24;
	s28 =	spop (v2sf);
	(pc) =	sbr.rel @p0 .LBB2_20-.Ltmp11, $4  }
0x24e: {  	s24 =	smov.u32 @p1 s25;
	s25 =	sxor.u32 $0x80000000, s28  }
0x24f: {  	s28 =	spop (v2sf);
	p1 =	sgt.s32 s24, s25  }
0x250: {  	s26 =	sadd.s32 s26, s28;
	s28 =	spop (v2sf);
	s25 =	smov.u32 @p1 s24  }
0x251: {  	v12 =	vadd.s32 s26, v13;
	s26 =	sadd.s32 s26, s28;
	s24 =	spop (v2sf)  }
0x252: {  	s23 =	sadd.s32 $0x10, s20;
	v7 =	vsub.s32 v12, v7  }
0x253: {  	v11 =	vadd.s32 s26, v11;
	vm1 =	vgt.s32 v7, v6;
	v7 =	vor.u32 s23, v3;
	s31 =	spop (v2sf)  }
0x254: {  	s28 =	sadd.s32 $0x20, s20;
	v9 =	vsub.s32 v11, v9;
	v7 =	vsel vm1, $0x7FFFFFFF, v7;
	s23 =	sadd.s32 s26, s31  }
0x255: {  	vm1 =	vgt.s32 v9, v6;
	(xrf0) =	vmax.scan.msk.u32 $0xffff, v7;
	v7 =	vor.u32 s28, v3;
	v63 =	vadd.s32 s23, v10  }
0x256: {  	s23 =	sadd.s32 $0x30, s20;
	v7 =	vsel vm1, $0x7FFFFFFF, v7;
	v8 =	vsub.s32 v63, v8  }
0x257: {  	vm1 =	vgt.s32 v8, v6;
	v6 =	vor.u32 s23, v3;
	(xrf0) =	vmax.scan.msk.u32 $0xffff, v7  }
0x258: {  	v6 =	vsel vm1, $0x7FFFFFFF, v6  }
0x259: {  	(xrf0) =	vmax.scan.msk.u32 $0xffff, v6;
	_ =	sdelay $0x1  }
0x25a: {  	v6, _, _ =	vpop (xrf0)  }
0x25b: {  	(v2sf) =	vpush v6, $0xF  }
0x25c: {  	v6, _, _ =	vpop (xrf0)  }
0x25d: {  	(v2sf) =	vpush v6, $0xF  }
0x25e: {  	v6, _, _ =	vpop (xrf0)  }
0x25f: {  	(v2sf) =	vpush v6, $0xF;
	_ =	sdelay $0x7  }
0x260: {  	s26 =	spop (v2sf);
	s20 =	sxor.u32 $0x80000000, s24  }
0x261: {  	p0 =	sgt.s32 s25, s20;
	s28 =	spop (v2sf)  }
0x262: {  	s20 =	smov.u32 @p0 s25;
	s23 =	sxor.u32 $0x80000000, s28  }
0x263: {  	p0 =	sgt.s32 s20, s23;
	s29 =	spop (v2sf)  }
0x264: {  	s23 =	smov.u32 @p0 s20;
	s20 =	sxor.u32 $0x80000000, s29  }
0x265: {  	p0 =	sgt.s32 s23, s20;
	s30 =	spop (v2sf)  }
0x266: {  	s20 =	smov.u32 @p0 s23;
	s23 =	sxor.u32 $0x80000000, s30  }
0x267: {  	p0 =	sgt.s32 s20, s23;
	s31 =	spop (v2sf)  }
0x268: {  	[tilespmem:s22+$0xFFFFFFF0] =	vst v5;
	s18 =	sshll.u32 s18, $0x14;
	s23 =	smov.u32 @p0 s20;
	s20 =	sxor.u32 $0x80000000, s31  }
0x269: {  	s21 =	sshll.u32 s21, $0x8;
	[tilespmem:s19+$0x0] =	vst v11;
	s18 =	sxor.u32 $0x80000000, s18;
	p0 =	sgt.s32 s23, s20  }
0x26a: {  	[tilespmem:s19+$0xFFFFFFF0] =	vst v12;
	s18 =	sor.u32 s18, s21;
	s20 =	smov.u32 @p0 s23  }
0x26b: {  	[tilespmem:s19+$0x10] =	vst v63;
	s18 =	sor.u32 s20, s18  }
.LBB2_22:
0x26c: {  	v5 =	vmov s18  }
0x26d: {  	[tilespmem:$0x4000] =	vst v5  }
.LBB2_23:
0x26e: {  	v5 =	vld [tilespmem:$0x4000];
	_ =	sdelay $0x4  }
0x26f: {  	v5 =	vxor.u32 $0x80000000, v5  }
0x270: {  	(xrf0) =	vmax.scan.msk.u32 $0xffff, v5;
	_ =	sdelay $0x5  }
0x271: {  	v5, _, _ =	vpop (xrf0)  }
0x272: {  	(v2sf) =	vpush v5, $0xF;
	_ =	sdelay $0xe  }
0x273: {  	s18 =	spop (v2sf)  }
0x274: {  	s19 =	sxor.u32 $0x80000000, s18  }
0x275: {  	s20 =	smul.u32 $0x9E3779B9, s19;
	_ =	sdelay $0x1  }
0x276: {  	s20 =	sshrl.u32 s20, $0x10  }
0x277: {  	v5 =	vmov s20  }
0x278: {  	v5 =	vbroadcast v5, $0x0;
	_ =	sdelay $0x5  }
0x279: {  	v5 =	vld.idx.msk [tilespmem:v5+s11+$0x0], $0xffff;
	_ =	sdelay $0x4  }
0x27a: {  	v5 =	vxor.u32 $0x80000000, v5  }
0x27b: {  	(xrf0) =	vmax.scan.msk.u32 $0xffff, v5;
	_ =	sdelay $0x5  }
0x27c: {  	v5, _, _ =	vpop (xrf0)  }
0x27d: {  	(v2sf) =	vpush v5, $0xF;
	_ =	sdelay $0xe  }
0x27e: {  	s29 =	spop (v2sf)  }
0x27f: {  	s21 =	sand.u32 $0xFF0, s29  }
0x280: {  	v5 =	vld [tilespmem:s21+$0x1000];
	_ =	sdelay $0x2  }
0x281: {  	s20 =	sand.u32 $0xF, s29  }
0x282: {  	v6 =	vmov s20  }
0x283: {  	vm1 =	veq.s32 v6, v2;
	v6 =	vxor.u32 $0x80000000, v5  }
0x284: {  	v6 =	vnsel vm1, $0x0, v6  }
0x285: {  	(xrf0) =	vmax.scan.msk.u32 $0xffff, v6  }
0x286: {  	vm1 =	veq.s32 v5, s19;
	v5 =	vor.u32 s21, v3  }
0x287: {  	v5 =	vnsel vm1, $0x80001000, v5  }
0x288: {  	(xrf0) =	vmin.scan.msk.u32 $0xffff, v5;
	_ =	sdelay $0x2  }
0x289: {  	v5, _, _ =	vpop (xrf0)  }
0x28a: {  	(v2sf) =	vpush v5, $0xF;
	_ =	sdelay $0x1  }
0x28b: {  	v5, _, _ =	vpop (xrf0)  }
0x28c: {  	(v2sf) =	vpush v5, $0xF;
	_ =	sdelay $0xb  }
0x28d: {  	s30 =	spop (v2sf)  }
0x28e: {  	p0 =	seq.s32 s30, s18  }
.Ltmp12:
0x28f: {  	_ = 	snop;
	(pc) =	sbr.rel @p0 .LBB2_27-.Ltmp12, $4  }
0x290: {  	s31 =	spop (v2sf)  }
0x291: {  	s21 =	sxor.u32 $0x80000000, s31  }
0x292: {  	v6 =	vmov s21  }
0x293: {  	v5 =	vmov s19;
	[tilespmem:$0x3000] =	vst v6  }
0x294: {  	s18 =	simm.s32 $0x1020  }
0x295: {  	v6 =	vld [tilespmem:s18+$0xFFFFFFE0]  }
0x296: {  	v7 =	vld [tilespmem:s18+$0xFFFFFFF0];
	_ =	sdelay $0x2  }
0x297: {  	s19 =	simm.s32 $0x0  }
0x298: {  	s30 =	simm.s32 $0x10;
	vm1 =	veq.s32 v6, v5;
	v6 =	vor.u32 s19, v3  }
0x299: {  	v6 =	vnsel vm1, $0x80001000, v6;
	vm1 =	veq.s32 v7, v5;
	v7 =	vor.u32 s30, v3  }
0x29a: {  	(xrf0) =	vmin.scan.msk.u32 $0xffff, v6;
	v6 =	vnsel vm1, $0x80001000, v7  }
0x29b: {  	v7 =	vld [tilespmem:s18+$0x0];
	(xrf0) =	vmin.scan.msk.u32 $0xffff, v6;
	_ =	sdelay $0x1  }
0x29c: {  	s31 =	simm.s32 $0x1060;
	v6 =	vld [tilespmem:s18+$0x10]  }
0x29d: {  	v8 =	vld [tilespmem:s31+$0xFFFFFFE0]  }
0x29e: {  	s21 =	simm.s32 $0x20  }
0x29f: {  	v9 =	vld [tilespmem:s31+$0xFFFFFFF0];
	vm1 =	veq.s32 v7, v5;
	v7 =	vor.u32 s21, v3;
	v10, _, _ =	vpop (xrf0)  }
0x2a0: {  	s22 =	simm.s32 $0x30;
	v11 =	vld [tilespmem:s31+$0x0];
	v7 =	vnsel vm1, $0x80001000, v7;
	(v2sf) =	vpush v10, $0xF;
	v10, _, _ =	vpop (xrf0)  }
0x2a1: {  	s23 =	simm.s32 $0x10A0;
	vm1 =	veq.s32 v6, v5;
	v6 =	vor.u32 s22, v3;
	(v2sf) =	vpush v10, $0xF;
	v10 =	vld [tilespmem:s31+$0x10]  }
0x2a2: {  	s20 =	simm.s32 $0x40;
	(xrf0) =	vmin.scan.msk.u32 $0xffff, v7;
	v6 =	vnsel vm1, $0x80001000, v6;
	vm1 =	veq.s32 v8, v5;
	v8 =	vld [tilespmem:s23+$0xFFFFFFE0]  }
0x2a3: {  	s24 =	simm.s32 $0x50;
	v7 =	vor.u32 s20, v3  }
0x2a4: {  	s25 =	simm.s32 $0x60;
	(xrf0) =	vmin.scan.msk.u32 $0xffff, v6;
	v6 =	vnsel vm1, $0x80001000, v7;
	vm1 =	veq.s32 v9, v5;
	v7 =	vor.u32 s24, v3;
	v9 =	vld [tilespmem:s23+$0xFFFFFFF0]  }
0x2a5: {  	s26 =	simm.s32 $0x70;
	(xrf0) =	vmin.scan.msk.u32 $0xffff, v6;
	v6 =	vnsel vm1, $0x80001000, v7;
	vm1 =	veq.s32 v11, v5;
	v7 =	vor.u32 s25, v3  }
0x2a6: {  	s28 =	simm.s32 $0x80;
	(xrf0) =	vmin.scan.msk.u32 $0xffff, v6;
	v6 =	vnsel vm1, $0x80001000, v7;
	v7 =	vor.u32 s26, v3;
	vm1 =	veq.s32 v10, v5  }
0x2a7: {  	(xrf0) =	vmin.scan.msk.u32 $0xffff, v6;
	v6 =	vld [tilespmem:s23+$0x0];
	v7 =	vnsel vm1, $0x80001000, v7;
	vm1 =	veq.s32 v8, v5;
	v8 =	vor.u32 s28, v3  }
0x2a8: {  	s29 =	simm.s32 $0x90;
	v10, _, _ =	vpop (xrf0);
	(xrf0) =	vmin.scan.msk.u32 $0xffff, v7;
	v7 =	vnsel vm1, $0x80001000, v8;
	v8 =	vld [tilespmem:s23+$0x10]  }
0x2a9: {  	vm1 =	veq.s32 v9, v5;
	v9 =	vor.u32 s29, v3  }
0x2aa: {  	(v2sf) =	vpush v10, $0xF;
	v10, _, _ =	vpop (xrf0);
	(xrf0) =	vmin.scan.msk.u32 $0xffff, v7;
	v9 =	vnsel vm1, $0x80001000, v9  }
0x2ab: {  	s30 =	simm.s32 $0xA0;
	(v2sf) =	vpush v10, $0xF;
	v10, _, _ =	vpop (xrf0);
	(xrf0) =	vmin.scan.msk.u32 $0xffff, v9  }
0x2ac: {  	s31 =	simm.s32 $0xB0;
	(v2sf) =	vpush v10, $0xF;
	vm1 =	veq.s32 v6, v5;
	v6 =	vor.u32 s30, v3  }
0x2ad: {  	v6 =	vnsel vm1, $0x80001000, v6;
	v9, _, _ =	vpop (xrf0);
	vm1 =	veq.s32 v8, v5;
	v8 =	vor.u32 s31, v3  }
0x2ae: {  	(v2sf) =	vpush v9, $0xF;
	v9, _, _ =	vpop (xrf0);
	v11 =	vnsel vm1, $0x80001000, v8  }
0x2af: {  	(v2sf) =	vpush v9, $0xF;
	v9, _, _ =	vpop (xrf0)  }
0x2b0: {  	s21 =	simm.s32 $0x10E0;
	(xrf0) =	vmin.scan.msk.u32 $0xffff, v6;
	s22 =	spop (v2sf);
	(v2sf) =	vpush v9, $0xF;
	v6, _, _ =	vpop (xrf0)  }
0x2b1: {  	v7 =	vld [tilespmem:s21+$0xFFFFFFE0];
	(xrf0) =	vmin.scan.msk.u32 $0xffff, v11;
	(v2sf) =	vpush v6, $0xF;
	v11, _, _ =	vpop (xrf0)  }
0x2b2: {  	v10 =	vld [tilespmem:s21+$0xFFFFFFF0];
	s25 =	spop (v2sf);
	(v2sf) =	vpush v11, $0xF;
	_ =	sdelay $0x1  }
0x2b3: {  	v8 =	vld [tilespmem:s21+$0x0]  }
0x2b4: {  	s19 =	simm.s32 $0x1120;
	s20 =	simm.s32 $0xC0  }
0x2b5: {  	s18 =	simm.s32 $0x100;
	s24 =	simm.s32 $0xD0;
	vm2 =	veq.s32 v7, v5;
	v7 =	vor.u32 s20, v3;
	s22 =	sxor.u32 $0x80000000, s22  }
0x2b6: {  	s23 =	simm.s32 $0x1000;
	vm1 =	veq.s32 v10, v5;
	v10 =	vor.u32 s24, v3;
	s24 =	simm.s32 $0xE0;
	v9 =	vnsel vm2, $0x80001000, v7;
	v7 =	vld [tilespmem:s21+$0x10];
	p0 =	sgt.s32 s22, $0x1000  }
0x2b7: {  	s21 =	simm.s32 $0x140;
	v6 =	vld [tilespmem:s19+$0xFFFFFFE0];
	(xrf0) =	vmin.scan.msk.u32 $0xffff, v9;
	v9 =	vnsel vm1, $0x80001000, v10;
	s22 =	smov.u32 @p0 s23;
	s23 =	sxor.u32 $0x80000000, s25  }
.LBB2_25:
0x2b8: {  	p0 =	sne.s32 s21, $0xFC0;
	vm1 =	veq.s32 v8, v5;
	v8 =	vor.u32 s24, v3;
	p1 =	slt.s32 s22, s23;
	s24 =	spop (v2sf)  }
0x2b9: {  	(xrf0) =	vmin.scan.msk.u32 $0xffff, v9;
	v9, _, _ =	vpop (xrf0);
	s25 =	smov.u32 s19;
	s26 =	smov.u32 s18;
	s18 =	smov.u32 s21  }
0x2ba: {  	s20 =	sadd.s32 $0x30, s20;
	v10 =	vld [tilespmem:s19+$0xFFFFFFF0];
	v8 =	vnsel vm1, $0x80001000, v8;
	(v2sf) =	vpush v9, $0xF;
	s23 =	smov.u32 @p1 s22;
	s24 =	sxor.u32 $0x80000000, s24  }
0x2bb: {  	vm1 =	veq.s32 v7, v5;
	v7 =	vor.u32 s20, v3;
	(xrf0) =	vmin.scan.msk.u32 $0xffff, v8;
	v9, _, _ =	vpop (xrf0);
	p1 =	slt.s32 s23, s24;
	s22 =	spop (v2sf);
	s20 =	smov.u32 s26  }
.Ltmp13:
0x2bc: {  	v8 =	vld [tilespmem:s19+$0x0];
	v7 =	vnsel vm1, $0x80001000, v7;
	(v2sf) =	vpush v9, $0xF;
	s24 =	smov.u32 @p1 s23;
	s23 =	sxor.u32 $0x80000000, s22;
	(pc) =	sbr.rel @p0 .LBB2_25-.Ltmp13, $4  }
0x2bd: {  	s19 =	sadd.s32 $0x40, s19;
	vm1 =	veq.s32 v6, v5;
	v6 =	vor.u32 s20, v3;
	v9, _, _ =	vpop (xrf0);
	(xrf0) =	vmin.scan.msk.u32 $0xffff, v7;
	s22 =	spop (v2sf);
	p1 =	slt.s32 s24, s23  }
0x2be: {  	s26 =	sadd.s32 $0x10, s20;
	v6 =	vnsel vm1, $0x80001000, v6;
	v7 =	vld [tilespmem:s25+$0x10];
	(v2sf) =	vpush v9, $0xF;
	s22 =	sxor.u32 $0x80000000, s22;
	s23 =	smov.u32 @p1 s24  }
0x2bf: {  	v9 =	vor.u32 s26, v3;
	s24 =	sadd.s32 $0x20, s20;
	vm1 =	veq.s32 v10, v5;
	(xrf0) =	vmin.scan.msk.u32 $0xffff, v6;
	v10, _, _ =	vpop (xrf0);
	p1 =	slt.s32 s23, s22;
	s25 =	spop (v2sf)  }
0x2c0: {  	s21 =	sadd.s32 $0x40, s21;
	v6 =	vld [tilespmem:s19+$0xFFFFFFE0];
	v9 =	vnsel vm1, $0x80001000, v9;
	(v2sf) =	vpush v10, $0xF;
	s22 =	smov.u32 @p1 s23;
	s23 =	sxor.u32 $0x80000000, s25  }
0x2c1: {  	_ = 	snop  }
0x2c2: {  	vm1 =	veq.s32 v8, v5;
	v8 =	vor.u32 s24, v3  }
0x2c3: {  	(xrf0) =	vmin.scan.msk.u32 $0xffff, v9;
	v62, _, _ =	vpop (xrf0);
	v10 =	vld [tilespmem:s19+$0xFFFFFFF0];
	s20 =	sadd.s32 $0x30, s20;
	v8 =	vnsel vm1, $0x80001000, v8  }
0x2c4: {  	p0 =	slt.s32 s22, s23;
	s21 =	spop (v2sf);
	(v2sf) =	vpush v62, $0xF;
	vm1 =	veq.s32 v7, v5;
	v7 =	vor.u32 s20, v3  }
0x2c5: {  	v63 =	vld [tilespmem:s19+$0x0];
	s23 =	smov.u32 @p0 s22;
	s21 =	sxor.u32 $0x80000000, s21;
	v7 =	vnsel vm1, $0x80001000, v7;
	vm1 =	veq.s32 v6, v5;
	v6 =	vor.u32 s18, v3  }
0x2c6: {  	s29 =	spop (v2sf);
	(xrf0) =	vmin.scan.msk.u32 $0xffff, v8;
	p0 =	slt.s32 s23, s21;
	v8, _, _ =	vpop (xrf0);
	v6 =	vnsel vm1, $0x80001000, v6  }
0x2c7: {  	s31 =	sadd.s32 $0x10, s18;
	s20 =	sxor.u32 $0x80000000, s29;
	s21 =	smov.u32 @p0 s23;
	(v2sf) =	vpush v8, $0xF;
	v8, _, _ =	vpop (xrf0)  }
0x2c8: {  	s30 =	spop (v2sf);
	p0 =	slt.s32 s21, s20;
	(xrf0) =	vmin.scan.msk.u32 $0xffff, v7;
	vm1 =	veq.s32 v10, v5;
	(v2sf) =	vpush v8, $0xF;
	v8 =	vor.u32 s31, v3  }
0x2c9: {  	s25 =	sadd.s32 $0x20, s18;
	v7 =	vld [tilespmem:s19+$0x10];
	s19 =	sxor.u32 $0x80000000, s30;
	s20 =	smov.u32 @p0 s21;
	(xrf0) =	vmin.scan.msk.u32 $0xffff, v6;
	v8 =	vnsel vm1, $0x80001000, v8;
	v6, _, _ =	vpop (xrf0)  }
0x2ca: {  	s24 =	spop (v2sf);
	p0 =	slt.s32 s20, s19;
	vm1 =	veq.s32 v63, v5;
	(v2sf) =	vpush v6, $0xF;
	v6 =	vor.u32 s25, v3  }
0x2cb: {  	s19 =	smov.u32 @p0 s20;
	s20 =	sxor.u32 $0x80000000, s24;
	v6 =	vnsel vm1, $0x80001000, v6  }
0x2cc: {  	(xrf0) =	vmin.scan.msk.u32 $0xffff, v8;
	p0 =	slt.s32 s19, s20;
	s26 =	spop (v2sf);
	v8, _, _ =	vpop (xrf0)  }
0x2cd: {  	s28 =	sadd.s32 $0x30, s18;
	s20 =	smov.u32 @p0 s19;
	s19 =	sxor.u32 $0x80000000, s26;
	(v2sf) =	vpush v8, $0xF  }
0x2ce: {  	vm1 =	veq.s32 v7, v5;
	v7 =	vor.u32 s28, v3;
	p0 =	slt.s32 s20, s19;
	s29 =	spop (v2sf);
	(xrf0) =	vmin.scan.msk.u32 $0xffff, v6;
	v6, _, _ =	vpop (xrf0)  }
0x2cf: {  	v7 =	vnsel vm1, $0x80001000, v7;
	s19 =	smov.u32 @p0 s20;
	s18 =	sxor.u32 $0x80000000, s29;
	(v2sf) =	vpush v6, $0xF  }
0x2d0: {  	s30 =	spop (v2sf);
	p0 =	slt.s32 s19, s18;
	(xrf0) =	vmin.scan.msk.u32 $0xffff, v7;
	v6, _, _ =	vpop (xrf0)  }
0x2d1: {  	s20 =	sxor.u32 $0x80000000, s30;
	s18 =	smov.u32 @p0 s19;
	(v2sf) =	vpush v6, $0xF  }
0x2d2: {  	p0 =	slt.s32 s18, s20;
	s31 =	spop (v2sf);
	v6, _, _ =	vpop (xrf0)  }
0x2d3: {  	s20 =	smov.u32 @p0 s18;
	s18 =	sxor.u32 $0x80000000, s31;
	(v2sf) =	vpush v6, $0xF  }
0x2d4: {  	p0 =	slt.s32 s20, s18;
	s21 =	spop (v2sf);
	v6, _, _ =	vpop (xrf0)  }
0x2d5: {  	s18 =	smov.u32 @p0 s20;
	s19 =	sxor.u32 $0x80000000, s21;
	(v2sf) =	vpush v6, $0xF  }
0x2d6: {  	p0 =	slt.s32 s18, s19;
	v6, _, _ =	vpop (xrf0);
	s22 =	spop (v2sf)  }
0x2d7: {  	s19 =	smov.u32 @p0 s18;
	(v2sf) =	vpush v6, $0xF;
	s18 =	sxor.u32 $0x80000000, s22  }
0x2d8: {  	s23 =	spop (v2sf);
	p0 =	slt.s32 s19, s18  }
0x2d9: {  	s20 =	sxor.u32 $0x80000000, s23;
	s18 =	smov.u32 @p0 s19  }
0x2da: {  	p0 =	slt.s32 s18, s20;
	s24 =	spop (v2sf)  }
0x2db: {  	s20 =	smov.u32 @p0 s18;
	s18 =	sxor.u32 $0x80000000, s24  }
0x2dc: {  	p0 =	slt.s32 s20, s18;
	s25 =	spop (v2sf)  }
0x2dd: {  	s18 =	smov.u32 @p0 s20;
	s19 =	sxor.u32 $0x80000000, s25  }
0x2de: {  	p0 =	slt.s32 s18, s19;
	s26 =	spop (v2sf)  }
0x2df: {  	s19 =	smov.u32 @p0 s18;
	s18 =	sxor.u32 $0x80000000, s26  }
0x2e0: {  	s28 =	spop (v2sf);
	p0 =	slt.s32 s19, s18  }
0x2e1: {  	s20 =	sxor.u32 $0x80000000, s28;
	s18 =	smov.u32 @p0 s19  }
0x2e2: {  	s29 =	spop (v2sf);
	p0 =	slt.s32 s18, s20  }
0x2e3: {  	s20 =	smov.u32 @p0 s18;
	s18 =	sxor.u32 $0x80000000, s29  }
0x2e4: {  	s30 =	spop (v2sf);
	p0 =	slt.s32 s20, s18  }
0x2e5: {  	s19 =	sxor.u32 $0x80000000, s30;
	s18 =	smov.u32 @p0 s20  }
0x2e6: {  	s31 =	spop (v2sf);
	p0 =	slt.s32 s18, s19  }
0x2e7: {  	s19 =	smov.u32 @p0 s18;
	s18 =	sxor.u32 $0x80000000, s31  }
0x2e8: {  	p0 =	slt.s32 s19, s18  }
0x2e9: {  	s18 =	smov.u32 @p0 s19  }
0x2ea: {  	v6 =	vmov s18  }
0x2eb: {  	[tilespmem:$0x3000] =	vst v6  }
.LBB2_27:
0x2ec: {  	s18 =	simm.s32 $0x1010  }
0x2ed: {  	v11 =	vld [tilespmem:s18+$0x0];
	_ =	sdelay $0x1  }
0x2ee: {  	v7 =	vld [tilespmem:s18+$0xFFFFFFF0];
	_ =	sdelay $0x2  }
0x2ef: {  	v8 =	vmul.u32 $0x9E3779B9, v11;
	_ =	sdelay $0x1  }
0x2f0: {  	s29 =	simm.s32 $0x1030;
	v9 =	vmul.u32 $0x9E3779B9, v7;
	v10 =	vshrl.u32 v8, $0x10  }
0x2f1: {  	v12 =	vld [tilespmem:s29+$0xFFFFFFF0]  }
0x2f2: {  	v8 =	vld [tilespmem:s29+$0x0];
	v9 =	vshrl.u32 v9, $0x10;
	_ =	sdelay $0x2  }
0x2f3: {  	s30 =	simm.s32 $0x1050;
	v13 =	vld.idx.msk [tilespmem:v10+s11+$0x0], $0xffff  }
0x2f4: {  	v19 =	vmul.u32 $0x85EBCA6B, v7;
	vm1 =	vgt.s32 v7, v5;
	v7 =	vld [tilespmem:s30+$0x0]  }
0x2f5: {  	v14 =	vmul.u32 $0x9E3779B9, v12;
	v10 =	vmul.u32 $0x9E3779B9, v8;
	v18 =	vld.idx.msk [tilespmem:v9+s11+$0x0], $0xffff  }
0x2f6: {  	vm2 =	vgt.s32 v12, v5;
	vm1 =	vmmov vm1  }
0x2f7: {  	s19 =	simm.s32 $0x10;
	v20 =	vshrl.u32 v14, $0x10;
	v14 =	vmul.u32 $0x85EBCA6B, v11;
	v16 =	vshrl.u32 v10, $0x10;
	v10 =	vld [tilespmem:s30+$0xFFFFFFF0]  }
0x2f8: {  	v9 =	vmul.u32 $0x85EBCA6B, v12;
	v12 =	vor.u32 s19, v2;
	v17 =	vand.u32 $0xFFF, v13  }
0x2f9: {  	v21 =	vmul.u32 $0x9E3779B9, v7;
	v13 =	vxor.u32 v14, v13;
	vm3 =	vlt.s32 v12, v17  }
0x2fa: {  	s31 =	simm.s32 $0x0;
	v15 =	vand.u32 $0xFFF, v18;
	vm4 =	vlt.u32 v13, $0x1000;
	v13 =	vsel vm3, v12, v17  }
0x2fb: {  	v14 =	vor.u32 s31, v2;
	vm3 =	vgt.s32 v11, v5;
	v22 =	vsel vm4, v13, v12  }
0x2fc: {  	s18 =	simm.s32 $0x14210;
	v18 =	vxor.u32 v19, v18;
	v17 =	vmul.u32 $0x9E3779B9, v10;
	v13 =	vld.idx.msk [tilespmem:v16+s11+$0x0], $0xffff;
	v22 =	vsel vm3, v22, v6  }
0x2fd: {  	s20 =	simm.s32 $0x4;
	s21 =	simm.s32 $0x1070;
	v11 =	vld.idx.msk [tilespmem:v20+s11+$0x0], $0xffff;
	v12 =	vmul.u32 $0x85EBCA6B, v10;
	v16 =	vshrl.u32 v21, $0x10;
	vm3 =	vlt.s32 v14, v15;
	[tilespmem:s18+$0x0] =	vst v22  }
.LBB2_28:
0x2fe: {  	v17 =	vshrl.u32 v17, $0x10;
	vm4 =	vlt.u32 v18, $0x1000  }
0x2ff: {  	v19 =	vld [tilespmem:s21+$0x0];
	s20 =	sadd.s32 $0x2, s20;
	v15 =	vsel vm3, v14, v15;
	v20 =	vmovc v12;
	vm3 =	vmmov vm1;
	vm1 =	vmmov vm2  }
0x300: {  	vm2 =	vgt.s32 v10, v5;
	v12 =	vmul.u32 $0x85EBCA6B, v8;
	s19 =	sadd.s32 $0x20, s19;
	p0 =	slt.u32 s20, $0xFE;
	v10 =	vld [tilespmem:s21+$0xFFFFFFF0];
	v14 =	vsel vm4, v15, v14  }
0x301: {  	s22 =	sadd.s32 $0xFFFFFFF0, s19;
	v18 =	vor.u32 s19, v2;
	v21 =	vand.u32 $0xFFF, v13;
	v14 =	vsel vm3, v14, v6  }
.Ltmp14:
0x302: {  	v15 =	vand.u32 $0xFFF, v11;
	v12 =	vxor.u32 v12, v13;
	vm3 =	vlt.s32 v18, v21;
	v22 =	vmovc v11;
	[tilespmem:s18+$0xFFFFFFF0] =	vst v14;
	(pc) =	sbr.rel @p0 .LBB2_28-.Ltmp14, $4  }
0x303: {  	v14 =	vor.u32 s22, v2;
	vm4 =	vlt.u32 v12, $0x1000;
	v12 =	vsel vm3, v18, v21;
	v13 =	vld.idx.msk [tilespmem:v16+s11+$0x0], $0xffff  }
0x304: {  	vm3 =	vgt.s32 v8, v5;
	v8 =	vmovc v7;
	v18 =	vsel vm4, v12, v18;
	v16 =	vmul.u32 $0x9E3779B9, v19;
	v11 =	vld.idx.msk [tilespmem:v17+s11+$0x0], $0xffff  }
0x305: {  	s18 =	sadd.s32 $0x20, s18;
	v21 =	vsel vm3, v18, v6;
	v7 =	vmovc v19;
	v17 =	vmul.u32 $0x9E3779B9, v10;
	v12 =	vmul.u32 $0x85EBCA6B, v10  }
0x306: {  	s21 =	sadd.s32 $0x20, s21;
	v18 =	vxor.u32 v9, v22;
	vm3 =	vlt.s32 v14, v15;
	v9 =	vmovc v20;
	v16 =	vshrl.u32 v16, $0x10;
	[tilespmem:s18+$0x0] =	vst v21  }
0x307: {  	v17 =	vshrl.u32 v17, $0x10  }
0x308: {  	vm4 =	vlt.u32 v18, $0x1000;
	v15 =	vsel vm3, v14, v15;
	vm1 =	vmmov vm1  }
0x309: {  	vm2 =	vmmov vm2;
	vm3 =	vgt.s32 v10, v5;
	v50 =	vmul.u32 $0x85EBCA6B, v8;
	s19 =	sadd.s32 $0x20, s19  }
0x30a: {  	v57 =	vmul.u32 $0x85EBCA6B, v7;
	v14 =	vsel vm4, v15, v14;
	v51 =	vor.u32 s19, v2  }
0x30b: {  	v16 =	vld.idx.msk [tilespmem:v16+s11+$0x0], $0xffff;
	v52 =	vand.u32 $0xFFF, v13;
	s20 =	sadd.s32 $0xFFFFFFF0, s19;
	v14 =	vsel vm1, v14, v6;
	v10 =	vxor.u32 v50, v13  }
0x30c: {  	vm1 =	vlt.s32 v51, v52;
	v53 =	vand.u32 $0xFFF, v11;
	v55 =	vor.u32 s20, v2  }
0x30d: {  	s19 =	sadd.s32 $0x20, s19;
	v9 =	vxor.u32 v9, v11;
	vm13 =	vlt.u32 v10, $0x1000;
	v54 =	vsel vm1, v51, v52  }
0x30e: {  	v58 =	vor.u32 s19, v2;
	vm1 =	vgt.s32 v8, v5;
	v10 =	vsel vm13, v54, v51;
	v17 =	vld.idx.msk [tilespmem:v17+s11+$0x0], $0xffff  }
0x30f: {  	s19 =	sadd.s32 $0xFFFFFFF0, s19;
	vm14 =	vlt.u32 v9, $0x1000;
	v8 =	vsel vm1, v10, v6;
	vm1 =	vlt.s32 v55, v53  }
0x310: {  	v61 =	vor.u32 s19, v2;
	v59 =	vand.u32 $0xFFF, v16;
	v56 =	vsel vm1, v55, v53  }
0x311: {  	v10 =	vxor.u32 v57, v16;
	vm1 =	vmmov vm2;
	v9 =	vsel vm14, v56, v55  }
0x312: {  	vm2 =	vmmov vm3;
	v9 =	vsel vm1, v9, v6;
	vm1 =	vlt.s32 v58, v59  }
0x313: {  	vm3 =	vlt.u32 v10, $0x1000;
	v62 =	vsel vm1, v58, v59;
	v60 =	vand.u32 $0xFFF, v17  }
0x314: {  	s31 =	sadd.s32 $0x20, s18;
	[tilespmem:s18+$0xFFFFFFF0] =	vst v14;
	v10 =	vsel vm3, v62, v58;
	v63 =	vxor.u32 v12, v17;
	vm1 =	vlt.s32 v61, v60  }
0x315: {  	[tilespmem:s31+$0x0] =	vst v8;
	vm3 =	vgt.s32 v7, v5;
	vm15 =	vlt.u32 v63, $0x1000;
	v5 =	vsel vm1, v61, v60  }
0x316: {  	s17 =	sadd.s32 $0x1, s17;
	s18 =	sadd.s32 $0x20, s31;
	[tilespmem:s31+$0xFFFFFFF0] =	vst v9;
	v7 =	vsel vm3, v10, v6;
	vm1 =	vmmov vm2;
	v5 =	vsel vm15, v5, v61  }
0x317: {  	p0 =	sne.s32 s17, s5;
	[tilespmem:s18+$0x0] =	vst v7;
	v5 =	vsel vm1, v5, v6  }
.Ltmp15:
0x318: {  	[tilespmem:s18+$0xFFFFFFF0] =	vst v5;
	(pc) =	sbr.rel @p0 .LBB2_2-.Ltmp15, $4  }
0x319: {  	[hbm4b:s3+s6] =	stream.strided.scatter [tilespmem:s15], [sflag:$0x2], $0x1000, s7, s6, $0x38;
	[tilespmem:$0x15200] =	vst v63  }
0x31a: {  	_ =	swait.ge [sflag:s16], $0x1000  }
0x31b: {  	[sflag:s16] =	ssyncset.done $0x0  }
0x31c: {  	[sflag:s16] =	ssyncadd.s32 $0xFFFFF000  }
.LBB2_30:
0x31d: {  	_ =	sfence.sel $0x180000  }
0x31e: {  	[bflag:$0x0] =	sbarrier.arrive $0xFFFF  }
0x31f: {  	p0 =	sne.s32 s1, $0x0;
	_ =	strace $0x90000047  }
0x320: {  	s0 =	sadd.s32 @!p0 $0x100000, s0;
	[bflag:$0x2] =	sbarrier.arrive $0xFFFF  }
0x321: {  	[sflag:s0] =	ssyncadd.tile.s32 @!p0 $0x1;
	_ =	shalt  }
.Lfunc_end2:
_tile_overlayer_lowered:
.L_overlay_start_2:
0x322: {  	(tag) =	ssettag $0x2  }
0x323: {  	s0 =	rddreg [dreg:$0x0];
	s2 =	stileid.u32  }
0x324: {  	s1 =	rddreg [dreg:$0x1];
	p0 =	sne.s32 s2, $0x0  }
0x325: {  	s3 =	rddreg [dreg:$0x2];
	[bflag:$0x3] =	sbarrier.arrive $0xFFFF;
	s2 =	simm.s32 @!p0 $0x1C02  }
0x326: {  	[timem:s3], [sflag:s2] =	dma.local @!p0 [hbm:s0], s1  }
0x327: {  	s0 =	simm.s32 @!p0 $0x2  }
0x328: {  	_ =	swait.ge @!p0 [sflag:s0], s1  }
0x329: {  	s1 =	ssub.s32 @!p0 $0x0, s1;
	[sflag:s0] =	ssyncset.done @!p0 $0x0  }
0x32a: {  	[sflag:s0] =	ssyncadd.s32 @!p0 s1  }
0x32b: {  	[bflag:$0x3] =	sbarrier.arrive $0xFFFF  }
0x32c: {  	_ =	shalt  }

</sc_bundles>
